<compile_context>
chip_gen: v7x
topology: tpu7x:2x2x1
jax: 0.10.2.dev20260603
libtpu: 0.0.44.dev20260713+nightly
codegen_flags: <defaults>
</compile_context>

<pallas_src>
import functools

import jax
import jax.numpy as jnp
from jax import lax
from jax.experimental import pallas as pl
from jax.experimental.pallas import tpu as pltpu
from jax.experimental.pallas import tpu_sc as plsc

N = 10000
D = 128
E = 320000
NC = 2
NS = 16
NW = NC * NS
EPT = E // NW
CHUNK = 125
NCH = EPT // CHUNK
SEG = 40
NSEG = NCH // SEG
RPT = 640
RPT_LAST = N - RPT * (NS - 1)



def _deg_body(dst_hbm, z16_hbm, out_hbm, idx_v, ones_v, tab_sh):
    c = lax.axis_index("c")
    s = lax.axis_index("s")
    one16 = jnp.ones((16,), jnp.float32)

    def fill_ones(i, carry):
        ones_v[i, :] = one16
        return carry

    lax.fori_loop(0, CHUNK, fill_ones, 0)

    @pl.when(s < NS - 1)
    def _():
        pltpu.sync_copy(z16_hbm.at[pl.ds(s * RPT, RPT)],
                        tab_sh.at[pl.ds(s * RPT, RPT)])

    @pl.when(s == NS - 1)
    def _():
        pltpu.sync_copy(z16_hbm.at[pl.ds(N - RPT_LAST, RPT_LAST)],
                        tab_sh.at[pl.ds(N - RPT_LAST, RPT_LAST)])

    plsc.subcore_barrier()

    tb = (c * NS + s) * NCH
    pltpu.sync_copy(dst_hbm.at[pl.ds(tb, NCH)], idx_v)

    def step(j, carry):
        pltpu.sync_copy(ones_v, tab_sh.at[idx_v.at[j]], add=True)
        return carry

    lax.fori_loop(0, NCH, step, 0)
    plsc.subcore_barrier()

    @pl.when(s < NS - 1)
    def _():
        pltpu.sync_copy(tab_sh.at[pl.ds(s * RPT, RPT)],
                        out_hbm.at[c, pl.ds(s * RPT, RPT)])

    @pl.when(s == NS - 1)
    def _():
        pltpu.sync_copy(tab_sh.at[pl.ds(N - RPT_LAST, RPT_LAST)],
                        out_hbm.at[c, pl.ds(N - RPT_LAST, RPT_LAST)])


@functools.cache
def _deg_call():
    mesh = plsc.VectorSubcoreMesh(
        core_axis_name="c", subcore_axis_name="s",
        num_cores=NC, num_subcores=NS)
    return pl.kernel(
        _deg_body,
        out_type=jax.ShapeDtypeStruct((NC, N, 16), jnp.float32),
        mesh=mesh,
        scratch_types=[
            pltpu.VMEM((NCH, CHUNK), jnp.int32),
            pltpu.VMEM((CHUNK, 16), jnp.float32),
            pltpu.VMEM_SHARED((N, 16), jnp.float32),
        ],
    )



def _edge_body(g_hbm, src_hbm, dst_hbm, z128_hbm, out_hbm,
               srcs_v, dsts_v, rows_a, acc_sh, sem_a):
    c = lax.axis_index("c")
    s = lax.axis_index("s")

    @pl.when((c == 0) & (s < NS - 1))
    def _():
        pltpu.sync_copy(g_hbm.at[pl.ds(s * RPT, RPT)],
                        acc_sh.at[pl.ds(s * RPT, RPT)])

    @pl.when((c == 0) & (s == NS - 1))
    def _():
        pltpu.sync_copy(g_hbm.at[pl.ds(N - RPT_LAST, RPT_LAST)],
                        acc_sh.at[pl.ds(N - RPT_LAST, RPT_LAST)])

    @pl.when((c == 1) & (s < NS - 1))
    def _():
        pltpu.sync_copy(z128_hbm.at[pl.ds(s * RPT, RPT)],
                        acc_sh.at[pl.ds(s * RPT, RPT)])

    @pl.when((c == 1) & (s == NS - 1))
    def _():
        pltpu.sync_copy(z128_hbm.at[pl.ds(N - RPT_LAST, RPT_LAST)],
                        acc_sh.at[pl.ds(N - RPT_LAST, RPT_LAST)])

    plsc.subcore_barrier()

    tb = (c * NS + s) * NCH
    pltpu.sync_copy(src_hbm.at[pl.ds(tb, NCH)], srcs_v)
    pltpu.sync_copy(dst_hbm.at[pl.ds(tb, NCH)], dsts_v)

    def step(j, carry):
        pltpu.async_copy(g_hbm.at[srcs_v.at[j]], rows_a, sem_a).wait()
        pltpu.sync_copy(rows_a, acc_sh.at[dsts_v.at[j]], add=True)
        return carry

    lax.fori_loop(0, NCH, step, 0)
    plsc.subcore_barrier()

    @pl.when(s < NS - 1)
    def _():
        pltpu.sync_copy(acc_sh.at[pl.ds(s * RPT, RPT)],
                        out_hbm.at[c, pl.ds(s * RPT, RPT)])

    @pl.when(s == NS - 1)
    def _():
        pltpu.sync_copy(acc_sh.at[pl.ds(N - RPT_LAST, RPT_LAST)],
                        out_hbm.at[c, pl.ds(N - RPT_LAST, RPT_LAST)])


@functools.cache
def _edge_call():
    mesh = plsc.VectorSubcoreMesh(
        core_axis_name="c", subcore_axis_name="s",
        num_cores=NC, num_subcores=NS)
    return pl.kernel(
        _edge_body,
        out_type=jax.ShapeDtypeStruct((NC, N, D), jnp.float32),
        mesh=mesh,
        scratch_types=[
            pltpu.VMEM((NCH, CHUNK), jnp.int32),
            pltpu.VMEM((NCH, CHUNK), jnp.int32),
            pltpu.VMEM((CHUNK, D), jnp.float32),
            pltpu.VMEM_SHARED((N, D), jnp.float32),
            pltpu.SemaphoreType.DMA,
        ],
    )


B = 2000
G = N // B


def _h0_tc(x_ref, w0t_ref, h0_ref):
    h0_ref[...] = jnp.dot(
        x_ref[...], w0t_ref[...], preferred_element_type=jnp.float32)


_h0_call = pl.pallas_call(
    _h0_tc,
    grid=(G,),
    in_specs=[
        pl.BlockSpec((B, D), lambda i: (i, 0)),
        pl.BlockSpec((D, D), lambda i: (0, 0)),
    ],
    out_specs=pl.BlockSpec((B, D), lambda i: (i, 0)),
    out_shape=jax.ShapeDtypeStruct((N, D), jnp.float32),
)


def _init_tc(deg_ref, h0_ref, g0_ref, dinv_ref):
    deg = deg_ref[0, :, 0] + deg_ref[1, :, 0] + 1.0
    dinv = lax.rsqrt(deg)
    g0_ref[...] = h0_ref[...] * dinv[:, None]
    dinv_ref[...] = dinv[:, None]


_init_call = pl.pallas_call(
    _init_tc,
    grid=(G,),
    in_specs=[
        pl.BlockSpec((NC, B, 16), lambda i: (0, i, 0)),
        pl.BlockSpec((B, D), lambda i: (i, 0)),
    ],
    out_specs=[
        pl.BlockSpec((B, D), lambda i: (i, 0)),
        pl.BlockSpec((B, 1), lambda i: (i, 0)),
    ],
    out_shape=[
        jax.ShapeDtypeStruct((N, D), jnp.float32),
        jax.ShapeDtypeStruct((N, 1), jnp.float32),
    ],
)


def _mid_tc(acc_ref, dinv_ref, b_ref, wt_ref, out_ref):
    dinv = dinv_ref[...]
    t = (acc_ref[0] + acc_ref[1]) * dinv + b_ref[...]
    t = jnp.maximum(t, 0.0)
    out_ref[...] = jnp.dot(
        t, wt_ref[...], preferred_element_type=jnp.float32) * dinv


_mid_call = pl.pallas_call(
    _mid_tc,
    grid=(G,),
    in_specs=[
        pl.BlockSpec((NC, B, D), lambda i: (0, i, 0)),
        pl.BlockSpec((B, 1), lambda i: (i, 0)),
        pl.BlockSpec((1, D), lambda i: (0, 0)),
        pl.BlockSpec((D, D), lambda i: (0, 0)),
    ],
    out_specs=pl.BlockSpec((B, D), lambda i: (i, 0)),
    out_shape=jax.ShapeDtypeStruct((N, D), jnp.float32),
)


def _final_tc(acc_ref, dinv_ref, b3_ref, wvt_ref, bv_ref, wot_ref,
              bo_ref, f0t_ref, fb0_ref, f1t_ref, fb1_ref, f2t_ref, fb2_ref,
              v0t_ref, vb0_ref, v1t_ref, vb1_ref, w_ref, vd_ref):
    dinv = dinv_ref[...]
    h4 = (acc_ref[0] + acc_ref[1]) * dinv + b3_ref[...]
    dot = functools.partial(jnp.dot, preferred_element_type=jnp.float32)
    v = dot(h4, wvt_ref[...]) + bv_ref[...]
    x_att = dot(v, wot_ref[...]) + bo_ref[...]
    w1 = jnp.maximum(dot(x_att, f0t_ref[...]) + fb0_ref[...], 0.0)
    w2 = jnp.maximum(dot(w1, f1t_ref[...]) + fb1_ref[...], 0.0)
    w_ref[...] = dot(w2, f2t_ref[...]) + fb2_ref[...]
    u = jnp.maximum(dot(x_att, v0t_ref[...]) + vb0_ref[...], 0.0)
    z = dot(u, v1t_ref[...]) + vb1_ref[...]
    vd_ref[...] = 1.0 / (1.0 + jnp.exp(-z))


def _full(shape):
    return pl.BlockSpec(shape, lambda i: tuple(0 for _ in shape))


_final_call = pl.pallas_call(
    _final_tc,
    grid=(G,),
    in_specs=[
        pl.BlockSpec((NC, B, D), lambda i: (0, i, 0)),
        pl.BlockSpec((B, 1), lambda i: (i, 0)),
        _full((1, D)),
        _full((D, D)),
        _full((1, D)),
        _full((D, D)),
        _full((1, D)),
        _full((D, 64)),
        _full((1, 64)),
        _full((64, 32)),
        _full((1, 32)),
        _full((32, 3)),
        _full((1, 3)),
        _full((D, 64)),
        _full((1, 64)),
        _full((64, 1)),
        _full((1, 1)),
    ],
    out_specs=[
        pl.BlockSpec((B, 3), lambda i: (i, 0)),
        pl.BlockSpec((B, 1), lambda i: (i, 0)),
    ],
    out_shape=[
        jax.ShapeDtypeStruct((N, 3), jnp.float32),
        jax.ShapeDtypeStruct((N, 1), jnp.float32),
    ],
)


def kernel(x, edge_index, batch, gcn_w0, gcn_b0, gcn_w1, gcn_b1, gcn_w2,
           gcn_b2, gcn_w3, gcn_b3, attn_in_w, attn_in_b, attn_out_w,
           attn_out_b, fc_w0, fc_b0, fc_w1, fc_b1, fc_w2, fc_b2, void_w0,
           void_b0, void_w1, void_b1):
    src2 = edge_index[0].reshape(E // CHUNK, CHUNK)
    dst2 = edge_index[1].reshape(E // CHUNK, CHUNK)
    z16 = jnp.zeros((N, 16), jnp.float32)
    z128 = jnp.zeros((N, D), jnp.float32)

    h0 = _h0_call(x, gcn_w0.T)
    degtab = _deg_call()(dst2, z16)
    g, dinv = _init_call(degtab, h0)

    for wt, b in ((gcn_w1, gcn_b0), (gcn_w2, gcn_b1), (gcn_w3, gcn_b2)):
        acc = _edge_call()(g, src2, dst2, z128)
        g = _mid_call(acc, dinv, b[None], wt.T)

    acc = _edge_call()(g, src2, dst2, z128)
    wv_t = attn_in_w[2 * D:3 * D].T
    bv = attn_in_b[2 * D:][None]
    w_out, vd = _final_call(
        acc, dinv, gcn_b3[None], wv_t, bv, attn_out_w.T, attn_out_b[None],
        fc_w0.T, fc_b0[None], fc_w1.T, fc_b1[None], fc_w2.T, fc_b2[None],
        void_w0.T, void_b0[None], void_w1.T, void_b1[None])
    return (w_out, vd)

# --- scband reference (transcript-rebuilt; emitter-appended) ---
"""Pipeline reference for scband-warpage-predictor-46377056862464 (READ-ONLY COPY).

The authoritative reference and input builder live on the scoring server;
editing this copy changes nothing except your own understanding.
"""

import jax, jax.numpy as jnp
import numpy as np

N = 10000
E = 320000
D_IN = 128
D_H = 128
HEADS = 8
HEAD_DIM = D_H // HEADS


def _glorot(key, shape):
    fan_in = shape[-1]
    return jax.random.normal(key, shape, dtype=jnp.float32) * (1.0 / np.sqrt(fan_in))


def setup_inputs(seed: int = 0):
    key = jax.random.key(seed)
    ks = jax.random.split(key, 40)
    inp = {}
    inp['x'] = jax.random.normal(ks[0], (N, D_IN), dtype=jnp.float32)
    inp['edge_index'] = jax.random.randint(ks[1], (2, E), 0, N, dtype=jnp.int32)
    inp['batch'] = jnp.zeros((N,), dtype=jnp.int32)
    dims = [(D_H, D_IN), (D_H, D_H), (D_H, D_H), (D_H, D_H)]
    for i, (o, ii) in enumerate(dims):
        inp['gcn_w%d' % i] = _glorot(ks[2 + 2 * i], (o, ii))
        inp['gcn_b%d' % i] = jnp.zeros((o,), dtype=jnp.float32)
    inp['attn_in_w'] = _glorot(ks[12], (3 * D_H, D_H))
    inp['attn_in_b'] = jnp.zeros((3 * D_H,), dtype=jnp.float32)
    inp['attn_out_w'] = _glorot(ks[13], (D_H, D_H))
    inp['attn_out_b'] = jnp.zeros((D_H,), dtype=jnp.float32)
    fdims = [(64, 128), (32, 64), (3, 32)]
    for i, (o, ii) in enumerate(fdims):
        inp['fc_w%d' % i] = _glorot(ks[14 + 2 * i], (o, ii))
        inp['fc_b%d' % i] = jnp.zeros((o,), dtype=jnp.float32)
    inp['void_w0'] = _glorot(ks[20], (64, 128))
    inp['void_b0'] = jnp.zeros((64,), dtype=jnp.float32)
    inp['void_w1'] = _glorot(ks[21], (1, 64))
    inp['void_b1'] = jnp.zeros((1,), dtype=jnp.float32)
    return inp


def _gcn_conv(h_in, src, dst, n, W, b):
    # PyG GCNConv: h = x @ W.T, symmetric normalization with self-loops (added by caller)
    h = h_in @ W.T
    deg = jnp.zeros((n,), dtype=h.dtype).at[dst].add(1.0)
    dinv = jnp.where(deg > 0, jax.lax.rsqrt(deg), 0.0)
    norm = dinv[src] * dinv[dst]
    msg = h[src] * norm[:, None]
    out = jnp.zeros_like(h).at[dst].add(msg)
    return out + b


def _forward(x, src, dst, gcn_w0, gcn_b0, gcn_w1, gcn_b1, gcn_w2, gcn_b2, gcn_w3, gcn_b3, attn_in_w, attn_in_b, attn_out_w, attn_out_b, fc_w0, fc_b0, fc_w1, fc_b1, fc_w2, fc_b2, void_w0, void_b0, void_w1, void_b1):
    n = x.shape[0]
    gws = [gcn_w0, gcn_w1, gcn_w2, gcn_w3]
    gbs = [gcn_b0, gcn_b1, gcn_b2, gcn_b3]
    h = x
    for i in range(4):
        h = _gcn_conv(h, src, dst, n, gws[i], gbs[i])
        if i < 3:
            h = jax.nn.relu(h)  # dropout is identity in eval
    # nn.MultiheadAttention with seq-first input x.unsqueeze(0): (L=1, B=N, E=D_H)
    qkv = h @ attn_in_w.T + attn_in_b
    q, k, v = jnp.split(qkv, 3, axis=-1)
    qh = q.reshape(n, HEADS, 1, HEAD_DIM)
    kh = k.reshape(n, HEADS, 1, HEAD_DIM)
    vh = v.reshape(n, HEADS, 1, HEAD_DIM)
    scores = jnp.einsum('nhqd,nhkd->nhqk', qh, kh) / np.sqrt(HEAD_DIM)
    attn = jax.nn.softmax(scores, axis=-1)
    ctx = jnp.einsum('nhqk,nhkd->nhqd', attn, vh).reshape(n, D_H)
    x_att = ctx @ attn_out_w.T + attn_out_b
    w = x_att
    fws = [fc_w0, fc_w1, fc_w2]
    fbs = [fc_b0, fc_b1, fc_b2]
    for i in range(3):
        w = w @ fws[i].T + fbs[i]
        if i < 2:
            w = jax.nn.relu(w)
    vd = jax.nn.relu(x_att @ void_w0.T + void_b0)
    vd = jax.nn.sigmoid(vd @ void_w1.T + void_b1)
    return (w, vd)


def reference(x, edge_index, batch, gcn_w0, gcn_b0, gcn_w1, gcn_b1, gcn_w2, gcn_b2, gcn_w3, gcn_b3, attn_in_w, attn_in_b, attn_out_w, attn_out_b, fc_w0, fc_b0, fc_w1, fc_b1, fc_w2, fc_b2, void_w0, void_b0, void_w1, void_b1):
    n = x.shape[0]
    loop = jnp.arange(n, dtype=edge_index.dtype)
    src = jnp.concatenate([edge_index[0], loop])
    dst = jnp.concatenate([edge_index[1], loop])
    return _forward(x, src, dst, gcn_w0, gcn_b0, gcn_w1, gcn_b1, gcn_w2, gcn_b2, gcn_w3, gcn_b3, attn_in_w, attn_in_b, attn_out_w, attn_out_b, fc_w0, fc_b0, fc_w1, fc_b1, fc_w2, fc_b2, void_w0, void_b0, void_w1, void_b1)

if __name__ == "__main__":
    import jax
    _d = setup_inputs()
    print(jax.jit(kernel)(*tuple(_d.values())))

</pallas_src>

<mosaic_0001>
#map = affine_map<(d0, d1) -> (0, 0)>
#map1 = affine_map<(d0, d1) -> (0, 0, 0)>
module attributes {stable_mosaic.version = 14 : i64} {
  func.func @_edge_body(%arg0: i32, %arg1: i32, %arg2: memref<10000x128xf32, #tpu.memory_space<hbm>>, %arg3: memref<2560x125xi32, #tpu.memory_space<hbm>>, %arg4: memref<2560x125xi32, #tpu.memory_space<hbm>>, %arg5: memref<10000x128xf32, #tpu.memory_space<hbm>>, %arg6: memref<2x10000x128xf32, #tpu.memory_space<hbm>>, %arg7: memref<80x125xi32, #tpu.memory_space<vmem>>, %arg8: memref<80x125xi32, #tpu.memory_space<vmem>>, %arg9: memref<125x128xf32, #tpu.memory_space<vmem>>, %arg10: memref<10000x128xf32, #tpu.memory_space<vmem_shared>>, %arg11: memref<!tpu.dma_semaphore, #tpu.memory_space<semaphore_mem>>) attributes {dimension_semantics = [#tpu.dimension_semantics<core_parallel>, #tpu.dimension_semantics<subcore_parallel>], iteration_bounds = array<i64: 2, 16>, scalar_prefetch = 0 : i64, scratch_operands = 5 : i64, tpu.core_type = #tpu.core_type<sc_vector_subcore>, window_params = [{transform_indices = #map}, {transform_indices = #map}, {transform_indices = #map}, {transform_indices = #map}, {transform_indices = #map1}]} {
    %eq3A = arith.constant 0 : i32
    %eq3A_0 = arith.cmpi eq, %arg0, %eq3A : i32
    %lt3A = arith.constant 15 : i32
    %lt3A_1 = arith.cmpi slt, %arg1, %lt3A : i32
    %and3A = arith.andi %eq3A_0, %lt3A_1 : i1
    %convert_element_type3A = arith.extui %and3A : i1 to i32
    %cond3A = arith.constant 0 : i32
    %cond3A_2 = arith.cmpi ne, %convert_element_type3A, %cond3A : i32
    scf.if %cond3A_2 {
      %mul3A_46 = arith.constant 640 : i32
      %mul3A_47 = arith.muli %arg1, %mul3A_46 : i32
      %mul3A_48 = arith.constant 640 : i32
      %mul3A_49 = arith.muli %arg1, %mul3A_48 : i32
      "tpu.region"() ({
        %run_scoped3A = tpu.sem_alloc : memref<!tpu.dma_semaphore, #tpu.memory_space<semaphore_mem>>
        %dma_start3A = arith.constant 0 : i32
        %dma_start3A_50 = tpu.memref_slice %arg10[%mul3A_49, %dma_start3A] : memref<10000x128xf32, #tpu.memory_space<vmem_shared>> -> memref<640x128xf32, #tpu.memory_space<vmem_shared>>
        %dma_start3A_51 = arith.constant 0 : i32
        %dma_start3A_52 = tpu.memref_slice %arg2[%mul3A_47, %dma_start3A_51] : memref<10000x128xf32, #tpu.memory_space<hbm>> -> memref<640x128xf32, #tpu.memory_space<hbm>>
        tpu.enqueue_dma source(%dma_start3A_52 : memref<640x128xf32, #tpu.memory_space<hbm>>) target(%dma_start3A_50 : memref<640x128xf32, #tpu.memory_space<vmem_shared>>) target_semaphore(%run_scoped3A : memref<!tpu.dma_semaphore, #tpu.memory_space<semaphore_mem>>)
        %dma_wait3A = arith.constant 0 : i32
        %dma_wait3A_53 = tpu.memref_slice %arg10[%mul3A_49, %dma_wait3A] : memref<10000x128xf32, #tpu.memory_space<vmem_shared>> -> memref<640x128xf32, #tpu.memory_space<vmem_shared>>
        %dma_wait3A_54 = arith.constant 0 : i32
        %dma_wait3A_55 = tpu.memref_slice %arg2[%mul3A_47, %dma_wait3A_54] : memref<10000x128xf32, #tpu.memory_space<hbm>> -> memref<640x128xf32, #tpu.memory_space<hbm>>
        tpu.wait_dma2 semaphore(%run_scoped3A : memref<!tpu.dma_semaphore, #tpu.memory_space<semaphore_mem>>) src(%dma_wait3A_55 : memref<640x128xf32, #tpu.memory_space<hbm>>) dst(%dma_wait3A_53 : memref<640x128xf32, #tpu.memory_space<vmem_shared>>)
        tpu.yield
      }) : () -> ()
    } else {
    }
    %eq3A_3 = arith.constant 0 : i32
    %eq3A_4 = arith.cmpi eq, %arg0, %eq3A_3 : i32
    %eq3A_5 = arith.constant 15 : i32
    %eq3A_6 = arith.cmpi eq, %arg1, %eq3A_5 : i32
    %and3A_7 = arith.andi %eq3A_4, %eq3A_6 : i1
    %convert_element_type3A_8 = arith.extui %and3A_7 : i1 to i32
    %cond3A_9 = arith.constant 0 : i32
    %cond3A_10 = arith.cmpi ne, %convert_element_type3A_8, %cond3A_9 : i32
    scf.if %cond3A_10 {
      "tpu.region"() ({
        %run_scoped3A = tpu.sem_alloc : memref<!tpu.dma_semaphore, #tpu.memory_space<semaphore_mem>>
        %dma_start3A = arith.constant 9600 : i32
        %dma_start3A_46 = arith.constant 0 : i32
        %dma_start3A_47 = tpu.memref_slice %arg10[%dma_start3A, %dma_start3A_46] : memref<10000x128xf32, #tpu.memory_space<vmem_shared>> -> memref<400x128xf32, #tpu.memory_space<vmem_shared>>
        %dma_start3A_48 = arith.constant 9600 : i32
        %dma_start3A_49 = arith.constant 0 : i32
        %dma_start3A_50 = tpu.memref_slice %arg2[%dma_start3A_48, %dma_start3A_49] : memref<10000x128xf32, #tpu.memory_space<hbm>> -> memref<400x128xf32, #tpu.memory_space<hbm>>
        tpu.enqueue_dma source(%dma_start3A_50 : memref<400x128xf32, #tpu.memory_space<hbm>>) target(%dma_start3A_47 : memref<400x128xf32, #tpu.memory_space<vmem_shared>>) target_semaphore(%run_scoped3A : memref<!tpu.dma_semaphore, #tpu.memory_space<semaphore_mem>>)
        %dma_wait3A = arith.constant 9600 : i32
        %dma_wait3A_51 = arith.constant 0 : i32
        %dma_wait3A_52 = tpu.memref_slice %arg10[%dma_wait3A, %dma_wait3A_51] : memref<10000x128xf32, #tpu.memory_space<vmem_shared>> -> memref<400x128xf32, #tpu.memory_space<vmem_shared>>
        %dma_wait3A_53 = arith.constant 9600 : i32
        %dma_wait3A_54 = arith.constant 0 : i32
        %dma_wait3A_55 = tpu.memref_slice %arg2[%dma_wait3A_53, %dma_wait3A_54] : memref<10000x128xf32, #tpu.memory_space<hbm>> -> memref<400x128xf32, #tpu.memory_space<hbm>>
        tpu.wait_dma2 semaphore(%run_scoped3A : memref<!tpu.dma_semaphore, #tpu.memory_space<semaphore_mem>>) src(%dma_wait3A_55 : memref<400x128xf32, #tpu.memory_space<hbm>>) dst(%dma_wait3A_52 : memref<400x128xf32, #tpu.memory_space<vmem_shared>>)
        tpu.yield
      }) : () -> ()
    } else {
    }
    %eq3A_11 = arith.constant 1 : i32
    %eq3A_12 = arith.cmpi eq, %arg0, %eq3A_11 : i32
    %lt3A_13 = arith.constant 15 : i32
    %lt3A_14 = arith.cmpi slt, %arg1, %lt3A_13 : i32
    %and3A_15 = arith.andi %eq3A_12, %lt3A_14 : i1
    %convert_element_type3A_16 = arith.extui %and3A_15 : i1 to i32
    %cond3A_17 = arith.constant 0 : i32
    %cond3A_18 = arith.cmpi ne, %convert_element_type3A_16, %cond3A_17 : i32
    scf.if %cond3A_18 {
      %mul3A_46 = arith.constant 640 : i32
      %mul3A_47 = arith.muli %arg1, %mul3A_46 : i32
      %mul3A_48 = arith.constant 640 : i32
      %mul3A_49 = arith.muli %arg1, %mul3A_48 : i32
      "tpu.region"() ({
        %run_scoped3A = tpu.sem_alloc : memref<!tpu.dma_semaphore, #tpu.memory_space<semaphore_mem>>
        %dma_start3A = arith.constant 0 : i32
        %dma_start3A_50 = tpu.memref_slice %arg10[%mul3A_49, %dma_start3A] : memref<10000x128xf32, #tpu.memory_space<vmem_shared>> -> memref<640x128xf32, #tpu.memory_space<vmem_shared>>
        %dma_start3A_51 = arith.constant 0 : i32
        %dma_start3A_52 = tpu.memref_slice %arg5[%mul3A_47, %dma_start3A_51] : memref<10000x128xf32, #tpu.memory_space<hbm>> -> memref<640x128xf32, #tpu.memory_space<hbm>>
        tpu.enqueue_dma source(%dma_start3A_52 : memref<640x128xf32, #tpu.memory_space<hbm>>) target(%dma_start3A_50 : memref<640x128xf32, #tpu.memory_space<vmem_shared>>) target_semaphore(%run_scoped3A : memref<!tpu.dma_semaphore, #tpu.memory_space<semaphore_mem>>)
        %dma_wait3A = arith.constant 0 : i32
        %dma_wait3A_53 = tpu.memref_slice %arg10[%mul3A_49, %dma_wait3A] : memref<10000x128xf32, #tpu.memory_space<vmem_shared>> -> memref<640x128xf32, #tpu.memory_space<vmem_shared>>
        %dma_wait3A_54 = arith.constant 0 : i32
        %dma_wait3A_55 = tpu.memref_slice %arg5[%mul3A_47, %dma_wait3A_54] : memref<10000x128xf32, #tpu.memory_space<hbm>> -> memref<640x128xf32, #tpu.memory_space<hbm>>
        tpu.wait_dma2 semaphore(%run_scoped3A : memref<!tpu.dma_semaphore, #tpu.memory_space<semaphore_mem>>) src(%dma_wait3A_55 : memref<640x128xf32, #tpu.memory_space<hbm>>) dst(%dma_wait3A_53 : memref<640x128xf32, #tpu.memory_space<vmem_shared>>)
        tpu.yield
      }) : () -> ()
    } else {
    }
    %eq3A_19 = arith.constant 1 : i32
    %eq3A_20 = arith.cmpi eq, %arg0, %eq3A_19 : i32
    %eq3A_21 = arith.constant 15 : i32
    %eq3A_22 = arith.cmpi eq, %arg1, %eq3A_21 : i32
    %and3A_23 = arith.andi %eq3A_20, %eq3A_22 : i1
    %convert_element_type3A_24 = arith.extui %and3A_23 : i1 to i32
    %cond3A_25 = arith.constant 0 : i32
    %cond3A_26 = arith.cmpi ne, %convert_element_type3A_24, %cond3A_25 : i32
    scf.if %cond3A_26 {
      "tpu.region"() ({
        %run_scoped3A = tpu.sem_alloc : memref<!tpu.dma_semaphore, #tpu.memory_space<semaphore_mem>>
        %dma_start3A = arith.constant 9600 : i32
        %dma_start3A_46 = arith.constant 0 : i32
        %dma_start3A_47 = tpu.memref_slice %arg10[%dma_start3A, %dma_start3A_46] : memref<10000x128xf32, #tpu.memory_space<vmem_shared>> -> memref<400x128xf32, #tpu.memory_space<vmem_shared>>
        %dma_start3A_48 = arith.constant 9600 : i32
        %dma_start3A_49 = arith.constant 0 : i32
        %dma_start3A_50 = tpu.memref_slice %arg5[%dma_start3A_48, %dma_start3A_49] : memref<10000x128xf32, #tpu.memory_space<hbm>> -> memref<400x128xf32, #tpu.memory_space<hbm>>
        tpu.enqueue_dma source(%dma_start3A_50 : memref<400x128xf32, #tpu.memory_space<hbm>>) target(%dma_start3A_47 : memref<400x128xf32, #tpu.memory_space<vmem_shared>>) target_semaphore(%run_scoped3A : memref<!tpu.dma_semaphore, #tpu.memory_space<semaphore_mem>>)
        %dma_wait3A = arith.constant 9600 : i32
        %dma_wait3A_51 = arith.constant 0 : i32
        %dma_wait3A_52 = tpu.memref_slice %arg10[%dma_wait3A, %dma_wait3A_51] : memref<10000x128xf32, #tpu.memory_space<vmem_shared>> -> memref<400x128xf32, #tpu.memory_space<vmem_shared>>
        %dma_wait3A_53 = arith.constant 9600 : i32
        %dma_wait3A_54 = arith.constant 0 : i32
        %dma_wait3A_55 = tpu.memref_slice %arg5[%dma_wait3A_53, %dma_wait3A_54] : memref<10000x128xf32, #tpu.memory_space<hbm>> -> memref<400x128xf32, #tpu.memory_space<hbm>>
        tpu.wait_dma2 semaphore(%run_scoped3A : memref<!tpu.dma_semaphore, #tpu.memory_space<semaphore_mem>>) src(%dma_wait3A_55 : memref<400x128xf32, #tpu.memory_space<hbm>>) dst(%dma_wait3A_52 : memref<400x128xf32, #tpu.memory_space<vmem_shared>>)
        tpu.yield
      }) : () -> ()
    } else {
    }
    %barrier3A = arith.constant 0 : index
    tpu.barrier barrier_id(%barrier3A)
    %mul3A = arith.constant 16 : i32
    %mul3A_27 = arith.muli %arg0, %mul3A : i32
    %add3A = arith.addi %mul3A_27, %arg1 : i32
    %mul3A_28 = arith.constant 80 : i32
    %mul3A_29 = arith.muli %add3A, %mul3A_28 : i32
    "tpu.region"() ({
      %run_scoped3A = tpu.sem_alloc : memref<!tpu.dma_semaphore, #tpu.memory_space<semaphore_mem>>
      %dma_start3A = arith.constant 0 : i32
      %dma_start3A_46 = tpu.memref_slice %arg3[%mul3A_29, %dma_start3A] : memref<2560x125xi32, #tpu.memory_space<hbm>> -> memref<80x125xi32, #tpu.memory_space<hbm>>
      %dma_start3A_47 = arith.constant 0 : i32
      %dma_start3A_48 = tpu.memref_slice %arg3[%mul3A_29, %dma_start3A_47] : memref<2560x125xi32, #tpu.memory_space<hbm>> -> memref<80x125xi32, #tpu.memory_space<hbm>>
      tpu.enqueue_dma source(%dma_start3A_48 : memref<80x125xi32, #tpu.memory_space<hbm>>) target(%arg7 : memref<80x125xi32, #tpu.memory_space<vmem>>) target_semaphore(%run_scoped3A : memref<!tpu.dma_semaphore, #tpu.memory_space<semaphore_mem>>)
      %dma_wait3A = arith.constant 0 : i32
      %dma_wait3A_49 = tpu.memref_slice %arg3[%mul3A_29, %dma_wait3A] : memref<2560x125xi32, #tpu.memory_space<hbm>> -> memref<80x125xi32, #tpu.memory_space<hbm>>
      %dma_wait3A_50 = arith.constant 0 : i32
      %dma_wait3A_51 = tpu.memref_slice %arg3[%mul3A_29, %dma_wait3A_50] : memref<2560x125xi32, #tpu.memory_space<hbm>> -> memref<80x125xi32, #tpu.memory_space<hbm>>
      tpu.wait_dma2 semaphore(%run_scoped3A : memref<!tpu.dma_semaphore, #tpu.memory_space<semaphore_mem>>) src(%dma_wait3A_51 : memref<80x125xi32, #tpu.memory_space<hbm>>) dst(%arg7 : memref<80x125xi32, #tpu.memory_space<vmem>>)
      tpu.yield
    }) : () -> ()
    "tpu.region"() ({
      %run_scoped3A = tpu.sem_alloc : memref<!tpu.dma_semaphore, #tpu.memory_space<semaphore_mem>>
      %dma_start3A = arith.constant 0 : i32
      %dma_start3A_46 = tpu.memref_slice %arg4[%mul3A_29, %dma_start3A] : memref<2560x125xi32, #tpu.memory_space<hbm>> -> memref<80x125xi32, #tpu.memory_space<hbm>>
      %dma_start3A_47 = arith.constant 0 : i32
      %dma_start3A_48 = tpu.memref_slice %arg4[%mul3A_29, %dma_start3A_47] : memref<2560x125xi32, #tpu.memory_space<hbm>> -> memref<80x125xi32, #tpu.memory_space<hbm>>
      tpu.enqueue_dma source(%dma_start3A_48 : memref<80x125xi32, #tpu.memory_space<hbm>>) target(%arg8 : memref<80x125xi32, #tpu.memory_space<vmem>>) target_semaphore(%run_scoped3A : memref<!tpu.dma_semaphore, #tpu.memory_space<semaphore_mem>>)
      %dma_wait3A = arith.constant 0 : i32
      %dma_wait3A_49 = tpu.memref_slice %arg4[%mul3A_29, %dma_wait3A] : memref<2560x125xi32, #tpu.memory_space<hbm>> -> memref<80x125xi32, #tpu.memory_space<hbm>>
      %dma_wait3A_50 = arith.constant 0 : i32
      %dma_wait3A_51 = tpu.memref_slice %arg4[%mul3A_29, %dma_wait3A_50] : memref<2560x125xi32, #tpu.memory_space<hbm>> -> memref<80x125xi32, #tpu.memory_space<hbm>>
      tpu.wait_dma2 semaphore(%run_scoped3A : memref<!tpu.dma_semaphore, #tpu.memory_space<semaphore_mem>>) src(%dma_wait3A_51 : memref<80x125xi32, #tpu.memory_space<hbm>>) dst(%arg8 : memref<80x125xi32, #tpu.memory_space<vmem>>)
      tpu.yield
    }) : () -> ()
    %scan3A = arith.constant 0 : i32
    %scan3A_30 = arith.constant 0 : i32
    %scan3A_31 = arith.constant 80 : i32
    %scan3A_32 = arith.addi %scan3A_30, %scan3A_31 : i32
    %scan3A_33 = arith.constant 1 : i32
    scf.for %scan3A_46 = %scan3A_30 to %scan3A_32 step %scan3A_33  : i32 {
      %dma_start3A = arith.constant 0 : i32
      %dma_start3A_47 = tpu.memref_slice %arg7[%scan3A_46, %dma_start3A] : memref<80x125xi32, #tpu.memory_space<vmem>> -> memref<1x125xi32, #tpu.memory_space<vmem>>
      %dma_start3A_48 = tpu.memref_squeeze %dma_start3A_47 : memref<1x125xi32, #tpu.memory_space<vmem>> -> memref<125xi32, #tpu.memory_space<vmem>>
      %dma_start3A_49 = arith.constant 0 : i32
      %dma_start3A_50 = arith.constant 0 : i32
      %dma_start3A_51 = tpu.memref_slice %arg2[%dma_start3A_49, %dma_start3A_50] : memref<10000x128xf32, #tpu.memory_space<hbm>> -> memref<10000x128xf32, #tpu.memory_space<hbm>>
      tpu.enqueue_indirect_dma source(%dma_start3A_51 : memref<10000x128xf32, #tpu.memory_space<hbm>>) target(%arg9 : memref<125x128xf32, #tpu.memory_space<vmem>>) offsets(%dma_start3A_48 : memref<125xi32, #tpu.memory_space<vmem>>) semaphore(%arg11 : memref<!tpu.dma_semaphore, #tpu.memory_space<semaphore_mem>>)
      %dma_wait3A = arith.constant 0 : i32
      %dma_wait3A_52 = tpu.memref_slice %arg7[%scan3A_46, %dma_wait3A] : memref<80x125xi32, #tpu.memory_space<vmem>> -> memref<1x125xi32, #tpu.memory_space<vmem>>
      %dma_wait3A_53 = tpu.memref_squeeze %dma_wait3A_52 : memref<1x125xi32, #tpu.memory_space<vmem>> -> memref<125xi32, #tpu.memory_space<vmem>>
      %dma_wait3A_54 = arith.constant 0 : i32
      %dma_wait3A_55 = arith.constant 0 : i32
      %dma_wait3A_56 = tpu.memref_slice %arg2[%dma_wait3A_54, %dma_wait3A_55] : memref<10000x128xf32, #tpu.memory_space<hbm>> -> memref<10000x128xf32, #tpu.memory_space<hbm>>
      tpu.wait_indirect_dma semaphore(%arg11 : memref<!tpu.dma_semaphore, #tpu.memory_space<semaphore_mem>>) src(%dma_wait3A_56 : memref<10000x128xf32, #tpu.memory_space<hbm>>) dst(%arg9 : memref<125x128xf32, #tpu.memory_space<vmem>>)
      "tpu.region"() ({
        %run_scoped3A = tpu.sem_alloc : memref<!tpu.dma_semaphore, #tpu.memory_space<semaphore_mem>>
        %dma_start3A_57 = arith.constant 0 : i32
        %dma_start3A_58 = tpu.memref_slice %arg8[%scan3A_46, %dma_start3A_57] : memref<80x125xi32, #tpu.memory_space<vmem>> -> memref<1x125xi32, #tpu.memory_space<vmem>>
        %dma_start3A_59 = tpu.memref_squeeze %dma_start3A_58 : memref<1x125xi32, #tpu.memory_space<vmem>> -> memref<125xi32, #tpu.memory_space<vmem>>
        %dma_start3A_60 = arith.constant 0 : i32
        %dma_start3A_61 = arith.constant 0 : i32
        %dma_start3A_62 = tpu.memref_slice %arg10[%dma_start3A_60, %dma_start3A_61] : memref<10000x128xf32, #tpu.memory_space<vmem_shared>> -> memref<10000x128xf32, #tpu.memory_space<vmem_shared>>
        tpu.enqueue_indirect_dma source(%arg9 : memref<125x128xf32, #tpu.memory_space<vmem>>) target(%dma_start3A_62 : memref<10000x128xf32, #tpu.memory_space<vmem_shared>>) offsets(%dma_start3A_59 : memref<125xi32, #tpu.memory_space<vmem>>) semaphore(%run_scoped3A : memref<!tpu.dma_semaphore, #tpu.memory_space<semaphore_mem>>) {add = true}
        %dma_wait3A_63 = arith.constant 0 : i32
        %dma_wait3A_64 = tpu.memref_slice %arg8[%scan3A_46, %dma_wait3A_63] : memref<80x125xi32, #tpu.memory_space<vmem>> -> memref<1x125xi32, #tpu.memory_space<vmem>>
        %dma_wait3A_65 = tpu.memref_squeeze %dma_wait3A_64 : memref<1x125xi32, #tpu.memory_space<vmem>> -> memref<125xi32, #tpu.memory_space<vmem>>
        %dma_wait3A_66 = arith.constant 0 : i32
        %dma_wait3A_67 = arith.constant 0 : i32
        %dma_wait3A_68 = tpu.memref_slice %arg10[%dma_wait3A_66, %dma_wait3A_67] : memref<10000x128xf32, #tpu.memory_space<vmem_shared>> -> memref<10000x128xf32, #tpu.memory_space<vmem_shared>>
        tpu.wait_indirect_dma semaphore(%run_scoped3A : memref<!tpu.dma_semaphore, #tpu.memory_space<semaphore_mem>>) src(%arg9 : memref<125x128xf32, #tpu.memory_space<vmem>>) dst(%dma_wait3A_68 : memref<10000x128xf32, #tpu.memory_space<vmem_shared>>)
        tpu.yield
      }) : () -> ()
    }
    %scan3A_34 = arith.constant 80 : i32
    %barrier3A_35 = arith.constant 0 : index
    tpu.barrier barrier_id(%barrier3A_35)
    %lt3A_36 = arith.constant 15 : i32
    %lt3A_37 = arith.cmpi slt, %arg1, %lt3A_36 : i32
    %convert_element_type3A_38 = arith.extui %lt3A_37 : i1 to i32
    %cond3A_39 = arith.constant 0 : i32
    %cond3A_40 = arith.cmpi ne, %convert_element_type3A_38, %cond3A_39 : i32
    scf.if %cond3A_40 {
      %mul3A_46 = arith.constant 640 : i32
      %mul3A_47 = arith.muli %arg1, %mul3A_46 : i32
      %mul3A_48 = arith.constant 640 : i32
      %mul3A_49 = arith.muli %arg1, %mul3A_48 : i32
      "tpu.region"() ({
        %run_scoped3A = tpu.sem_alloc : memref<!tpu.dma_semaphore, #tpu.memory_space<semaphore_mem>>
        %dma_start3A = arith.constant 0 : i32
        %dma_start3A_50 = tpu.memref_slice %arg6[%arg0, %mul3A_49, %dma_start3A] : memref<2x10000x128xf32, #tpu.memory_space<hbm>> -> memref<1x640x128xf32, #tpu.memory_space<hbm>>
        %dma_start3A_51 = tpu.memref_squeeze %dma_start3A_50 : memref<1x640x128xf32, #tpu.memory_space<hbm>> -> memref<640x128xf32, #tpu.memory_space<hbm>>
        %dma_start3A_52 = arith.constant 0 : i32
        %dma_start3A_53 = tpu.memref_slice %arg10[%mul3A_47, %dma_start3A_52] : memref<10000x128xf32, #tpu.memory_space<vmem_shared>> -> memref<640x128xf32, #tpu.memory_space<vmem_shared>>
        tpu.enqueue_dma source(%dma_start3A_53 : memref<640x128xf32, #tpu.memory_space<vmem_shared>>) target(%dma_start3A_51 : memref<640x128xf32, #tpu.memory_space<hbm>>) target_semaphore(%run_scoped3A : memref<!tpu.dma_semaphore, #tpu.memory_space<semaphore_mem>>)
        %dma_wait3A = arith.constant 0 : i32
        %dma_wait3A_54 = tpu.memref_slice %arg6[%arg0, %mul3A_49, %dma_wait3A] : memref<2x10000x128xf32, #tpu.memory_space<hbm>> -> memref<1x640x128xf32, #tpu.memory_space<hbm>>
        %dma_wait3A_55 = tpu.memref_squeeze %dma_wait3A_54 : memref<1x640x128xf32, #tpu.memory_space<hbm>> -> memref<640x128xf32, #tpu.memory_space<hbm>>
        %dma_wait3A_56 = arith.constant 0 : i32
        %dma_wait3A_57 = tpu.memref_slice %arg10[%mul3A_47, %dma_wait3A_56] : memref<10000x128xf32, #tpu.memory_space<vmem_shared>> -> memref<640x128xf32, #tpu.memory_space<vmem_shared>>
        tpu.wait_dma2 semaphore(%run_scoped3A : memref<!tpu.dma_semaphore, #tpu.memory_space<semaphore_mem>>) src(%dma_wait3A_57 : memref<640x128xf32, #tpu.memory_space<vmem_shared>>) dst(%dma_wait3A_55 : memref<640x128xf32, #tpu.memory_space<hbm>>)
        tpu.yield
      }) : () -> ()
    } else {
    }
    %eq3A_41 = arith.constant 15 : i32
    %eq3A_42 = arith.cmpi eq, %arg1, %eq3A_41 : i32
    %convert_element_type3A_43 = arith.extui %eq3A_42 : i1 to i32
    %cond3A_44 = arith.constant 0 : i32
    %cond3A_45 = arith.cmpi ne, %convert_element_type3A_43, %cond3A_44 : i32
    scf.if %cond3A_45 {
      "tpu.region"() ({
        %run_scoped3A = tpu.sem_alloc : memref<!tpu.dma_semaphore, #tpu.memory_space<semaphore_mem>>
        %dma_start3A = arith.constant 9600 : i32
        %dma_start3A_46 = arith.constant 0 : i32
        %dma_start3A_47 = tpu.memref_slice %arg6[%arg0, %dma_start3A, %dma_start3A_46] : memref<2x10000x128xf32, #tpu.memory_space<hbm>> -> memref<1x400x128xf32, #tpu.memory_space<hbm>>
        %dma_start3A_48 = tpu.memref_squeeze %dma_start3A_47 : memref<1x400x128xf32, #tpu.memory_space<hbm>> -> memref<400x128xf32, #tpu.memory_space<hbm>>
        %dma_start3A_49 = arith.constant 9600 : i32
        %dma_start3A_50 = arith.constant 0 : i32
        %dma_start3A_51 = tpu.memref_slice %arg10[%dma_start3A_49, %dma_start3A_50] : memref<10000x128xf32, #tpu.memory_space<vmem_shared>> -> memref<400x128xf32, #tpu.memory_space<vmem_shared>>
        tpu.enqueue_dma source(%dma_start3A_51 : memref<400x128xf32, #tpu.memory_space<vmem_shared>>) target(%dma_start3A_48 : memref<400x128xf32, #tpu.memory_space<hbm>>) target_semaphore(%run_scoped3A : memref<!tpu.dma_semaphore, #tpu.memory_space<semaphore_mem>>)
        %dma_wait3A = arith.constant 9600 : i32
        %dma_wait3A_52 = arith.constant 0 : i32
        %dma_wait3A_53 = tpu.memref_slice %arg6[%arg0, %dma_wait3A, %dma_wait3A_52] : memref<2x10000x128xf32, #tpu.memory_space<hbm>> -> memref<1x400x128xf32, #tpu.memory_space<hbm>>
        %dma_wait3A_54 = tpu.memref_squeeze %dma_wait3A_53 : memref<1x400x128xf32, #tpu.memory_space<hbm>> -> memref<400x128xf32, #tpu.memory_space<hbm>>
        %dma_wait3A_55 = arith.constant 9600 : i32
        %dma_wait3A_56 = arith.constant 0 : i32
        %dma_wait3A_57 = tpu.memref_slice %arg10[%dma_wait3A_55, %dma_wait3A_56] : memref<10000x128xf32, #tpu.memory_space<vmem_shared>> -> memref<400x128xf32, #tpu.memory_space<vmem_shared>>
        tpu.wait_dma2 semaphore(%run_scoped3A : memref<!tpu.dma_semaphore, #tpu.memory_space<semaphore_mem>>) src(%dma_wait3A_57 : memref<400x128xf32, #tpu.memory_space<vmem_shared>>) dst(%dma_wait3A_54 : memref<400x128xf32, #tpu.memory_space<hbm>>)
        tpu.yield
      }) : () -> ()
    } else {
    }
    return
  }
}

#map = affine_map<(d0, d1) -> (0, 0)>
#map1 = affine_map<(d0, d1) -> (0, 0, 0)>
module attributes {stable_mosaic.version = 14 : i64} {
  func.func @_deg_body(%arg0: i32, %arg1: i32, %arg2: memref<2560x125xi32, #tpu.memory_space<hbm>>, %arg3: memref<10000x16xf32, #tpu.memory_space<hbm>>, %arg4: memref<2x10000x16xf32, #tpu.memory_space<hbm>>, %arg5: memref<80x125xi32, #tpu.memory_space<vmem>>, %arg6: memref<125x16xf32, #tpu.memory_space<vmem>>, %arg7: memref<10000x16xf32, #tpu.memory_space<vmem_shared>>) attributes {dimension_semantics = [#tpu.dimension_semantics<core_parallel>, #tpu.dimension_semantics<subcore_parallel>], iteration_bounds = array<i64: 2, 16>, scalar_prefetch = 0 : i64, scratch_operands = 3 : i64, tpu.core_type = #tpu.core_type<sc_vector_subcore>, window_params = [{transform_indices = #map}, {transform_indices = #map}, {transform_indices = #map1}]} {
    %broadcast_in_dim3A = arith.constant 1.000000e+00 : f32
    %broadcast_in_dim3A_0 = vector.broadcast %broadcast_in_dim3A : f32 to vector<16xf32>
    %scan3A = arith.constant 0 : i32
    %scan3A_1 = arith.constant 0 : i32
    %scan3A_2 = arith.constant 125 : i32
    %scan3A_3 = arith.addi %scan3A_1, %scan3A_2 : i32
    %scan3A_4 = arith.constant 1 : i32
    scf.for %scan3A_32 = %scan3A_1 to %scan3A_3 step %scan3A_4  : i32 {
      %swap3A = arith.index_cast %scan3A_32 : i32 to index
      %swap3A_33 = arith.constant 0 : index
      %swap3A_34 = tpu.vector_load %arg6[%swap3A, %swap3A_33] {strides = array<i32>} : memref<125x16xf32, #tpu.memory_space<vmem>>, vector<1x16xf32>,
      %swap3A_35 = vector.shape_cast %swap3A_34 : vector<1x16xf32> to vector<16xf32>
      %swap3A_36 = vector.shape_cast %broadcast_in_dim3A_0 : vector<16xf32> to vector<1x16xf32>
      tpu.vector_store %arg6[%swap3A, %swap3A_33], %swap3A_36 {strides = array<i32>} : memref<125x16xf32, #tpu.memory_space<vmem>>, vector<1x16xf32>,
    }
    %scan3A_5 = arith.constant 125 : i32
    %lt3A = arith.constant 15 : i32
    %lt3A_6 = arith.cmpi slt, %arg1, %lt3A : i32
    %convert_element_type3A = arith.extui %lt3A_6 : i1 to i32
    %cond3A = arith.constant 0 : i32
    %cond3A_7 = arith.cmpi ne, %convert_element_type3A, %cond3A : i32
    scf.if %cond3A_7 {
      %mul3A_32 = arith.constant 640 : i32
      %mul3A_33 = arith.muli %arg1, %mul3A_32 : i32
      %mul3A_34 = arith.constant 640 : i32
      %mul3A_35 = arith.muli %arg1, %mul3A_34 : i32
      "tpu.region"() ({
        %run_scoped3A = tpu.sem_alloc : memref<!tpu.dma_semaphore, #tpu.memory_space<semaphore_mem>>
        %dma_start3A = arith.constant 0 : i32
        %dma_start3A_36 = tpu.memref_slice %arg7[%mul3A_35, %dma_start3A] : memref<10000x16xf32, #tpu.memory_space<vmem_shared>> -> memref<640x16xf32, #tpu.memory_space<vmem_shared>>
        %dma_start3A_37 = arith.constant 0 : i32
        %dma_start3A_38 = tpu.memref_slice %arg3[%mul3A_33, %dma_start3A_37] : memref<10000x16xf32, #tpu.memory_space<hbm>> -> memref<640x16xf32, #tpu.memory_space<hbm>>
        tpu.enqueue_dma source(%dma_start3A_38 : memref<640x16xf32, #tpu.memory_space<hbm>>) target(%dma_start3A_36 : memref<640x16xf32, #tpu.memory_space<vmem_shared>>) target_semaphore(%run_scoped3A : memref<!tpu.dma_semaphore, #tpu.memory_space<semaphore_mem>>)
        %dma_wait3A = arith.constant 0 : i32
        %dma_wait3A_39 = tpu.memref_slice %arg7[%mul3A_35, %dma_wait3A] : memref<10000x16xf32, #tpu.memory_space<vmem_shared>> -> memref<640x16xf32, #tpu.memory_space<vmem_shared>>
        %dma_wait3A_40 = arith.constant 0 : i32
        %dma_wait3A_41 = tpu.memref_slice %arg3[%mul3A_33, %dma_wait3A_40] : memref<10000x16xf32, #tpu.memory_space<hbm>> -> memref<640x16xf32, #tpu.memory_space<hbm>>
        tpu.wait_dma2 semaphore(%run_scoped3A : memref<!tpu.dma_semaphore, #tpu.memory_space<semaphore_mem>>) src(%dma_wait3A_41 : memref<640x16xf32, #tpu.memory_space<hbm>>) dst(%dma_wait3A_39 : memref<640x16xf32, #tpu.memory_space<vmem_shared>>)
        tpu.yield
      }) : () -> ()
    } else {
    }
    %eq3A = arith.constant 15 : i32
    %eq3A_8 = arith.cmpi eq, %arg1, %eq3A : i32
    %convert_element_type3A_9 = arith.extui %eq3A_8 : i1 to i32
    %cond3A_10 = arith.constant 0 : i32
    %cond3A_11 = arith.cmpi ne, %convert_element_type3A_9, %cond3A_10 : i32
    scf.if %cond3A_11 {
      "tpu.region"() ({
        %run_scoped3A = tpu.sem_alloc : memref<!tpu.dma_semaphore, #tpu.memory_space<semaphore_mem>>
        %dma_start3A = arith.constant 9600 : i32
        %dma_start3A_32 = arith.constant 0 : i32
        %dma_start3A_33 = tpu.memref_slice %arg7[%dma_start3A, %dma_start3A_32] : memref<10000x16xf32, #tpu.memory_space<vmem_shared>> -> memref<400x16xf32, #tpu.memory_space<vmem_shared>>
        %dma_start3A_34 = arith.constant 9600 : i32
        %dma_start3A_35 = arith.constant 0 : i32
        %dma_start3A_36 = tpu.memref_slice %arg3[%dma_start3A_34, %dma_start3A_35] : memref<10000x16xf32, #tpu.memory_space<hbm>> -> memref<400x16xf32, #tpu.memory_space<hbm>>
        tpu.enqueue_dma source(%dma_start3A_36 : memref<400x16xf32, #tpu.memory_space<hbm>>) target(%dma_start3A_33 : memref<400x16xf32, #tpu.memory_space<vmem_shared>>) target_semaphore(%run_scoped3A : memref<!tpu.dma_semaphore, #tpu.memory_space<semaphore_mem>>)
        %dma_wait3A = arith.constant 9600 : i32
        %dma_wait3A_37 = arith.constant 0 : i32
        %dma_wait3A_38 = tpu.memref_slice %arg7[%dma_wait3A, %dma_wait3A_37] : memref<10000x16xf32, #tpu.memory_space<vmem_shared>> -> memref<400x16xf32, #tpu.memory_space<vmem_shared>>
        %dma_wait3A_39 = arith.constant 9600 : i32
        %dma_wait3A_40 = arith.constant 0 : i32
        %dma_wait3A_41 = tpu.memref_slice %arg3[%dma_wait3A_39, %dma_wait3A_40] : memref<10000x16xf32, #tpu.memory_space<hbm>> -> memref<400x16xf32, #tpu.memory_space<hbm>>
        tpu.wait_dma2 semaphore(%run_scoped3A : memref<!tpu.dma_semaphore, #tpu.memory_space<semaphore_mem>>) src(%dma_wait3A_41 : memref<400x16xf32, #tpu.memory_space<hbm>>) dst(%dma_wait3A_38 : memref<400x16xf32, #tpu.memory_space<vmem_shared>>)
        tpu.yield
      }) : () -> ()
    } else {
    }
    %barrier3A = arith.constant 0 : index
    tpu.barrier barrier_id(%barrier3A)
    %mul3A = arith.constant 16 : i32
    %mul3A_12 = arith.muli %arg0, %mul3A : i32
    %add3A = arith.addi %mul3A_12, %arg1 : i32
    %mul3A_13 = arith.constant 80 : i32
    %mul3A_14 = arith.muli %add3A, %mul3A_13 : i32
    "tpu.region"() ({
      %run_scoped3A = tpu.sem_alloc : memref<!tpu.dma_semaphore, #tpu.memory_space<semaphore_mem>>
      %dma_start3A = arith.constant 0 : i32
      %dma_start3A_32 = tpu.memref_slice %arg2[%mul3A_14, %dma_start3A] : memref<2560x125xi32, #tpu.memory_space<hbm>> -> memref<80x125xi32, #tpu.memory_space<hbm>>
      %dma_start3A_33 = arith.constant 0 : i32
      %dma_start3A_34 = tpu.memref_slice %arg2[%mul3A_14, %dma_start3A_33] : memref<2560x125xi32, #tpu.memory_space<hbm>> -> memref<80x125xi32, #tpu.memory_space<hbm>>
      tpu.enqueue_dma source(%dma_start3A_34 : memref<80x125xi32, #tpu.memory_space<hbm>>) target(%arg5 : memref<80x125xi32, #tpu.memory_space<vmem>>) target_semaphore(%run_scoped3A : memref<!tpu.dma_semaphore, #tpu.memory_space<semaphore_mem>>)
      %dma_wait3A = arith.constant 0 : i32
      %dma_wait3A_35 = tpu.memref_slice %arg2[%mul3A_14, %dma_wait3A] : memref<2560x125xi32, #tpu.memory_space<hbm>> -> memref<80x125xi32, #tpu.memory_space<hbm>>
      %dma_wait3A_36 = arith.constant 0 : i32
      %dma_wait3A_37 = tpu.memref_slice %arg2[%mul3A_14, %dma_wait3A_36] : memref<2560x125xi32, #tpu.memory_space<hbm>> -> memref<80x125xi32, #tpu.memory_space<hbm>>
      tpu.wait_dma2 semaphore(%run_scoped3A : memref<!tpu.dma_semaphore, #tpu.memory_space<semaphore_mem>>) src(%dma_wait3A_37 : memref<80x125xi32, #tpu.memory_space<hbm>>) dst(%arg5 : memref<80x125xi32, #tpu.memory_space<vmem>>)
      tpu.yield
    }) : () -> ()
    %scan3A_15 = arith.constant 0 : i32
    %scan3A_16 = arith.constant 0 : i32
    %scan3A_17 = arith.constant 80 : i32
    %scan3A_18 = arith.addi %scan3A_16, %scan3A_17 : i32
    %scan3A_19 = arith.constant 1 : i32
    scf.for %scan3A_32 = %scan3A_16 to %scan3A_18 step %scan3A_19  : i32 {
      "tpu.region"() ({
        %run_scoped3A = tpu.sem_alloc : memref<!tpu.dma_semaphore, #tpu.memory_space<semaphore_mem>>
        %dma_start3A = arith.constant 0 : i32
        %dma_start3A_33 = tpu.memref_slice %arg5[%scan3A_32, %dma_start3A] : memref<80x125xi32, #tpu.memory_space<vmem>> -> memref<1x125xi32, #tpu.memory_space<vmem>>
        %dma_start3A_34 = tpu.memref_squeeze %dma_start3A_33 : memref<1x125xi32, #tpu.memory_space<vmem>> -> memref<125xi32, #tpu.memory_space<vmem>>
        %dma_start3A_35 = arith.constant 0 : i32
        %dma_start3A_36 = arith.constant 0 : i32
        %dma_start3A_37 = tpu.memref_slice %arg7[%dma_start3A_35, %dma_start3A_36] : memref<10000x16xf32, #tpu.memory_space<vmem_shared>> -> memref<10000x16xf32, #tpu.memory_space<vmem_shared>>
        tpu.enqueue_indirect_dma source(%arg6 : memref<125x16xf32, #tpu.memory_space<vmem>>) target(%dma_start3A_37 : memref<10000x16xf32, #tpu.memory_space<vmem_shared>>) offsets(%dma_start3A_34 : memref<125xi32, #tpu.memory_space<vmem>>) semaphore(%run_scoped3A : memref<!tpu.dma_semaphore, #tpu.memory_space<semaphore_mem>>) {add = true}
        %dma_wait3A = arith.constant 0 : i32
        %dma_wait3A_38 = tpu.memref_slice %arg5[%scan3A_32, %dma_wait3A] : memref<80x125xi32, #tpu.memory_space<vmem>> -> memref<1x125xi32, #tpu.memory_space<vmem>>
        %dma_wait3A_39 = tpu.memref_squeeze %dma_wait3A_38 : memref<1x125xi32, #tpu.memory_space<vmem>> -> memref<125xi32, #tpu.memory_space<vmem>>
        %dma_wait3A_40 = arith.constant 0 : i32
        %dma_wait3A_41 = arith.constant 0 : i32
        %dma_wait3A_42 = tpu.memref_slice %arg7[%dma_wait3A_40, %dma_wait3A_41] : memref<10000x16xf32, #tpu.memory_space<vmem_shared>> -> memref<10000x16xf32, #tpu.memory_space<vmem_shared>>
        tpu.wait_indirect_dma semaphore(%run_scoped3A : memref<!tpu.dma_semaphore, #tpu.memory_space<semaphore_mem>>) src(%arg6 : memref<125x16xf32, #tpu.memory_space<vmem>>) dst(%dma_wait3A_42 : memref<10000x16xf32, #tpu.memory_space<vmem_shared>>)
        tpu.yield
      }) : () -> ()
    }
    %scan3A_20 = arith.constant 80 : i32
    %barrier3A_21 = arith.constant 0 : index
    tpu.barrier barrier_id(%barrier3A_21)
    %lt3A_22 = arith.constant 15 : i32
    %lt3A_23 = arith.cmpi slt, %arg1, %lt3A_22 : i32
    %convert_element_type3A_24 = arith.extui %lt3A_23 : i1 to i32
    %cond3A_25 = arith.constant 0 : i32
    %cond3A_26 = arith.cmpi ne, %convert_element_type3A_24, %cond3A_25 : i32
    scf.if %cond3A_26 {
      %mul3A_32 = arith.constant 640 : i32
      %mul3A_33 = arith.muli %arg1, %mul3A_32 : i32
      %mul3A_34 = arith.constant 640 : i32
      %mul3A_35 = arith.muli %arg1, %mul3A_34 : i32
      "tpu.region"() ({
        %run_scoped3A = tpu.sem_alloc : memref<!tpu.dma_semaphore, #tpu.memory_space<semaphore_mem>>
        %dma_start3A = arith.constant 0 : i32
        %dma_start3A_36 = tpu.memref_slice %arg4[%arg0, %mul3A_35, %dma_start3A] : memref<2x10000x16xf32, #tpu.memory_space<hbm>> -> memref<1x640x16xf32, #tpu.memory_space<hbm>>
        %dma_start3A_37 = tpu.memref_squeeze %dma_start3A_36 : memref<1x640x16xf32, #tpu.memory_space<hbm>> -> memref<640x16xf32, #tpu.memory_space<hbm>>
        %dma_start3A_38 = arith.constant 0 : i32
        %dma_start3A_39 = tpu.memref_slice %arg7[%mul3A_33, %dma_start3A_38] : memref<10000x16xf32, #tpu.memory_space<vmem_shared>> -> memref<640x16xf32, #tpu.memory_space<vmem_shared>>
        tpu.enqueue_dma source(%dma_start3A_39 : memref<640x16xf32, #tpu.memory_space<vmem_shared>>) target(%dma_start3A_37 : memref<640x16xf32, #tpu.memory_space<hbm>>) target_semaphore(%run_scoped3A : memref<!tpu.dma_semaphore, #tpu.memory_space<semaphore_mem>>)
        %dma_wait3A = arith.constant 0 : i32
        %dma_wait3A_40 = tpu.memref_slice %arg4[%arg0, %mul3A_35, %dma_wait3A] : memref<2x10000x16xf32, #tpu.memory_space<hbm>> -> memref<1x640x16xf32, #tpu.memory_space<hbm>>
        %dma_wait3A_41 = tpu.memref_squeeze %dma_wait3A_40 : memref<1x640x16xf32, #tpu.memory_space<hbm>> -> memref<640x16xf32, #tpu.memory_space<hbm>>
        %dma_wait3A_42 = arith.constant 0 : i32
        %dma_wait3A_43 = tpu.memref_slice %arg7[%mul3A_33, %dma_wait3A_42] : memref<10000x16xf32, #tpu.memory_space<vmem_shared>> -> memref<640x16xf32, #tpu.memory_space<vmem_shared>>
        tpu.wait_dma2 semaphore(%run_scoped3A : memref<!tpu.dma_semaphore, #tpu.memory_space<semaphore_mem>>) src(%dma_wait3A_43 : memref<640x16xf32, #tpu.memory_space<vmem_shared>>) dst(%dma_wait3A_41 : memref<640x16xf32, #tpu.memory_space<hbm>>)
        tpu.yield
      }) : () -> ()
    } else {
    }
    %eq3A_27 = arith.constant 15 : i32
    %eq3A_28 = arith.cmpi eq, %arg1, %eq3A_27 : i32
    %convert_element_type3A_29 = arith.extui %eq3A_28 : i1 to i32
    %cond3A_30 = arith.constant 0 : i32
    %cond3A_31 = arith.cmpi ne, %convert_element_type3A_29, %cond3A_30 : i32
    scf.if %cond3A_31 {
      "tpu.region"() ({
        %run_scoped3A = tpu.sem_alloc : memref<!tpu.dma_semaphore, #tpu.memory_space<semaphore_mem>>
        %dma_start3A = arith.constant 9600 : i32
        %dma_start3A_32 = arith.constant 0 : i32
        %dma_start3A_33 = tpu.memref_slice %arg4[%arg0, %dma_start3A, %dma_start3A_32] : memref<2x10000x16xf32, #tpu.memory_space<hbm>> -> memref<1x400x16xf32, #tpu.memory_space<hbm>>
        %dma_start3A_34 = tpu.memref_squeeze %dma_start3A_33 : memref<1x400x16xf32, #tpu.memory_space<hbm>> -> memref<400x16xf32, #tpu.memory_space<hbm>>
        %dma_start3A_35 = arith.constant 9600 : i32
        %dma_start3A_36 = arith.constant 0 : i32
        %dma_start3A_37 = tpu.memref_slice %arg7[%dma_start3A_35, %dma_start3A_36] : memref<10000x16xf32, #tpu.memory_space<vmem_shared>> -> memref<400x16xf32, #tpu.memory_space<vmem_shared>>
        tpu.enqueue_dma source(%dma_start3A_37 : memref<400x16xf32, #tpu.memory_space<vmem_shared>>) target(%dma_start3A_34 : memref<400x16xf32, #tpu.memory_space<hbm>>) target_semaphore(%run_scoped3A : memref<!tpu.dma_semaphore, #tpu.memory_space<semaphore_mem>>)
        %dma_wait3A = arith.constant 9600 : i32
        %dma_wait3A_38 = arith.constant 0 : i32
        %dma_wait3A_39 = tpu.memref_slice %arg4[%arg0, %dma_wait3A, %dma_wait3A_38] : memref<2x10000x16xf32, #tpu.memory_space<hbm>> -> memref<1x400x16xf32, #tpu.memory_space<hbm>>
        %dma_wait3A_40 = tpu.memref_squeeze %dma_wait3A_39 : memref<1x400x16xf32, #tpu.memory_space<hbm>> -> memref<400x16xf32, #tpu.memory_space<hbm>>
        %dma_wait3A_41 = arith.constant 9600 : i32
        %dma_wait3A_42 = arith.constant 0 : i32
        %dma_wait3A_43 = tpu.memref_slice %arg7[%dma_wait3A_41, %dma_wait3A_42] : memref<10000x16xf32, #tpu.memory_space<vmem_shared>> -> memref<400x16xf32, #tpu.memory_space<vmem_shared>>
        tpu.wait_dma2 semaphore(%run_scoped3A : memref<!tpu.dma_semaphore, #tpu.memory_space<semaphore_mem>>) src(%dma_wait3A_43 : memref<400x16xf32, #tpu.memory_space<vmem_shared>>) dst(%dma_wait3A_40 : memref<400x16xf32, #tpu.memory_space<hbm>>)
        tpu.yield
      }) : () -> ()
    } else {
    }
    return
  }
}

#map = affine_map<(d0, d1) -> (0, 0)>
#map1 = affine_map<(d0, d1) -> (0, 0, 0)>
module attributes {stable_mosaic.version = 14 : i64} {
  func.func @_edge_body(%arg0: i32, %arg1: i32, %arg2: memref<10000x128xf32, #tpu.memory_space<hbm>>, %arg3: memref<2560x125xi32, #tpu.memory_space<hbm>>, %arg4: memref<2560x125xi32, #tpu.memory_space<hbm>>, %arg5: memref<10000x128xf32, #tpu.memory_space<hbm>>, %arg6: memref<2x10000x128xf32, #tpu.memory_space<hbm>>, %arg7: memref<80x125xi32, #tpu.memory_space<vmem>>, %arg8: memref<80x125xi32, #tpu.memory_space<vmem>>, %arg9: memref<125x128xf32, #tpu.memory_space<vmem>>, %arg10: memref<10000x128xf32, #tpu.memory_space<vmem_shared>>, %arg11: memref<!tpu.dma_semaphore, #tpu.memory_space<semaphore_mem>>) attributes {dimension_semantics = [#tpu.dimension_semantics<core_parallel>, #tpu.dimension_semantics<subcore_parallel>], iteration_bounds = array<i64: 2, 16>, scalar_prefetch = 0 : i64, scratch_operands = 5 : i64, tpu.core_type = #tpu.core_type<sc_vector_subcore>, window_params = [{transform_indices = #map}, {transform_indices = #map}, {transform_indices = #map}, {transform_indices = #map}, {transform_indices = #map1}]} {
    %eq3A = arith.constant 0 : i32
    %eq3A_0 = arith.cmpi eq, %arg0, %eq3A : i32
    %lt3A = arith.constant 15 : i32
    %lt3A_1 = arith.cmpi slt, %arg1, %lt3A : i32
    %and3A = arith.andi %eq3A_0, %lt3A_1 : i1
    %convert_element_type3A = arith.extui %and3A : i1 to i32
    %cond3A = arith.constant 0 : i32
    %cond3A_2 = arith.cmpi ne, %convert_element_type3A, %cond3A : i32
    scf.if %cond3A_2 {
      %mul3A_46 = arith.constant 640 : i32
      %mul3A_47 = arith.muli %arg1, %mul3A_46 : i32
      %mul3A_48 = arith.constant 640 : i32
      %mul3A_49 = arith.muli %arg1, %mul3A_48 : i32
      "tpu.region"() ({
        %run_scoped3A = tpu.sem_alloc : memref<!tpu.dma_semaphore, #tpu.memory_space<semaphore_mem>>
        %dma_start3A = arith.constant 0 : i32
        %dma_start3A_50 = tpu.memref_slice %arg10[%mul3A_49, %dma_start3A] : memref<10000x128xf32, #tpu.memory_space<vmem_shared>> -> memref<640x128xf32, #tpu.memory_space<vmem_shared>>
        %dma_start3A_51 = arith.constant 0 : i32
        %dma_start3A_52 = tpu.memref_slice %arg2[%mul3A_47, %dma_start3A_51] : memref<10000x128xf32, #tpu.memory_space<hbm>> -> memref<640x128xf32, #tpu.memory_space<hbm>>
        tpu.enqueue_dma source(%dma_start3A_52 : memref<640x128xf32, #tpu.memory_space<hbm>>) target(%dma_start3A_50 : memref<640x128xf32, #tpu.memory_space<vmem_shared>>) target_semaphore(%run_scoped3A : memref<!tpu.dma_semaphore, #tpu.memory_space<semaphore_mem>>)
        %dma_wait3A = arith.constant 0 : i32
        %dma_wait3A_53 = tpu.memref_slice %arg10[%mul3A_49, %dma_wait3A] : memref<10000x128xf32, #tpu.memory_space<vmem_shared>> -> memref<640x128xf32, #tpu.memory_space<vmem_shared>>
        %dma_wait3A_54 = arith.constant 0 : i32
        %dma_wait3A_55 = tpu.memref_slice %arg2[%mul3A_47, %dma_wait3A_54] : memref<10000x128xf32, #tpu.memory_space<hbm>> -> memref<640x128xf32, #tpu.memory_space<hbm>>
        tpu.wait_dma2 semaphore(%run_scoped3A : memref<!tpu.dma_semaphore, #tpu.memory_space<semaphore_mem>>) src(%dma_wait3A_55 : memref<640x128xf32, #tpu.memory_space<hbm>>) dst(%dma_wait3A_53 : memref<640x128xf32, #tpu.memory_space<vmem_shared>>)
        tpu.yield
      }) : () -> ()
    } else {
    }
    %eq3A_3 = arith.constant 0 : i32
    %eq3A_4 = arith.cmpi eq, %arg0, %eq3A_3 : i32
    %eq3A_5 = arith.constant 15 : i32
    %eq3A_6 = arith.cmpi eq, %arg1, %eq3A_5 : i32
    %and3A_7 = arith.andi %eq3A_4, %eq3A_6 : i1
    %convert_element_type3A_8 = arith.extui %and3A_7 : i1 to i32
    %cond3A_9 = arith.constant 0 : i32
    %cond3A_10 = arith.cmpi ne, %convert_element_type3A_8, %cond3A_9 : i32
    scf.if %cond3A_10 {
      "tpu.region"() ({
        %run_scoped3A = tpu.sem_alloc : memref<!tpu.dma_semaphore, #tpu.memory_space<semaphore_mem>>
        %dma_start3A = arith.constant 9600 : i32
        %dma_start3A_46 = arith.constant 0 : i32
        %dma_start3A_47 = tpu.memref_slice %arg10[%dma_start3A, %dma_start3A_46] : memref<10000x128xf32, #tpu.memory_space<vmem_shared>> -> memref<400x128xf32, #tpu.memory_space<vmem_shared>>
        %dma_start3A_48 = arith.constant 9600 : i32
        %dma_start3A_49 = arith.constant 0 : i32
        %dma_start3A_50 = tpu.memref_slice %arg2[%dma_start3A_48, %dma_start3A_49] : memref<10000x128xf32, #tpu.memory_space<hbm>> -> memref<400x128xf32, #tpu.memory_space<hbm>>
        tpu.enqueue_dma source(%dma_start3A_50 : memref<400x128xf32, #tpu.memory_space<hbm>>) target(%dma_start3A_47 : memref<400x128xf32, #tpu.memory_space<vmem_shared>>) target_semaphore(%run_scoped3A : memref<!tpu.dma_semaphore, #tpu.memory_space<semaphore_mem>>)
        %dma_wait3A = arith.constant 9600 : i32
        %dma_wait3A_51 = arith.constant 0 : i32
        %dma_wait3A_52 = tpu.memref_slice %arg10[%dma_wait3A, %dma_wait3A_51] : memref<10000x128xf32, #tpu.memory_space<vmem_shared>> -> memref<400x128xf32, #tpu.memory_space<vmem_shared>>
        %dma_wait3A_53 = arith.constant 9600 : i32
        %dma_wait3A_54 = arith.constant 0 : i32
        %dma_wait3A_55 = tpu.memref_slice %arg2[%dma_wait3A_53, %dma_wait3A_54] : memref<10000x128xf32, #tpu.memory_space<hbm>> -> memref<400x128xf32, #tpu.memory_space<hbm>>
        tpu.wait_dma2 semaphore(%run_scoped3A : memref<!tpu.dma_semaphore, #tpu.memory_space<semaphore_mem>>) src(%dma_wait3A_55 : memref<400x128xf32, #tpu.memory_space<hbm>>) dst(%dma_wait3A_52 : memref<400x128xf32, #tpu.memory_space<vmem_shared>>)
        tpu.yield
      }) : () -> ()
    } else {
    }
    %eq3A_11 = arith.constant 1 : i32
    %eq3A_12 = arith.cmpi eq, %arg0, %eq3A_11 : i32
    %lt3A_13 = arith.constant 15 : i32
    %lt3A_14 = arith.cmpi slt, %arg1, %lt3A_13 : i32
    %and3A_15 = arith.andi %eq3A_12, %lt3A_14 : i1
    %convert_element_type3A_16 = arith.extui %and3A_15 : i1 to i32
    %cond3A_17 = arith.constant 0 : i32
    %cond3A_18 = arith.cmpi ne, %convert_element_type3A_16, %cond3A_17 : i32
    scf.if %cond3A_18 {
      %mul3A_46 = arith.constant 640 : i32
      %mul3A_47 = arith.muli %arg1, %mul3A_46 : i32
      %mul3A_48 = arith.constant 640 : i32
      %mul3A_49 = arith.muli %arg1, %mul3A_48 : i32
      "tpu.region"() ({
        %run_scoped3A = tpu.sem_alloc : memref<!tpu.dma_semaphore, #tpu.memory_space<semaphore_mem>>
        %dma_start3A = arith.constant 0 : i32
        %dma_start3A_50 = tpu.memref_slice %arg10[%mul3A_49, %dma_start3A] : memref<10000x128xf32, #tpu.memory_space<vmem_shared>> -> memref<640x128xf32, #tpu.memory_space<vmem_shared>>
        %dma_start3A_51 = arith.constant 0 : i32
        %dma_start3A_52 = tpu.memref_slice %arg5[%mul3A_47, %dma_start3A_51] : memref<10000x128xf32, #tpu.memory_space<hbm>> -> memref<640x128xf32, #tpu.memory_space<hbm>>
        tpu.enqueue_dma source(%dma_start3A_52 : memref<640x128xf32, #tpu.memory_space<hbm>>) target(%dma_start3A_50 : memref<640x128xf32, #tpu.memory_space<vmem_shared>>) target_semaphore(%run_scoped3A : memref<!tpu.dma_semaphore, #tpu.memory_space<semaphore_mem>>)
        %dma_wait3A = arith.constant 0 : i32
        %dma_wait3A_53 = tpu.memref_slice %arg10[%mul3A_49, %dma_wait3A] : memref<10000x128xf32, #tpu.memory_space<vmem_shared>> -> memref<640x128xf32, #tpu.memory_space<vmem_shared>>
        %dma_wait3A_54 = arith.constant 0 : i32
        %dma_wait3A_55 = tpu.memref_slice %arg5[%mul3A_47, %dma_wait3A_54] : memref<10000x128xf32, #tpu.memory_space<hbm>> -> memref<640x128xf32, #tpu.memory_space<hbm>>
        tpu.wait_dma2 semaphore(%run_scoped3A : memref<!tpu.dma_semaphore, #tpu.memory_space<semaphore_mem>>) src(%dma_wait3A_55 : memref<640x128xf32, #tpu.memory_space<hbm>>) dst(%dma_wait3A_53 : memref<640x128xf32, #tpu.memory_space<vmem_shared>>)
        tpu.yield
      }) : () -> ()
    } else {
    }
    %eq3A_19 = arith.constant 1 : i32
    %eq3A_20 = arith.cmpi eq, %arg0, %eq3A_19 : i32
    %eq3A_21 = arith.constant 15 : i32
    %eq3A_22 = arith.cmpi eq, %arg1, %eq3A_21 : i32
    %and3A_23 = arith.andi %eq3A_20, %eq3A_22 : i1
    %convert_element_type3A_24 = arith.extui %and3A_23 : i1 to i32
    %cond3A_25 = arith.constant 0 : i32
    %cond3A_26 = arith.cmpi ne, %convert_element_type3A_24, %cond3A_25 : i32
    scf.if %cond3A_26 {
      "tpu.region"() ({
        %run_scoped3A = tpu.sem_alloc : memref<!tpu.dma_semaphore, #tpu.memory_space<semaphore_mem>>
        %dma_start3A = arith.constant 9600 : i32
        %dma_start3A_46 = arith.constant 0 : i32
        %dma_start3A_47 = tpu.memref_slice %arg10[%dma_start3A, %dma_start3A_46] : memref<10000x128xf32, #tpu.memory_space<vmem_shared>> -> memref<400x128xf32, #tpu.memory_space<vmem_shared>>
        %dma_start3A_48 = arith.constant 9600 : i32
        %dma_start3A_49 = arith.constant 0 : i32
        %dma_start3A_50 = tpu.memref_slice %arg5[%dma_start3A_48, %dma_start3A_49] : memref<10000x128xf32, #tpu.memory_space<hbm>> -> memref<400x128xf32, #tpu.memory_space<hbm>>
        tpu.enqueue_dma source(%dma_start3A_50 : memref<400x128xf32, #tpu.memory_space<hbm>>) target(%dma_start3A_47 : memref<400x128xf32, #tpu.memory_space<vmem_shared>>) target_semaphore(%run_scoped3A : memref<!tpu.dma_semaphore, #tpu.memory_space<semaphore_mem>>)
        %dma_wait3A = arith.constant 9600 : i32
        %dma_wait3A_51 = arith.constant 0 : i32
        %dma_wait3A_52 = tpu.memref_slice %arg10[%dma_wait3A, %dma_wait3A_51] : memref<10000x128xf32, #tpu.memory_space<vmem_shared>> -> memref<400x128xf32, #tpu.memory_space<vmem_shared>>
        %dma_wait3A_53 = arith.constant 9600 : i32
        %dma_wait3A_54 = arith.constant 0 : i32
        %dma_wait3A_55 = tpu.memref_slice %arg5[%dma_wait3A_53, %dma_wait3A_54] : memref<10000x128xf32, #tpu.memory_space<hbm>> -> memref<400x128xf32, #tpu.memory_space<hbm>>
        tpu.wait_dma2 semaphore(%run_scoped3A : memref<!tpu.dma_semaphore, #tpu.memory_space<semaphore_mem>>) src(%dma_wait3A_55 : memref<400x128xf32, #tpu.memory_space<hbm>>) dst(%dma_wait3A_52 : memref<400x128xf32, #tpu.memory_space<vmem_shared>>)
        tpu.yield
      }) : () -> ()
    } else {
    }
    %barrier3A = arith.constant 0 : index
    tpu.barrier barrier_id(%barrier3A)
    %mul3A = arith.constant 16 : i32
    %mul3A_27 = arith.muli %arg0, %mul3A : i32
    %add3A = arith.addi %mul3A_27, %arg1 : i32
    %mul3A_28 = arith.constant 80 : i32
    %mul3A_29 = arith.muli %add3A, %mul3A_28 : i32
    "tpu.region"() ({
      %run_scoped3A = tpu.sem_alloc : memref<!tpu.dma_semaphore, #tpu.memory_space<semaphore_mem>>
      %dma_start3A = arith.constant 0 : i32
      %dma_start3A_46 = tpu.memref_slice %arg3[%mul3A_29, %dma_start3A] : memref<2560x125xi32, #tpu.memory_space<hbm>> -> memref<80x125xi32, #tpu.memory_space<hbm>>
      %dma_start3A_47 = arith.constant 0 : i32
      %dma_start3A_48 = tpu.memref_slice %arg3[%mul3A_29, %dma_start3A_47] : memref<2560x125xi32, #tpu.memory_space<hbm>> -> memref<80x125xi32, #tpu.memory_space<hbm>>
      tpu.enqueue_dma source(%dma_start3A_48 : memref<80x125xi32, #tpu.memory_space<hbm>>) target(%arg7 : memref<80x125xi32, #tpu.memory_space<vmem>>) target_semaphore(%run_scoped3A : memref<!tpu.dma_semaphore, #tpu.memory_space<semaphore_mem>>)
      %dma_wait3A = arith.constant 0 : i32
      %dma_wait3A_49 = tpu.memref_slice %arg3[%mul3A_29, %dma_wait3A] : memref<2560x125xi32, #tpu.memory_space<hbm>> -> memref<80x125xi32, #tpu.memory_space<hbm>>
      %dma_wait3A_50 = arith.constant 0 : i32
      %dma_wait3A_51 = tpu.memref_slice %arg3[%mul3A_29, %dma_wait3A_50] : memref<2560x125xi32, #tpu.memory_space<hbm>> -> memref<80x125xi32, #tpu.memory_space<hbm>>
      tpu.wait_dma2 semaphore(%run_scoped3A : memref<!tpu.dma_semaphore, #tpu.memory_space<semaphore_mem>>) src(%dma_wait3A_51 : memref<80x125xi32, #tpu.memory_space<hbm>>) dst(%arg7 : memref<80x125xi32, #tpu.memory_space<vmem>>)
      tpu.yield
    }) : () -> ()
    "tpu.region"() ({
      %run_scoped3A = tpu.sem_alloc : memref<!tpu.dma_semaphore, #tpu.memory_space<semaphore_mem>>
      %dma_start3A = arith.constant 0 : i32
      %dma_start3A_46 = tpu.memref_slice %arg4[%mul3A_29, %dma_start3A] : memref<2560x125xi32, #tpu.memory_space<hbm>> -> memref<80x125xi32, #tpu.memory_space<hbm>>
      %dma_start3A_47 = arith.constant 0 : i32
      %dma_start3A_48 = tpu.memref_slice %arg4[%mul3A_29, %dma_start3A_47] : memref<2560x125xi32, #tpu.memory_space<hbm>> -> memref<80x125xi32, #tpu.memory_space<hbm>>
      tpu.enqueue_dma source(%dma_start3A_48 : memref<80x125xi32, #tpu.memory_space<hbm>>) target(%arg8 : memref<80x125xi32, #tpu.memory_space<vmem>>) target_semaphore(%run_scoped3A : memref<!tpu.dma_semaphore, #tpu.memory_space<semaphore_mem>>)
      %dma_wait3A = arith.constant 0 : i32
      %dma_wait3A_49 = tpu.memref_slice %arg4[%mul3A_29, %dma_wait3A] : memref<2560x125xi32, #tpu.memory_space<hbm>> -> memref<80x125xi32, #tpu.memory_space<hbm>>
      %dma_wait3A_50 = arith.constant 0 : i32
      %dma_wait3A_51 = tpu.memref_slice %arg4[%mul3A_29, %dma_wait3A_50] : memref<2560x125xi32, #tpu.memory_space<hbm>> -> memref<80x125xi32, #tpu.memory_space<hbm>>
      tpu.wait_dma2 semaphore(%run_scoped3A : memref<!tpu.dma_semaphore, #tpu.memory_space<semaphore_mem>>) src(%dma_wait3A_51 : memref<80x125xi32, #tpu.memory_space<hbm>>) dst(%arg8 : memref<80x125xi32, #tpu.memory_space<vmem>>)
      tpu.yield
    }) : () -> ()
    %scan3A = arith.constant 0 : i32
    %scan3A_30 = arith.constant 0 : i32
    %scan3A_31 = arith.constant 80 : i32
    %scan3A_32 = arith.addi %scan3A_30, %scan3A_31 : i32
    %scan3A_33 = arith.constant 1 : i32
    scf.for %scan3A_46 = %scan3A_30 to %scan3A_32 step %scan3A_33  : i32 {
      %dma_start3A = arith.constant 0 : i32
      %dma_start3A_47 = tpu.memref_slice %arg7[%scan3A_46, %dma_start3A] : memref<80x125xi32, #tpu.memory_space<vmem>> -> memref<1x125xi32, #tpu.memory_space<vmem>>
      %dma_start3A_48 = tpu.memref_squeeze %dma_start3A_47 : memref<1x125xi32, #tpu.memory_space<vmem>> -> memref<125xi32, #tpu.memory_space<vmem>>
      %dma_start3A_49 = arith.constant 0 : i32
      %dma_start3A_50 = arith.constant 0 : i32
      %dma_start3A_51 = tpu.memref_slice %arg2[%dma_start3A_49, %dma_start3A_50] : memref<10000x128xf32, #tpu.memory_space<hbm>> -> memref<10000x128xf32, #tpu.memory_space<hbm>>
      tpu.enqueue_indirect_dma source(%dma_start3A_51 : memref<10000x128xf32, #tpu.memory_space<hbm>>) target(%arg9 : memref<125x128xf32, #tpu.memory_space<vmem>>) offsets(%dma_start3A_48 : memref<125xi32, #tpu.memory_space<vmem>>) semaphore(%arg11 : memref<!tpu.dma_semaphore, #tpu.memory_space<semaphore_mem>>)
      %dma_wait3A = arith.constant 0 : i32
      %dma_wait3A_52 = tpu.memref_slice %arg7[%scan3A_46, %dma_wait3A] : memref<80x125xi32, #tpu.memory_space<vmem>> -> memref<1x125xi32, #tpu.memory_space<vmem>>
      %dma_wait3A_53 = tpu.memref_squeeze %dma_wait3A_52 : memref<1x125xi32, #tpu.memory_space<vmem>> -> memref<125xi32, #tpu.memory_space<vmem>>
      %dma_wait3A_54 = arith.constant 0 : i32
      %dma_wait3A_55 = arith.constant 0 : i32
      %dma_wait3A_56 = tpu.memref_slice %arg2[%dma_wait3A_54, %dma_wait3A_55] : memref<10000x128xf32, #tpu.memory_space<hbm>> -> memref<10000x128xf32, #tpu.memory_space<hbm>>
      tpu.wait_indirect_dma semaphore(%arg11 : memref<!tpu.dma_semaphore, #tpu.memory_space<semaphore_mem>>) src(%dma_wait3A_56 : memref<10000x128xf32, #tpu.memory_space<hbm>>) dst(%arg9 : memref<125x128xf32, #tpu.memory_space<vmem>>)
      "tpu.region"() ({
        %run_scoped3A = tpu.sem_alloc : memref<!tpu.dma_semaphore, #tpu.memory_space<semaphore_mem>>
        %dma_start3A_57 = arith.constant 0 : i32
        %dma_start3A_58 = tpu.memref_slice %arg8[%scan3A_46, %dma_start3A_57] : memref<80x125xi32, #tpu.memory_space<vmem>> -> memref<1x125xi32, #tpu.memory_space<vmem>>
        %dma_start3A_59 = tpu.memref_squeeze %dma_start3A_58 : memref<1x125xi32, #tpu.memory_space<vmem>> -> memref<125xi32, #tpu.memory_space<vmem>>
        %dma_start3A_60 = arith.constant 0 : i32
        %dma_start3A_61 = arith.constant 0 : i32
        %dma_start3A_62 = tpu.memref_slice %arg10[%dma_start3A_60, %dma_start3A_61] : memref<10000x128xf32, #tpu.memory_space<vmem_shared>> -> memref<10000x128xf32, #tpu.memory_space<vmem_shared>>
        tpu.enqueue_indirect_dma source(%arg9 : memref<125x128xf32, #tpu.memory_space<vmem>>) target(%dma_start3A_62 : memref<10000x128xf32, #tpu.memory_space<vmem_shared>>) offsets(%dma_start3A_59 : memref<125xi32, #tpu.memory_space<vmem>>) semaphore(%run_scoped3A : memref<!tpu.dma_semaphore, #tpu.memory_space<semaphore_mem>>) {add = true}
        %dma_wait3A_63 = arith.constant 0 : i32
        %dma_wait3A_64 = tpu.memref_slice %arg8[%scan3A_46, %dma_wait3A_63] : memref<80x125xi32, #tpu.memory_space<vmem>> -> memref<1x125xi32, #tpu.memory_space<vmem>>
        %dma_wait3A_65 = tpu.memref_squeeze %dma_wait3A_64 : memref<1x125xi32, #tpu.memory_space<vmem>> -> memref<125xi32, #tpu.memory_space<vmem>>
        %dma_wait3A_66 = arith.constant 0 : i32
        %dma_wait3A_67 = arith.constant 0 : i32
        %dma_wait3A_68 = tpu.memref_slice %arg10[%dma_wait3A_66, %dma_wait3A_67] : memref<10000x128xf32, #tpu.memory_space<vmem_shared>> -> memref<10000x128xf32, #tpu.memory_space<vmem_shared>>
        tpu.wait_indirect_dma semaphore(%run_scoped3A : memref<!tpu.dma_semaphore, #tpu.memory_space<semaphore_mem>>) src(%arg9 : memref<125x128xf32, #tpu.memory_space<vmem>>) dst(%dma_wait3A_68 : memref<10000x128xf32, #tpu.memory_space<vmem_shared>>)
        tpu.yield
      }) : () -> ()
    }
    %scan3A_34 = arith.constant 80 : i32
    %barrier3A_35 = arith.constant 0 : index
    tpu.barrier barrier_id(%barrier3A_35)
    %lt3A_36 = arith.constant 15 : i32
    %lt3A_37 = arith.cmpi slt, %arg1, %lt3A_36 : i32
    %convert_element_type3A_38 = arith.extui %lt3A_37 : i1 to i32
    %cond3A_39 = arith.constant 0 : i32
    %cond3A_40 = arith.cmpi ne, %convert_element_type3A_38, %cond3A_39 : i32
    scf.if %cond3A_40 {
      %mul3A_46 = arith.constant 640 : i32
      %mul3A_47 = arith.muli %arg1, %mul3A_46 : i32
      %mul3A_48 = arith.constant 640 : i32
      %mul3A_49 = arith.muli %arg1, %mul3A_48 : i32
      "tpu.region"() ({
        %run_scoped3A = tpu.sem_alloc : memref<!tpu.dma_semaphore, #tpu.memory_space<semaphore_mem>>
        %dma_start3A = arith.constant 0 : i32
        %dma_start3A_50 = tpu.memref_slice %arg6[%arg0, %mul3A_49, %dma_start3A] : memref<2x10000x128xf32, #tpu.memory_space<hbm>> -> memref<1x640x128xf32, #tpu.memory_space<hbm>>
        %dma_start3A_51 = tpu.memref_squeeze %dma_start3A_50 : memref<1x640x128xf32, #tpu.memory_space<hbm>> -> memref<640x128xf32, #tpu.memory_space<hbm>>
        %dma_start3A_52 = arith.constant 0 : i32
        %dma_start3A_53 = tpu.memref_slice %arg10[%mul3A_47, %dma_start3A_52] : memref<10000x128xf32, #tpu.memory_space<vmem_shared>> -> memref<640x128xf32, #tpu.memory_space<vmem_shared>>
        tpu.enqueue_dma source(%dma_start3A_53 : memref<640x128xf32, #tpu.memory_space<vmem_shared>>) target(%dma_start3A_51 : memref<640x128xf32, #tpu.memory_space<hbm>>) target_semaphore(%run_scoped3A : memref<!tpu.dma_semaphore, #tpu.memory_space<semaphore_mem>>)
        %dma_wait3A = arith.constant 0 : i32
        %dma_wait3A_54 = tpu.memref_slice %arg6[%arg0, %mul3A_49, %dma_wait3A] : memref<2x10000x128xf32, #tpu.memory_space<hbm>> -> memref<1x640x128xf32, #tpu.memory_space<hbm>>
        %dma_wait3A_55 = tpu.memref_squeeze %dma_wait3A_54 : memref<1x640x128xf32, #tpu.memory_space<hbm>> -> memref<640x128xf32, #tpu.memory_space<hbm>>
        %dma_wait3A_56 = arith.constant 0 : i32
        %dma_wait3A_57 = tpu.memref_slice %arg10[%mul3A_47, %dma_wait3A_56] : memref<10000x128xf32, #tpu.memory_space<vmem_shared>> -> memref<640x128xf32, #tpu.memory_space<vmem_shared>>
        tpu.wait_dma2 semaphore(%run_scoped3A : memref<!tpu.dma_semaphore, #tpu.memory_space<semaphore_mem>>) src(%dma_wait3A_57 : memref<640x128xf32, #tpu.memory_space<vmem_shared>>) dst(%dma_wait3A_55 : memref<640x128xf32, #tpu.memory_space<hbm>>)
        tpu.yield
      }) : () -> ()
    } else {
    }
    %eq3A_41 = arith.constant 15 : i32
    %eq3A_42 = arith.cmpi eq, %arg1, %eq3A_41 : i32
    %convert_element_type3A_43 = arith.extui %eq3A_42 : i1 to i32
    %cond3A_44 = arith.constant 0 : i32
    %cond3A_45 = arith.cmpi ne, %convert_element_type3A_43, %cond3A_44 : i32
    scf.if %cond3A_45 {
      "tpu.region"() ({
        %run_scoped3A = tpu.sem_alloc : memref<!tpu.dma_semaphore, #tpu.memory_space<semaphore_mem>>
        %dma_start3A = arith.constant 9600 : i32
        %dma_start3A_46 = arith.constant 0 : i32
        %dma_start3A_47 = tpu.memref_slice %arg6[%arg0, %dma_start3A, %dma_start3A_46] : memref<2x10000x128xf32, #tpu.memory_space<hbm>> -> memref<1x400x128xf32, #tpu.memory_space<hbm>>
        %dma_start3A_48 = tpu.memref_squeeze %dma_start3A_47 : memref<1x400x128xf32, #tpu.memory_space<hbm>> -> memref<400x128xf32, #tpu.memory_space<hbm>>
        %dma_start3A_49 = arith.constant 9600 : i32
        %dma_start3A_50 = arith.constant 0 : i32
        %dma_start3A_51 = tpu.memref_slice %arg10[%dma_start3A_49, %dma_start3A_50] : memref<10000x128xf32, #tpu.memory_space<vmem_shared>> -> memref<400x128xf32, #tpu.memory_space<vmem_shared>>
        tpu.enqueue_dma source(%dma_start3A_51 : memref<400x128xf32, #tpu.memory_space<vmem_shared>>) target(%dma_start3A_48 : memref<400x128xf32, #tpu.memory_space<hbm>>) target_semaphore(%run_scoped3A : memref<!tpu.dma_semaphore, #tpu.memory_space<semaphore_mem>>)
        %dma_wait3A = arith.constant 9600 : i32
        %dma_wait3A_52 = arith.constant 0 : i32
        %dma_wait3A_53 = tpu.memref_slice %arg6[%arg0, %dma_wait3A, %dma_wait3A_52] : memref<2x10000x128xf32, #tpu.memory_space<hbm>> -> memref<1x400x128xf32, #tpu.memory_space<hbm>>
        %dma_wait3A_54 = tpu.memref_squeeze %dma_wait3A_53 : memref<1x400x128xf32, #tpu.memory_space<hbm>> -> memref<400x128xf32, #tpu.memory_space<hbm>>
        %dma_wait3A_55 = arith.constant 9600 : i32
        %dma_wait3A_56 = arith.constant 0 : i32
        %dma_wait3A_57 = tpu.memref_slice %arg10[%dma_wait3A_55, %dma_wait3A_56] : memref<10000x128xf32, #tpu.memory_space<vmem_shared>> -> memref<400x128xf32, #tpu.memory_space<vmem_shared>>
        tpu.wait_dma2 semaphore(%run_scoped3A : memref<!tpu.dma_semaphore, #tpu.memory_space<semaphore_mem>>) src(%dma_wait3A_57 : memref<400x128xf32, #tpu.memory_space<vmem_shared>>) dst(%dma_wait3A_54 : memref<400x128xf32, #tpu.memory_space<hbm>>)
        tpu.yield
      }) : () -> ()
    } else {
    }
    return
  }
}

#map = affine_map<(d0, d1) -> (0, 0)>
#map1 = affine_map<(d0, d1) -> (0, 0, 0)>
module attributes {stable_mosaic.version = 14 : i64} {
  func.func @_edge_body(%arg0: i32, %arg1: i32, %arg2: memref<10000x128xf32, #tpu.memory_space<hbm>>, %arg3: memref<2560x125xi32, #tpu.memory_space<hbm>>, %arg4: memref<2560x125xi32, #tpu.memory_space<hbm>>, %arg5: memref<10000x128xf32, #tpu.memory_space<hbm>>, %arg6: memref<2x10000x128xf32, #tpu.memory_space<hbm>>, %arg7: memref<80x125xi32, #tpu.memory_space<vmem>>, %arg8: memref<80x125xi32, #tpu.memory_space<vmem>>, %arg9: memref<125x128xf32, #tpu.memory_space<vmem>>, %arg10: memref<10000x128xf32, #tpu.memory_space<vmem_shared>>, %arg11: memref<!tpu.dma_semaphore, #tpu.memory_space<semaphore_mem>>) attributes {dimension_semantics = [#tpu.dimension_semantics<core_parallel>, #tpu.dimension_semantics<subcore_parallel>], iteration_bounds = array<i64: 2, 16>, scalar_prefetch = 0 : i64, scratch_operands = 5 : i64, tpu.core_type = #tpu.core_type<sc_vector_subcore>, window_params = [{transform_indices = #map}, {transform_indices = #map}, {transform_indices = #map}, {transform_indices = #map}, {transform_indices = #map1}]} {
    %eq3A = arith.constant 0 : i32
    %eq3A_0 = arith.cmpi eq, %arg0, %eq3A : i32
    %lt3A = arith.constant 15 : i32
    %lt3A_1 = arith.cmpi slt, %arg1, %lt3A : i32
    %and3A = arith.andi %eq3A_0, %lt3A_1 : i1
    %convert_element_type3A = arith.extui %and3A : i1 to i32
    %cond3A = arith.constant 0 : i32
    %cond3A_2 = arith.cmpi ne, %convert_element_type3A, %cond3A : i32
    scf.if %cond3A_2 {
      %mul3A_46 = arith.constant 640 : i32
      %mul3A_47 = arith.muli %arg1, %mul3A_46 : i32
      %mul3A_48 = arith.constant 640 : i32
      %mul3A_49 = arith.muli %arg1, %mul3A_48 : i32
      "tpu.region"() ({
        %run_scoped3A = tpu.sem_alloc : memref<!tpu.dma_semaphore, #tpu.memory_space<semaphore_mem>>
        %dma_start3A = arith.constant 0 : i32
        %dma_start3A_50 = tpu.memref_slice %arg10[%mul3A_49, %dma_start3A] : memref<10000x128xf32, #tpu.memory_space<vmem_shared>> -> memref<640x128xf32, #tpu.memory_space<vmem_shared>>
        %dma_start3A_51 = arith.constant 0 : i32
        %dma_start3A_52 = tpu.memref_slice %arg2[%mul3A_47, %dma_start3A_51] : memref<10000x128xf32, #tpu.memory_space<hbm>> -> memref<640x128xf32, #tpu.memory_space<hbm>>
        tpu.enqueue_dma source(%dma_start3A_52 : memref<640x128xf32, #tpu.memory_space<hbm>>) target(%dma_start3A_50 : memref<640x128xf32, #tpu.memory_space<vmem_shared>>) target_semaphore(%run_scoped3A : memref<!tpu.dma_semaphore, #tpu.memory_space<semaphore_mem>>)
        %dma_wait3A = arith.constant 0 : i32
        %dma_wait3A_53 = tpu.memref_slice %arg10[%mul3A_49, %dma_wait3A] : memref<10000x128xf32, #tpu.memory_space<vmem_shared>> -> memref<640x128xf32, #tpu.memory_space<vmem_shared>>
        %dma_wait3A_54 = arith.constant 0 : i32
        %dma_wait3A_55 = tpu.memref_slice %arg2[%mul3A_47, %dma_wait3A_54] : memref<10000x128xf32, #tpu.memory_space<hbm>> -> memref<640x128xf32, #tpu.memory_space<hbm>>
        tpu.wait_dma2 semaphore(%run_scoped3A : memref<!tpu.dma_semaphore, #tpu.memory_space<semaphore_mem>>) src(%dma_wait3A_55 : memref<640x128xf32, #tpu.memory_space<hbm>>) dst(%dma_wait3A_53 : memref<640x128xf32, #tpu.memory_space<vmem_shared>>)
        tpu.yield
      }) : () -> ()
    } else {
    }
    %eq3A_3 = arith.constant 0 : i32
    %eq3A_4 = arith.cmpi eq, %arg0, %eq3A_3 : i32
    %eq3A_5 = arith.constant 15 : i32
    %eq3A_6 = arith.cmpi eq, %arg1, %eq3A_5 : i32
    %and3A_7 = arith.andi %eq3A_4, %eq3A_6 : i1
    %convert_element_type3A_8 = arith.extui %and3A_7 : i1 to i32
    %cond3A_9 = arith.constant 0 : i32
    %cond3A_10 = arith.cmpi ne, %convert_element_type3A_8, %cond3A_9 : i32
    scf.if %cond3A_10 {
      "tpu.region"() ({
        %run_scoped3A = tpu.sem_alloc : memref<!tpu.dma_semaphore, #tpu.memory_space<semaphore_mem>>
        %dma_start3A = arith.constant 9600 : i32
        %dma_start3A_46 = arith.constant 0 : i32
        %dma_start3A_47 = tpu.memref_slice %arg10[%dma_start3A, %dma_start3A_46] : memref<10000x128xf32, #tpu.memory_space<vmem_shared>> -> memref<400x128xf32, #tpu.memory_space<vmem_shared>>
        %dma_start3A_48 = arith.constant 9600 : i32
        %dma_start3A_49 = arith.constant 0 : i32
        %dma_start3A_50 = tpu.memref_slice %arg2[%dma_start3A_48, %dma_start3A_49] : memref<10000x128xf32, #tpu.memory_space<hbm>> -> memref<400x128xf32, #tpu.memory_space<hbm>>
        tpu.enqueue_dma source(%dma_start3A_50 : memref<400x128xf32, #tpu.memory_space<hbm>>) target(%dma_start3A_47 : memref<400x128xf32, #tpu.memory_space<vmem_shared>>) target_semaphore(%run_scoped3A : memref<!tpu.dma_semaphore, #tpu.memory_space<semaphore_mem>>)
        %dma_wait3A = arith.constant 9600 : i32
        %dma_wait3A_51 = arith.constant 0 : i32
        %dma_wait3A_52 = tpu.memref_slice %arg10[%dma_wait3A, %dma_wait3A_51] : memref<10000x128xf32, #tpu.memory_space<vmem_shared>> -> memref<400x128xf32, #tpu.memory_space<vmem_shared>>
        %dma_wait3A_53 = arith.constant 9600 : i32
        %dma_wait3A_54 = arith.constant 0 : i32
        %dma_wait3A_55 = tpu.memref_slice %arg2[%dma_wait3A_53, %dma_wait3A_54] : memref<10000x128xf32, #tpu.memory_space<hbm>> -> memref<400x128xf32, #tpu.memory_space<hbm>>
        tpu.wait_dma2 semaphore(%run_scoped3A : memref<!tpu.dma_semaphore, #tpu.memory_space<semaphore_mem>>) src(%dma_wait3A_55 : memref<400x128xf32, #tpu.memory_space<hbm>>) dst(%dma_wait3A_52 : memref<400x128xf32, #tpu.memory_space<vmem_shared>>)
        tpu.yield
      }) : () -> ()
    } else {
    }
    %eq3A_11 = arith.constant 1 : i32
    %eq3A_12 = arith.cmpi eq, %arg0, %eq3A_11 : i32
    %lt3A_13 = arith.constant 15 : i32
    %lt3A_14 = arith.cmpi slt, %arg1, %lt3A_13 : i32
    %and3A_15 = arith.andi %eq3A_12, %lt3A_14 : i1
    %convert_element_type3A_16 = arith.extui %and3A_15 : i1 to i32
    %cond3A_17 = arith.constant 0 : i32
    %cond3A_18 = arith.cmpi ne, %convert_element_type3A_16, %cond3A_17 : i32
    scf.if %cond3A_18 {
      %mul3A_46 = arith.constant 640 : i32
      %mul3A_47 = arith.muli %arg1, %mul3A_46 : i32
      %mul3A_48 = arith.constant 640 : i32
      %mul3A_49 = arith.muli %arg1, %mul3A_48 : i32
      "tpu.region"() ({
        %run_scoped3A = tpu.sem_alloc : memref<!tpu.dma_semaphore, #tpu.memory_space<semaphore_mem>>
        %dma_start3A = arith.constant 0 : i32
        %dma_start3A_50 = tpu.memref_slice %arg10[%mul3A_49, %dma_start3A] : memref<10000x128xf32, #tpu.memory_space<vmem_shared>> -> memref<640x128xf32, #tpu.memory_space<vmem_shared>>
        %dma_start3A_51 = arith.constant 0 : i32
        %dma_start3A_52 = tpu.memref_slice %arg5[%mul3A_47, %dma_start3A_51] : memref<10000x128xf32, #tpu.memory_space<hbm>> -> memref<640x128xf32, #tpu.memory_space<hbm>>
        tpu.enqueue_dma source(%dma_start3A_52 : memref<640x128xf32, #tpu.memory_space<hbm>>) target(%dma_start3A_50 : memref<640x128xf32, #tpu.memory_space<vmem_shared>>) target_semaphore(%run_scoped3A : memref<!tpu.dma_semaphore, #tpu.memory_space<semaphore_mem>>)
        %dma_wait3A = arith.constant 0 : i32
        %dma_wait3A_53 = tpu.memref_slice %arg10[%mul3A_49, %dma_wait3A] : memref<10000x128xf32, #tpu.memory_space<vmem_shared>> -> memref<640x128xf32, #tpu.memory_space<vmem_shared>>
        %dma_wait3A_54 = arith.constant 0 : i32
        %dma_wait3A_55 = tpu.memref_slice %arg5[%mul3A_47, %dma_wait3A_54] : memref<10000x128xf32, #tpu.memory_space<hbm>> -> memref<640x128xf32, #tpu.memory_space<hbm>>
        tpu.wait_dma2 semaphore(%run_scoped3A : memref<!tpu.dma_semaphore, #tpu.memory_space<semaphore_mem>>) src(%dma_wait3A_55 : memref<640x128xf32, #tpu.memory_space<hbm>>) dst(%dma_wait3A_53 : memref<640x128xf32, #tpu.memory_space<vmem_shared>>)
        tpu.yield
      }) : () -> ()
    } else {
    }
    %eq3A_19 = arith.constant 1 : i32
    %eq3A_20 = arith.cmpi eq, %arg0, %eq3A_19 : i32
    %eq3A_21 = arith.constant 15 : i32
    %eq3A_22 = arith.cmpi eq, %arg1, %eq3A_21 : i32
    %and3A_23 = arith.andi %eq3A_20, %eq3A_22 : i1
    %convert_element_type3A_24 = arith.extui %and3A_23 : i1 to i32
    %cond3A_25 = arith.constant 0 : i32
    %cond3A_26 = arith.cmpi ne, %convert_element_type3A_24, %cond3A_25 : i32
    scf.if %cond3A_26 {
      "tpu.region"() ({
        %run_scoped3A = tpu.sem_alloc : memref<!tpu.dma_semaphore, #tpu.memory_space<semaphore_mem>>
        %dma_start3A = arith.constant 9600 : i32
        %dma_start3A_46 = arith.constant 0 : i32
        %dma_start3A_47 = tpu.memref_slice %arg10[%dma_start3A, %dma_start3A_46] : memref<10000x128xf32, #tpu.memory_space<vmem_shared>> -> memref<400x128xf32, #tpu.memory_space<vmem_shared>>
        %dma_start3A_48 = arith.constant 9600 : i32
        %dma_start3A_49 = arith.constant 0 : i32
        %dma_start3A_50 = tpu.memref_slice %arg5[%dma_start3A_48, %dma_start3A_49] : memref<10000x128xf32, #tpu.memory_space<hbm>> -> memref<400x128xf32, #tpu.memory_space<hbm>>
        tpu.enqueue_dma source(%dma_start3A_50 : memref<400x128xf32, #tpu.memory_space<hbm>>) target(%dma_start3A_47 : memref<400x128xf32, #tpu.memory_space<vmem_shared>>) target_semaphore(%run_scoped3A : memref<!tpu.dma_semaphore, #tpu.memory_space<semaphore_mem>>)
        %dma_wait3A = arith.constant 9600 : i32
        %dma_wait3A_51 = arith.constant 0 : i32
        %dma_wait3A_52 = tpu.memref_slice %arg10[%dma_wait3A, %dma_wait3A_51] : memref<10000x128xf32, #tpu.memory_space<vmem_shared>> -> memref<400x128xf32, #tpu.memory_space<vmem_shared>>
        %dma_wait3A_53 = arith.constant 9600 : i32
        %dma_wait3A_54 = arith.constant 0 : i32
        %dma_wait3A_55 = tpu.memref_slice %arg5[%dma_wait3A_53, %dma_wait3A_54] : memref<10000x128xf32, #tpu.memory_space<hbm>> -> memref<400x128xf32, #tpu.memory_space<hbm>>
        tpu.wait_dma2 semaphore(%run_scoped3A : memref<!tpu.dma_semaphore, #tpu.memory_space<semaphore_mem>>) src(%dma_wait3A_55 : memref<400x128xf32, #tpu.memory_space<hbm>>) dst(%dma_wait3A_52 : memref<400x128xf32, #tpu.memory_space<vmem_shared>>)
        tpu.yield
      }) : () -> ()
    } else {
    }
    %barrier3A = arith.constant 0 : index
    tpu.barrier barrier_id(%barrier3A)
    %mul3A = arith.constant 16 : i32
    %mul3A_27 = arith.muli %arg0, %mul3A : i32
    %add3A = arith.addi %mul3A_27, %arg1 : i32
    %mul3A_28 = arith.constant 80 : i32
    %mul3A_29 = arith.muli %add3A, %mul3A_28 : i32
    "tpu.region"() ({
      %run_scoped3A = tpu.sem_alloc : memref<!tpu.dma_semaphore, #tpu.memory_space<semaphore_mem>>
      %dma_start3A = arith.constant 0 : i32
      %dma_start3A_46 = tpu.memref_slice %arg3[%mul3A_29, %dma_start3A] : memref<2560x125xi32, #tpu.memory_space<hbm>> -> memref<80x125xi32, #tpu.memory_space<hbm>>
      %dma_start3A_47 = arith.constant 0 : i32
      %dma_start3A_48 = tpu.memref_slice %arg3[%mul3A_29, %dma_start3A_47] : memref<2560x125xi32, #tpu.memory_space<hbm>> -> memref<80x125xi32, #tpu.memory_space<hbm>>
      tpu.enqueue_dma source(%dma_start3A_48 : memref<80x125xi32, #tpu.memory_space<hbm>>) target(%arg7 : memref<80x125xi32, #tpu.memory_space<vmem>>) target_semaphore(%run_scoped3A : memref<!tpu.dma_semaphore, #tpu.memory_space<semaphore_mem>>)
      %dma_wait3A = arith.constant 0 : i32
      %dma_wait3A_49 = tpu.memref_slice %arg3[%mul3A_29, %dma_wait3A] : memref<2560x125xi32, #tpu.memory_space<hbm>> -> memref<80x125xi32, #tpu.memory_space<hbm>>
      %dma_wait3A_50 = arith.constant 0 : i32
      %dma_wait3A_51 = tpu.memref_slice %arg3[%mul3A_29, %dma_wait3A_50] : memref<2560x125xi32, #tpu.memory_space<hbm>> -> memref<80x125xi32, #tpu.memory_space<hbm>>
      tpu.wait_dma2 semaphore(%run_scoped3A : memref<!tpu.dma_semaphore, #tpu.memory_space<semaphore_mem>>) src(%dma_wait3A_51 : memref<80x125xi32, #tpu.memory_space<hbm>>) dst(%arg7 : memref<80x125xi32, #tpu.memory_space<vmem>>)
      tpu.yield
    }) : () -> ()
    "tpu.region"() ({
      %run_scoped3A = tpu.sem_alloc : memref<!tpu.dma_semaphore, #tpu.memory_space<semaphore_mem>>
      %dma_start3A = arith.constant 0 : i32
      %dma_start3A_46 = tpu.memref_slice %arg4[%mul3A_29, %dma_start3A] : memref<2560x125xi32, #tpu.memory_space<hbm>> -> memref<80x125xi32, #tpu.memory_space<hbm>>
      %dma_start3A_47 = arith.constant 0 : i32
      %dma_start3A_48 = tpu.memref_slice %arg4[%mul3A_29, %dma_start3A_47] : memref<2560x125xi32, #tpu.memory_space<hbm>> -> memref<80x125xi32, #tpu.memory_space<hbm>>
      tpu.enqueue_dma source(%dma_start3A_48 : memref<80x125xi32, #tpu.memory_space<hbm>>) target(%arg8 : memref<80x125xi32, #tpu.memory_space<vmem>>) target_semaphore(%run_scoped3A : memref<!tpu.dma_semaphore, #tpu.memory_space<semaphore_mem>>)
      %dma_wait3A = arith.constant 0 : i32
      %dma_wait3A_49 = tpu.memref_slice %arg4[%mul3A_29, %dma_wait3A] : memref<2560x125xi32, #tpu.memory_space<hbm>> -> memref<80x125xi32, #tpu.memory_space<hbm>>
      %dma_wait3A_50 = arith.constant 0 : i32
      %dma_wait3A_51 = tpu.memref_slice %arg4[%mul3A_29, %dma_wait3A_50] : memref<2560x125xi32, #tpu.memory_space<hbm>> -> memref<80x125xi32, #tpu.memory_space<hbm>>
      tpu.wait_dma2 semaphore(%run_scoped3A : memref<!tpu.dma_semaphore, #tpu.memory_space<semaphore_mem>>) src(%dma_wait3A_51 : memref<80x125xi32, #tpu.memory_space<hbm>>) dst(%arg8 : memref<80x125xi32, #tpu.memory_space<vmem>>)
      tpu.yield
    }) : () -> ()
    %scan3A = arith.constant 0 : i32
    %scan3A_30 = arith.constant 0 : i32
    %scan3A_31 = arith.constant 80 : i32
    %scan3A_32 = arith.addi %scan3A_30, %scan3A_31 : i32
    %scan3A_33 = arith.constant 1 : i32
    scf.for %scan3A_46 = %scan3A_30 to %scan3A_32 step %scan3A_33  : i32 {
      %dma_start3A = arith.constant 0 : i32
      %dma_start3A_47 = tpu.memref_slice %arg7[%scan3A_46, %dma_start3A] : memref<80x125xi32, #tpu.memory_space<vmem>> -> memref<1x125xi32, #tpu.memory_space<vmem>>
      %dma_start3A_48 = tpu.memref_squeeze %dma_start3A_47 : memref<1x125xi32, #tpu.memory_space<vmem>> -> memref<125xi32, #tpu.memory_space<vmem>>
      %dma_start3A_49 = arith.constant 0 : i32
      %dma_start3A_50 = arith.constant 0 : i32
      %dma_start3A_51 = tpu.memref_slice %arg2[%dma_start3A_49, %dma_start3A_50] : memref<10000x128xf32, #tpu.memory_space<hbm>> -> memref<10000x128xf32, #tpu.memory_space<hbm>>
      tpu.enqueue_indirect_dma source(%dma_start3A_51 : memref<10000x128xf32, #tpu.memory_space<hbm>>) target(%arg9 : memref<125x128xf32, #tpu.memory_space<vmem>>) offsets(%dma_start3A_48 : memref<125xi32, #tpu.memory_space<vmem>>) semaphore(%arg11 : memref<!tpu.dma_semaphore, #tpu.memory_space<semaphore_mem>>)
      %dma_wait3A = arith.constant 0 : i32
      %dma_wait3A_52 = tpu.memref_slice %arg7[%scan3A_46, %dma_wait3A] : memref<80x125xi32, #tpu.memory_space<vmem>> -> memref<1x125xi32, #tpu.memory_space<vmem>>
      %dma_wait3A_53 = tpu.memref_squeeze %dma_wait3A_52 : memref<1x125xi32, #tpu.memory_space<vmem>> -> memref<125xi32, #tpu.memory_space<vmem>>
      %dma_wait3A_54 = arith.constant 0 : i32
      %dma_wait3A_55 = arith.constant 0 : i32
      %dma_wait3A_56 = tpu.memref_slice %arg2[%dma_wait3A_54, %dma_wait3A_55] : memref<10000x128xf32, #tpu.memory_space<hbm>> -> memref<10000x128xf32, #tpu.memory_space<hbm>>
      tpu.wait_indirect_dma semaphore(%arg11 : memref<!tpu.dma_semaphore, #tpu.memory_space<semaphore_mem>>) src(%dma_wait3A_56 : memref<10000x128xf32, #tpu.memory_space<hbm>>) dst(%arg9 : memref<125x128xf32, #tpu.memory_space<vmem>>)
      "tpu.region"() ({
        %run_scoped3A = tpu.sem_alloc : memref<!tpu.dma_semaphore, #tpu.memory_space<semaphore_mem>>
        %dma_start3A_57 = arith.constant 0 : i32
        %dma_start3A_58 = tpu.memref_slice %arg8[%scan3A_46, %dma_start3A_57] : memref<80x125xi32, #tpu.memory_space<vmem>> -> memref<1x125xi32, #tpu.memory_space<vmem>>
        %dma_start3A_59 = tpu.memref_squeeze %dma_start3A_58 : memref<1x125xi32, #tpu.memory_space<vmem>> -> memref<125xi32, #tpu.memory_space<vmem>>
        %dma_start3A_60 = arith.constant 0 : i32
        %dma_start3A_61 = arith.constant 0 : i32
        %dma_start3A_62 = tpu.memref_slice %arg10[%dma_start3A_60, %dma_start3A_61] : memref<10000x128xf32, #tpu.memory_space<vmem_shared>> -> memref<10000x128xf32, #tpu.memory_space<vmem_shared>>
        tpu.enqueue_indirect_dma source(%arg9 : memref<125x128xf32, #tpu.memory_space<vmem>>) target(%dma_start3A_62 : memref<10000x128xf32, #tpu.memory_space<vmem_shared>>) offsets(%dma_start3A_59 : memref<125xi32, #tpu.memory_space<vmem>>) semaphore(%run_scoped3A : memref<!tpu.dma_semaphore, #tpu.memory_space<semaphore_mem>>) {add = true}
        %dma_wait3A_63 = arith.constant 0 : i32
        %dma_wait3A_64 = tpu.memref_slice %arg8[%scan3A_46, %dma_wait3A_63] : memref<80x125xi32, #tpu.memory_space<vmem>> -> memref<1x125xi32, #tpu.memory_space<vmem>>
        %dma_wait3A_65 = tpu.memref_squeeze %dma_wait3A_64 : memref<1x125xi32, #tpu.memory_space<vmem>> -> memref<125xi32, #tpu.memory_space<vmem>>
        %dma_wait3A_66 = arith.constant 0 : i32
        %dma_wait3A_67 = arith.constant 0 : i32
        %dma_wait3A_68 = tpu.memref_slice %arg10[%dma_wait3A_66, %dma_wait3A_67] : memref<10000x128xf32, #tpu.memory_space<vmem_shared>> -> memref<10000x128xf32, #tpu.memory_space<vmem_shared>>
        tpu.wait_indirect_dma semaphore(%run_scoped3A : memref<!tpu.dma_semaphore, #tpu.memory_space<semaphore_mem>>) src(%arg9 : memref<125x128xf32, #tpu.memory_space<vmem>>) dst(%dma_wait3A_68 : memref<10000x128xf32, #tpu.memory_space<vmem_shared>>)
        tpu.yield
      }) : () -> ()
    }
    %scan3A_34 = arith.constant 80 : i32
    %barrier3A_35 = arith.constant 0 : index
    tpu.barrier barrier_id(%barrier3A_35)
    %lt3A_36 = arith.constant 15 : i32
    %lt3A_37 = arith.cmpi slt, %arg1, %lt3A_36 : i32
    %convert_element_type3A_38 = arith.extui %lt3A_37 : i1 to i32
    %cond3A_39 = arith.constant 0 : i32
    %cond3A_40 = arith.cmpi ne, %convert_element_type3A_38, %cond3A_39 : i32
    scf.if %cond3A_40 {
      %mul3A_46 = arith.constant 640 : i32
      %mul3A_47 = arith.muli %arg1, %mul3A_46 : i32
      %mul3A_48 = arith.constant 640 : i32
      %mul3A_49 = arith.muli %arg1, %mul3A_48 : i32
      "tpu.region"() ({
        %run_scoped3A = tpu.sem_alloc : memref<!tpu.dma_semaphore, #tpu.memory_space<semaphore_mem>>
        %dma_start3A = arith.constant 0 : i32
        %dma_start3A_50 = tpu.memref_slice %arg6[%arg0, %mul3A_49, %dma_start3A] : memref<2x10000x128xf32, #tpu.memory_space<hbm>> -> memref<1x640x128xf32, #tpu.memory_space<hbm>>
        %dma_start3A_51 = tpu.memref_squeeze %dma_start3A_50 : memref<1x640x128xf32, #tpu.memory_space<hbm>> -> memref<640x128xf32, #tpu.memory_space<hbm>>
        %dma_start3A_52 = arith.constant 0 : i32
        %dma_start3A_53 = tpu.memref_slice %arg10[%mul3A_47, %dma_start3A_52] : memref<10000x128xf32, #tpu.memory_space<vmem_shared>> -> memref<640x128xf32, #tpu.memory_space<vmem_shared>>
        tpu.enqueue_dma source(%dma_start3A_53 : memref<640x128xf32, #tpu.memory_space<vmem_shared>>) target(%dma_start3A_51 : memref<640x128xf32, #tpu.memory_space<hbm>>) target_semaphore(%run_scoped3A : memref<!tpu.dma_semaphore, #tpu.memory_space<semaphore_mem>>)
        %dma_wait3A = arith.constant 0 : i32
        %dma_wait3A_54 = tpu.memref_slice %arg6[%arg0, %mul3A_49, %dma_wait3A] : memref<2x10000x128xf32, #tpu.memory_space<hbm>> -> memref<1x640x128xf32, #tpu.memory_space<hbm>>
        %dma_wait3A_55 = tpu.memref_squeeze %dma_wait3A_54 : memref<1x640x128xf32, #tpu.memory_space<hbm>> -> memref<640x128xf32, #tpu.memory_space<hbm>>
        %dma_wait3A_56 = arith.constant 0 : i32
        %dma_wait3A_57 = tpu.memref_slice %arg10[%mul3A_47, %dma_wait3A_56] : memref<10000x128xf32, #tpu.memory_space<vmem_shared>> -> memref<640x128xf32, #tpu.memory_space<vmem_shared>>
        tpu.wait_dma2 semaphore(%run_scoped3A : memref<!tpu.dma_semaphore, #tpu.memory_space<semaphore_mem>>) src(%dma_wait3A_57 : memref<640x128xf32, #tpu.memory_space<vmem_shared>>) dst(%dma_wait3A_55 : memref<640x128xf32, #tpu.memory_space<hbm>>)
        tpu.yield
      }) : () -> ()
    } else {
    }
    %eq3A_41 = arith.constant 15 : i32
    %eq3A_42 = arith.cmpi eq, %arg1, %eq3A_41 : i32
    %convert_element_type3A_43 = arith.extui %eq3A_42 : i1 to i32
    %cond3A_44 = arith.constant 0 : i32
    %cond3A_45 = arith.cmpi ne, %convert_element_type3A_43, %cond3A_44 : i32
    scf.if %cond3A_45 {
      "tpu.region"() ({
        %run_scoped3A = tpu.sem_alloc : memref<!tpu.dma_semaphore, #tpu.memory_space<semaphore_mem>>
        %dma_start3A = arith.constant 9600 : i32
        %dma_start3A_46 = arith.constant 0 : i32
        %dma_start3A_47 = tpu.memref_slice %arg6[%arg0, %dma_start3A, %dma_start3A_46] : memref<2x10000x128xf32, #tpu.memory_space<hbm>> -> memref<1x400x128xf32, #tpu.memory_space<hbm>>
        %dma_start3A_48 = tpu.memref_squeeze %dma_start3A_47 : memref<1x400x128xf32, #tpu.memory_space<hbm>> -> memref<400x128xf32, #tpu.memory_space<hbm>>
        %dma_start3A_49 = arith.constant 9600 : i32
        %dma_start3A_50 = arith.constant 0 : i32
        %dma_start3A_51 = tpu.memref_slice %arg10[%dma_start3A_49, %dma_start3A_50] : memref<10000x128xf32, #tpu.memory_space<vmem_shared>> -> memref<400x128xf32, #tpu.memory_space<vmem_shared>>
        tpu.enqueue_dma source(%dma_start3A_51 : memref<400x128xf32, #tpu.memory_space<vmem_shared>>) target(%dma_start3A_48 : memref<400x128xf32, #tpu.memory_space<hbm>>) target_semaphore(%run_scoped3A : memref<!tpu.dma_semaphore, #tpu.memory_space<semaphore_mem>>)
        %dma_wait3A = arith.constant 9600 : i32
        %dma_wait3A_52 = arith.constant 0 : i32
        %dma_wait3A_53 = tpu.memref_slice %arg6[%arg0, %dma_wait3A, %dma_wait3A_52] : memref<2x10000x128xf32, #tpu.memory_space<hbm>> -> memref<1x400x128xf32, #tpu.memory_space<hbm>>
        %dma_wait3A_54 = tpu.memref_squeeze %dma_wait3A_53 : memref<1x400x128xf32, #tpu.memory_space<hbm>> -> memref<400x128xf32, #tpu.memory_space<hbm>>
        %dma_wait3A_55 = arith.constant 9600 : i32
        %dma_wait3A_56 = arith.constant 0 : i32
        %dma_wait3A_57 = tpu.memref_slice %arg10[%dma_wait3A_55, %dma_wait3A_56] : memref<10000x128xf32, #tpu.memory_space<vmem_shared>> -> memref<400x128xf32, #tpu.memory_space<vmem_shared>>
        tpu.wait_dma2 semaphore(%run_scoped3A : memref<!tpu.dma_semaphore, #tpu.memory_space<semaphore_mem>>) src(%dma_wait3A_57 : memref<400x128xf32, #tpu.memory_space<vmem_shared>>) dst(%dma_wait3A_54 : memref<400x128xf32, #tpu.memory_space<hbm>>)
        tpu.yield
      }) : () -> ()
    } else {
    }
    return
  }
}

#map = affine_map<(d0, d1) -> (0, 0)>
#map1 = affine_map<(d0, d1) -> (0, 0, 0)>
module attributes {stable_mosaic.version = 14 : i64} {
  func.func @_edge_body(%arg0: i32, %arg1: i32, %arg2: memref<10000x128xf32, #tpu.memory_space<hbm>>, %arg3: memref<2560x125xi32, #tpu.memory_space<hbm>>, %arg4: memref<2560x125xi32, #tpu.memory_space<hbm>>, %arg5: memref<10000x128xf32, #tpu.memory_space<hbm>>, %arg6: memref<2x10000x128xf32, #tpu.memory_space<hbm>>, %arg7: memref<80x125xi32, #tpu.memory_space<vmem>>, %arg8: memref<80x125xi32, #tpu.memory_space<vmem>>, %arg9: memref<125x128xf32, #tpu.memory_space<vmem>>, %arg10: memref<10000x128xf32, #tpu.memory_space<vmem_shared>>, %arg11: memref<!tpu.dma_semaphore, #tpu.memory_space<semaphore_mem>>) attributes {dimension_semantics = [#tpu.dimension_semantics<core_parallel>, #tpu.dimension_semantics<subcore_parallel>], iteration_bounds = array<i64: 2, 16>, scalar_prefetch = 0 : i64, scratch_operands = 5 : i64, tpu.core_type = #tpu.core_type<sc_vector_subcore>, window_params = [{transform_indices = #map}, {transform_indices = #map}, {transform_indices = #map}, {transform_indices = #map}, {transform_indices = #map1}]} {
    %eq3A = arith.constant 0 : i32
    %eq3A_0 = arith.cmpi eq, %arg0, %eq3A : i32
    %lt3A = arith.constant 15 : i32
    %lt3A_1 = arith.cmpi slt, %arg1, %lt3A : i32
    %and3A = arith.andi %eq3A_0, %lt3A_1 : i1
    %convert_element_type3A = arith.extui %and3A : i1 to i32
    %cond3A = arith.constant 0 : i32
    %cond3A_2 = arith.cmpi ne, %convert_element_type3A, %cond3A : i32
    scf.if %cond3A_2 {
      %mul3A_46 = arith.constant 640 : i32
      %mul3A_47 = arith.muli %arg1, %mul3A_46 : i32
      %mul3A_48 = arith.constant 640 : i32
      %mul3A_49 = arith.muli %arg1, %mul3A_48 : i32
      "tpu.region"() ({
        %run_scoped3A = tpu.sem_alloc : memref<!tpu.dma_semaphore, #tpu.memory_space<semaphore_mem>>
        %dma_start3A = arith.constant 0 : i32
        %dma_start3A_50 = tpu.memref_slice %arg10[%mul3A_49, %dma_start3A] : memref<10000x128xf32, #tpu.memory_space<vmem_shared>> -> memref<640x128xf32, #tpu.memory_space<vmem_shared>>
        %dma_start3A_51 = arith.constant 0 : i32
        %dma_start3A_52 = tpu.memref_slice %arg2[%mul3A_47, %dma_start3A_51] : memref<10000x128xf32, #tpu.memory_space<hbm>> -> memref<640x128xf32, #tpu.memory_space<hbm>>
        tpu.enqueue_dma source(%dma_start3A_52 : memref<640x128xf32, #tpu.memory_space<hbm>>) target(%dma_start3A_50 : memref<640x128xf32, #tpu.memory_space<vmem_shared>>) target_semaphore(%run_scoped3A : memref<!tpu.dma_semaphore, #tpu.memory_space<semaphore_mem>>)
        %dma_wait3A = arith.constant 0 : i32
        %dma_wait3A_53 = tpu.memref_slice %arg10[%mul3A_49, %dma_wait3A] : memref<10000x128xf32, #tpu.memory_space<vmem_shared>> -> memref<640x128xf32, #tpu.memory_space<vmem_shared>>
        %dma_wait3A_54 = arith.constant 0 : i32
        %dma_wait3A_55 = tpu.memref_slice %arg2[%mul3A_47, %dma_wait3A_54] : memref<10000x128xf32, #tpu.memory_space<hbm>> -> memref<640x128xf32, #tpu.memory_space<hbm>>
        tpu.wait_dma2 semaphore(%run_scoped3A : memref<!tpu.dma_semaphore, #tpu.memory_space<semaphore_mem>>) src(%dma_wait3A_55 : memref<640x128xf32, #tpu.memory_space<hbm>>) dst(%dma_wait3A_53 : memref<640x128xf32, #tpu.memory_space<vmem_shared>>)
        tpu.yield
      }) : () -> ()
    } else {
    }
    %eq3A_3 = arith.constant 0 : i32
    %eq3A_4 = arith.cmpi eq, %arg0, %eq3A_3 : i32
    %eq3A_5 = arith.constant 15 : i32
    %eq3A_6 = arith.cmpi eq, %arg1, %eq3A_5 : i32
    %and3A_7 = arith.andi %eq3A_4, %eq3A_6 : i1
    %convert_element_type3A_8 = arith.extui %and3A_7 : i1 to i32
    %cond3A_9 = arith.constant 0 : i32
    %cond3A_10 = arith.cmpi ne, %convert_element_type3A_8, %cond3A_9 : i32
    scf.if %cond3A_10 {
      "tpu.region"() ({
        %run_scoped3A = tpu.sem_alloc : memref<!tpu.dma_semaphore, #tpu.memory_space<semaphore_mem>>
        %dma_start3A = arith.constant 9600 : i32
        %dma_start3A_46 = arith.constant 0 : i32
        %dma_start3A_47 = tpu.memref_slice %arg10[%dma_start3A, %dma_start3A_46] : memref<10000x128xf32, #tpu.memory_space<vmem_shared>> -> memref<400x128xf32, #tpu.memory_space<vmem_shared>>
        %dma_start3A_48 = arith.constant 9600 : i32
        %dma_start3A_49 = arith.constant 0 : i32
        %dma_start3A_50 = tpu.memref_slice %arg2[%dma_start3A_48, %dma_start3A_49] : memref<10000x128xf32, #tpu.memory_space<hbm>> -> memref<400x128xf32, #tpu.memory_space<hbm>>
        tpu.enqueue_dma source(%dma_start3A_50 : memref<400x128xf32, #tpu.memory_space<hbm>>) target(%dma_start3A_47 : memref<400x128xf32, #tpu.memory_space<vmem_shared>>) target_semaphore(%run_scoped3A : memref<!tpu.dma_semaphore, #tpu.memory_space<semaphore_mem>>)
        %dma_wait3A = arith.constant 9600 : i32
        %dma_wait3A_51 = arith.constant 0 : i32
        %dma_wait3A_52 = tpu.memref_slice %arg10[%dma_wait3A, %dma_wait3A_51] : memref<10000x128xf32, #tpu.memory_space<vmem_shared>> -> memref<400x128xf32, #tpu.memory_space<vmem_shared>>
        %dma_wait3A_53 = arith.constant 9600 : i32
        %dma_wait3A_54 = arith.constant 0 : i32
        %dma_wait3A_55 = tpu.memref_slice %arg2[%dma_wait3A_53, %dma_wait3A_54] : memref<10000x128xf32, #tpu.memory_space<hbm>> -> memref<400x128xf32, #tpu.memory_space<hbm>>
        tpu.wait_dma2 semaphore(%run_scoped3A : memref<!tpu.dma_semaphore, #tpu.memory_space<semaphore_mem>>) src(%dma_wait3A_55 : memref<400x128xf32, #tpu.memory_space<hbm>>) dst(%dma_wait3A_52 : memref<400x128xf32, #tpu.memory_space<vmem_shared>>)
        tpu.yield
      }) : () -> ()
    } else {
    }
    %eq3A_11 = arith.constant 1 : i32
    %eq3A_12 = arith.cmpi eq, %arg0, %eq3A_11 : i32
    %lt3A_13 = arith.constant 15 : i32
    %lt3A_14 = arith.cmpi slt, %arg1, %lt3A_13 : i32
    %and3A_15 = arith.andi %eq3A_12, %lt3A_14 : i1
    %convert_element_type3A_16 = arith.extui %and3A_15 : i1 to i32
    %cond3A_17 = arith.constant 0 : i32
    %cond3A_18 = arith.cmpi ne, %convert_element_type3A_16, %cond3A_17 : i32
    scf.if %cond3A_18 {
      %mul3A_46 = arith.constant 640 : i32
      %mul3A_47 = arith.muli %arg1, %mul3A_46 : i32
      %mul3A_48 = arith.constant 640 : i32
      %mul3A_49 = arith.muli %arg1, %mul3A_48 : i32
      "tpu.region"() ({
        %run_scoped3A = tpu.sem_alloc : memref<!tpu.dma_semaphore, #tpu.memory_space<semaphore_mem>>
        %dma_start3A = arith.constant 0 : i32
        %dma_start3A_50 = tpu.memref_slice %arg10[%mul3A_49, %dma_start3A] : memref<10000x128xf32, #tpu.memory_space<vmem_shared>> -> memref<640x128xf32, #tpu.memory_space<vmem_shared>>
        %dma_start3A_51 = arith.constant 0 : i32
        %dma_start3A_52 = tpu.memref_slice %arg5[%mul3A_47, %dma_start3A_51] : memref<10000x128xf32, #tpu.memory_space<hbm>> -> memref<640x128xf32, #tpu.memory_space<hbm>>
        tpu.enqueue_dma source(%dma_start3A_52 : memref<640x128xf32, #tpu.memory_space<hbm>>) target(%dma_start3A_50 : memref<640x128xf32, #tpu.memory_space<vmem_shared>>) target_semaphore(%run_scoped3A : memref<!tpu.dma_semaphore, #tpu.memory_space<semaphore_mem>>)
        %dma_wait3A = arith.constant 0 : i32
        %dma_wait3A_53 = tpu.memref_slice %arg10[%mul3A_49, %dma_wait3A] : memref<10000x128xf32, #tpu.memory_space<vmem_shared>> -> memref<640x128xf32, #tpu.memory_space<vmem_shared>>
        %dma_wait3A_54 = arith.constant 0 : i32
        %dma_wait3A_55 = tpu.memref_slice %arg5[%mul3A_47, %dma_wait3A_54] : memref<10000x128xf32, #tpu.memory_space<hbm>> -> memref<640x128xf32, #tpu.memory_space<hbm>>
        tpu.wait_dma2 semaphore(%run_scoped3A : memref<!tpu.dma_semaphore, #tpu.memory_space<semaphore_mem>>) src(%dma_wait3A_55 : memref<640x128xf32, #tpu.memory_space<hbm>>) dst(%dma_wait3A_53 : memref<640x128xf32, #tpu.memory_space<vmem_shared>>)
        tpu.yield
      }) : () -> ()
    } else {
    }
    %eq3A_19 = arith.constant 1 : i32
    %eq3A_20 = arith.cmpi eq, %arg0, %eq3A_19 : i32
    %eq3A_21 = arith.constant 15 : i32
    %eq3A_22 = arith.cmpi eq, %arg1, %eq3A_21 : i32
    %and3A_23 = arith.andi %eq3A_20, %eq3A_22 : i1
    %convert_element_type3A_24 = arith.extui %and3A_23 : i1 to i32
    %cond3A_25 = arith.constant 0 : i32
    %cond3A_26 = arith.cmpi ne, %convert_element_type3A_24, %cond3A_25 : i32
    scf.if %cond3A_26 {
      "tpu.region"() ({
        %run_scoped3A = tpu.sem_alloc : memref<!tpu.dma_semaphore, #tpu.memory_space<semaphore_mem>>
        %dma_start3A = arith.constant 9600 : i32
        %dma_start3A_46 = arith.constant 0 : i32
        %dma_start3A_47 = tpu.memref_slice %arg10[%dma_start3A, %dma_start3A_46] : memref<10000x128xf32, #tpu.memory_space<vmem_shared>> -> memref<400x128xf32, #tpu.memory_space<vmem_shared>>
        %dma_start3A_48 = arith.constant 9600 : i32
        %dma_start3A_49 = arith.constant 0 : i32
        %dma_start3A_50 = tpu.memref_slice %arg5[%dma_start3A_48, %dma_start3A_49] : memref<10000x128xf32, #tpu.memory_space<hbm>> -> memref<400x128xf32, #tpu.memory_space<hbm>>
        tpu.enqueue_dma source(%dma_start3A_50 : memref<400x128xf32, #tpu.memory_space<hbm>>) target(%dma_start3A_47 : memref<400x128xf32, #tpu.memory_space<vmem_shared>>) target_semaphore(%run_scoped3A : memref<!tpu.dma_semaphore, #tpu.memory_space<semaphore_mem>>)
        %dma_wait3A = arith.constant 9600 : i32
        %dma_wait3A_51 = arith.constant 0 : i32
        %dma_wait3A_52 = tpu.memref_slice %arg10[%dma_wait3A, %dma_wait3A_51] : memref<10000x128xf32, #tpu.memory_space<vmem_shared>> -> memref<400x128xf32, #tpu.memory_space<vmem_shared>>
        %dma_wait3A_53 = arith.constant 9600 : i32
        %dma_wait3A_54 = arith.constant 0 : i32
        %dma_wait3A_55 = tpu.memref_slice %arg5[%dma_wait3A_53, %dma_wait3A_54] : memref<10000x128xf32, #tpu.memory_space<hbm>> -> memref<400x128xf32, #tpu.memory_space<hbm>>
        tpu.wait_dma2 semaphore(%run_scoped3A : memref<!tpu.dma_semaphore, #tpu.memory_space<semaphore_mem>>) src(%dma_wait3A_55 : memref<400x128xf32, #tpu.memory_space<hbm>>) dst(%dma_wait3A_52 : memref<400x128xf32, #tpu.memory_space<vmem_shared>>)
        tpu.yield
      }) : () -> ()
    } else {
    }
    %barrier3A = arith.constant 0 : index
    tpu.barrier barrier_id(%barrier3A)
    %mul3A = arith.constant 16 : i32
    %mul3A_27 = arith.muli %arg0, %mul3A : i32
    %add3A = arith.addi %mul3A_27, %arg1 : i32
    %mul3A_28 = arith.constant 80 : i32
    %mul3A_29 = arith.muli %add3A, %mul3A_28 : i32
    "tpu.region"() ({
      %run_scoped3A = tpu.sem_alloc : memref<!tpu.dma_semaphore, #tpu.memory_space<semaphore_mem>>
      %dma_start3A = arith.constant 0 : i32
      %dma_start3A_46 = tpu.memref_slice %arg3[%mul3A_29, %dma_start3A] : memref<2560x125xi32, #tpu.memory_space<hbm>> -> memref<80x125xi32, #tpu.memory_space<hbm>>
      %dma_start3A_47 = arith.constant 0 : i32
      %dma_start3A_48 = tpu.memref_slice %arg3[%mul3A_29, %dma_start3A_47] : memref<2560x125xi32, #tpu.memory_space<hbm>> -> memref<80x125xi32, #tpu.memory_space<hbm>>
      tpu.enqueue_dma source(%dma_start3A_48 : memref<80x125xi32, #tpu.memory_space<hbm>>) target(%arg7 : memref<80x125xi32, #tpu.memory_space<vmem>>) target_semaphore(%run_scoped3A : memref<!tpu.dma_semaphore, #tpu.memory_space<semaphore_mem>>)
      %dma_wait3A = arith.constant 0 : i32
      %dma_wait3A_49 = tpu.memref_slice %arg3[%mul3A_29, %dma_wait3A] : memref<2560x125xi32, #tpu.memory_space<hbm>> -> memref<80x125xi32, #tpu.memory_space<hbm>>
      %dma_wait3A_50 = arith.constant 0 : i32
      %dma_wait3A_51 = tpu.memref_slice %arg3[%mul3A_29, %dma_wait3A_50] : memref<2560x125xi32, #tpu.memory_space<hbm>> -> memref<80x125xi32, #tpu.memory_space<hbm>>
      tpu.wait_dma2 semaphore(%run_scoped3A : memref<!tpu.dma_semaphore, #tpu.memory_space<semaphore_mem>>) src(%dma_wait3A_51 : memref<80x125xi32, #tpu.memory_space<hbm>>) dst(%arg7 : memref<80x125xi32, #tpu.memory_space<vmem>>)
      tpu.yield
    }) : () -> ()
    "tpu.region"() ({
      %run_scoped3A = tpu.sem_alloc : memref<!tpu.dma_semaphore, #tpu.memory_space<semaphore_mem>>
      %dma_start3A = arith.constant 0 : i32
      %dma_start3A_46 = tpu.memref_slice %arg4[%mul3A_29, %dma_start3A] : memref<2560x125xi32, #tpu.memory_space<hbm>> -> memref<80x125xi32, #tpu.memory_space<hbm>>
      %dma_start3A_47 = arith.constant 0 : i32
      %dma_start3A_48 = tpu.memref_slice %arg4[%mul3A_29, %dma_start3A_47] : memref<2560x125xi32, #tpu.memory_space<hbm>> -> memref<80x125xi32, #tpu.memory_space<hbm>>
      tpu.enqueue_dma source(%dma_start3A_48 : memref<80x125xi32, #tpu.memory_space<hbm>>) target(%arg8 : memref<80x125xi32, #tpu.memory_space<vmem>>) target_semaphore(%run_scoped3A : memref<!tpu.dma_semaphore, #tpu.memory_space<semaphore_mem>>)
      %dma_wait3A = arith.constant 0 : i32
      %dma_wait3A_49 = tpu.memref_slice %arg4[%mul3A_29, %dma_wait3A] : memref<2560x125xi32, #tpu.memory_space<hbm>> -> memref<80x125xi32, #tpu.memory_space<hbm>>
      %dma_wait3A_50 = arith.constant 0 : i32
      %dma_wait3A_51 = tpu.memref_slice %arg4[%mul3A_29, %dma_wait3A_50] : memref<2560x125xi32, #tpu.memory_space<hbm>> -> memref<80x125xi32, #tpu.memory_space<hbm>>
      tpu.wait_dma2 semaphore(%run_scoped3A : memref<!tpu.dma_semaphore, #tpu.memory_space<semaphore_mem>>) src(%dma_wait3A_51 : memref<80x125xi32, #tpu.memory_space<hbm>>) dst(%arg8 : memref<80x125xi32, #tpu.memory_space<vmem>>)
      tpu.yield
    }) : () -> ()
    %scan3A = arith.constant 0 : i32
    %scan3A_30 = arith.constant 0 : i32
    %scan3A_31 = arith.constant 80 : i32
    %scan3A_32 = arith.addi %scan3A_30, %scan3A_31 : i32
    %scan3A_33 = arith.constant 1 : i32
    scf.for %scan3A_46 = %scan3A_30 to %scan3A_32 step %scan3A_33  : i32 {
      %dma_start3A = arith.constant 0 : i32
      %dma_start3A_47 = tpu.memref_slice %arg7[%scan3A_46, %dma_start3A] : memref<80x125xi32, #tpu.memory_space<vmem>> -> memref<1x125xi32, #tpu.memory_space<vmem>>
      %dma_start3A_48 = tpu.memref_squeeze %dma_start3A_47 : memref<1x125xi32, #tpu.memory_space<vmem>> -> memref<125xi32, #tpu.memory_space<vmem>>
      %dma_start3A_49 = arith.constant 0 : i32
      %dma_start3A_50 = arith.constant 0 : i32
      %dma_start3A_51 = tpu.memref_slice %arg2[%dma_start3A_49, %dma_start3A_50] : memref<10000x128xf32, #tpu.memory_space<hbm>> -> memref<10000x128xf32, #tpu.memory_space<hbm>>
      tpu.enqueue_indirect_dma source(%dma_start3A_51 : memref<10000x128xf32, #tpu.memory_space<hbm>>) target(%arg9 : memref<125x128xf32, #tpu.memory_space<vmem>>) offsets(%dma_start3A_48 : memref<125xi32, #tpu.memory_space<vmem>>) semaphore(%arg11 : memref<!tpu.dma_semaphore, #tpu.memory_space<semaphore_mem>>)
      %dma_wait3A = arith.constant 0 : i32
      %dma_wait3A_52 = tpu.memref_slice %arg7[%scan3A_46, %dma_wait3A] : memref<80x125xi32, #tpu.memory_space<vmem>> -> memref<1x125xi32, #tpu.memory_space<vmem>>
      %dma_wait3A_53 = tpu.memref_squeeze %dma_wait3A_52 : memref<1x125xi32, #tpu.memory_space<vmem>> -> memref<125xi32, #tpu.memory_space<vmem>>
      %dma_wait3A_54 = arith.constant 0 : i32
      %dma_wait3A_55 = arith.constant 0 : i32
      %dma_wait3A_56 = tpu.memref_slice %arg2[%dma_wait3A_54, %dma_wait3A_55] : memref<10000x128xf32, #tpu.memory_space<hbm>> -> memref<10000x128xf32, #tpu.memory_space<hbm>>
      tpu.wait_indirect_dma semaphore(%arg11 : memref<!tpu.dma_semaphore, #tpu.memory_space<semaphore_mem>>) src(%dma_wait3A_56 : memref<10000x128xf32, #tpu.memory_space<hbm>>) dst(%arg9 : memref<125x128xf32, #tpu.memory_space<vmem>>)
      "tpu.region"() ({
        %run_scoped3A = tpu.sem_alloc : memref<!tpu.dma_semaphore, #tpu.memory_space<semaphore_mem>>
        %dma_start3A_57 = arith.constant 0 : i32
        %dma_start3A_58 = tpu.memref_slice %arg8[%scan3A_46, %dma_start3A_57] : memref<80x125xi32, #tpu.memory_space<vmem>> -> memref<1x125xi32, #tpu.memory_space<vmem>>
        %dma_start3A_59 = tpu.memref_squeeze %dma_start3A_58 : memref<1x125xi32, #tpu.memory_space<vmem>> -> memref<125xi32, #tpu.memory_space<vmem>>
        %dma_start3A_60 = arith.constant 0 : i32
        %dma_start3A_61 = arith.constant 0 : i32
        %dma_start3A_62 = tpu.memref_slice %arg10[%dma_start3A_60, %dma_start3A_61] : memref<10000x128xf32, #tpu.memory_space<vmem_shared>> -> memref<10000x128xf32, #tpu.memory_space<vmem_shared>>
        tpu.enqueue_indirect_dma source(%arg9 : memref<125x128xf32, #tpu.memory_space<vmem>>) target(%dma_start3A_62 : memref<10000x128xf32, #tpu.memory_space<vmem_shared>>) offsets(%dma_start3A_59 : memref<125xi32, #tpu.memory_space<vmem>>) semaphore(%run_scoped3A : memref<!tpu.dma_semaphore, #tpu.memory_space<semaphore_mem>>) {add = true}
        %dma_wait3A_63 = arith.constant 0 : i32
        %dma_wait3A_64 = tpu.memref_slice %arg8[%scan3A_46, %dma_wait3A_63] : memref<80x125xi32, #tpu.memory_space<vmem>> -> memref<1x125xi32, #tpu.memory_space<vmem>>
        %dma_wait3A_65 = tpu.memref_squeeze %dma_wait3A_64 : memref<1x125xi32, #tpu.memory_space<vmem>> -> memref<125xi32, #tpu.memory_space<vmem>>
        %dma_wait3A_66 = arith.constant 0 : i32
        %dma_wait3A_67 = arith.constant 0 : i32
        %dma_wait3A_68 = tpu.memref_slice %arg10[%dma_wait3A_66, %dma_wait3A_67] : memref<10000x128xf32, #tpu.memory_space<vmem_shared>> -> memref<10000x128xf32, #tpu.memory_space<vmem_shared>>
        tpu.wait_indirect_dma semaphore(%run_scoped3A : memref<!tpu.dma_semaphore, #tpu.memory_space<semaphore_mem>>) src(%arg9 : memref<125x128xf32, #tpu.memory_space<vmem>>) dst(%dma_wait3A_68 : memref<10000x128xf32, #tpu.memory_space<vmem_shared>>)
        tpu.yield
      }) : () -> ()
    }
    %scan3A_34 = arith.constant 80 : i32
    %barrier3A_35 = arith.constant 0 : index
    tpu.barrier barrier_id(%barrier3A_35)
    %lt3A_36 = arith.constant 15 : i32
    %lt3A_37 = arith.cmpi slt, %arg1, %lt3A_36 : i32
    %convert_element_type3A_38 = arith.extui %lt3A_37 : i1 to i32
    %cond3A_39 = arith.constant 0 : i32
    %cond3A_40 = arith.cmpi ne, %convert_element_type3A_38, %cond3A_39 : i32
    scf.if %cond3A_40 {
      %mul3A_46 = arith.constant 640 : i32
      %mul3A_47 = arith.muli %arg1, %mul3A_46 : i32
      %mul3A_48 = arith.constant 640 : i32
      %mul3A_49 = arith.muli %arg1, %mul3A_48 : i32
      "tpu.region"() ({
        %run_scoped3A = tpu.sem_alloc : memref<!tpu.dma_semaphore, #tpu.memory_space<semaphore_mem>>
        %dma_start3A = arith.constant 0 : i32
        %dma_start3A_50 = tpu.memref_slice %arg6[%arg0, %mul3A_49, %dma_start3A] : memref<2x10000x128xf32, #tpu.memory_space<hbm>> -> memref<1x640x128xf32, #tpu.memory_space<hbm>>
        %dma_start3A_51 = tpu.memref_squeeze %dma_start3A_50 : memref<1x640x128xf32, #tpu.memory_space<hbm>> -> memref<640x128xf32, #tpu.memory_space<hbm>>
        %dma_start3A_52 = arith.constant 0 : i32
        %dma_start3A_53 = tpu.memref_slice %arg10[%mul3A_47, %dma_start3A_52] : memref<10000x128xf32, #tpu.memory_space<vmem_shared>> -> memref<640x128xf32, #tpu.memory_space<vmem_shared>>
        tpu.enqueue_dma source(%dma_start3A_53 : memref<640x128xf32, #tpu.memory_space<vmem_shared>>) target(%dma_start3A_51 : memref<640x128xf32, #tpu.memory_space<hbm>>) target_semaphore(%run_scoped3A : memref<!tpu.dma_semaphore, #tpu.memory_space<semaphore_mem>>)
        %dma_wait3A = arith.constant 0 : i32
        %dma_wait3A_54 = tpu.memref_slice %arg6[%arg0, %mul3A_49, %dma_wait3A] : memref<2x10000x128xf32, #tpu.memory_space<hbm>> -> memref<1x640x128xf32, #tpu.memory_space<hbm>>
        %dma_wait3A_55 = tpu.memref_squeeze %dma_wait3A_54 : memref<1x640x128xf32, #tpu.memory_space<hbm>> -> memref<640x128xf32, #tpu.memory_space<hbm>>
        %dma_wait3A_56 = arith.constant 0 : i32
        %dma_wait3A_57 = tpu.memref_slice %arg10[%mul3A_47, %dma_wait3A_56] : memref<10000x128xf32, #tpu.memory_space<vmem_shared>> -> memref<640x128xf32, #tpu.memory_space<vmem_shared>>
        tpu.wait_dma2 semaphore(%run_scoped3A : memref<!tpu.dma_semaphore, #tpu.memory_space<semaphore_mem>>) src(%dma_wait3A_57 : memref<640x128xf32, #tpu.memory_space<vmem_shared>>) dst(%dma_wait3A_55 : memref<640x128xf32, #tpu.memory_space<hbm>>)
        tpu.yield
      }) : () -> ()
    } else {
    }
    %eq3A_41 = arith.constant 15 : i32
    %eq3A_42 = arith.cmpi eq, %arg1, %eq3A_41 : i32
    %convert_element_type3A_43 = arith.extui %eq3A_42 : i1 to i32
    %cond3A_44 = arith.constant 0 : i32
    %cond3A_45 = arith.cmpi ne, %convert_element_type3A_43, %cond3A_44 : i32
    scf.if %cond3A_45 {
      "tpu.region"() ({
        %run_scoped3A = tpu.sem_alloc : memref<!tpu.dma_semaphore, #tpu.memory_space<semaphore_mem>>
        %dma_start3A = arith.constant 9600 : i32
        %dma_start3A_46 = arith.constant 0 : i32
        %dma_start3A_47 = tpu.memref_slice %arg6[%arg0, %dma_start3A, %dma_start3A_46] : memref<2x10000x128xf32, #tpu.memory_space<hbm>> -> memref<1x400x128xf32, #tpu.memory_space<hbm>>
        %dma_start3A_48 = tpu.memref_squeeze %dma_start3A_47 : memref<1x400x128xf32, #tpu.memory_space<hbm>> -> memref<400x128xf32, #tpu.memory_space<hbm>>
        %dma_start3A_49 = arith.constant 9600 : i32
        %dma_start3A_50 = arith.constant 0 : i32
        %dma_start3A_51 = tpu.memref_slice %arg10[%dma_start3A_49, %dma_start3A_50] : memref<10000x128xf32, #tpu.memory_space<vmem_shared>> -> memref<400x128xf32, #tpu.memory_space<vmem_shared>>
        tpu.enqueue_dma source(%dma_start3A_51 : memref<400x128xf32, #tpu.memory_space<vmem_shared>>) target(%dma_start3A_48 : memref<400x128xf32, #tpu.memory_space<hbm>>) target_semaphore(%run_scoped3A : memref<!tpu.dma_semaphore, #tpu.memory_space<semaphore_mem>>)
        %dma_wait3A = arith.constant 9600 : i32
        %dma_wait3A_52 = arith.constant 0 : i32
        %dma_wait3A_53 = tpu.memref_slice %arg6[%arg0, %dma_wait3A, %dma_wait3A_52] : memref<2x10000x128xf32, #tpu.memory_space<hbm>> -> memref<1x400x128xf32, #tpu.memory_space<hbm>>
        %dma_wait3A_54 = tpu.memref_squeeze %dma_wait3A_53 : memref<1x400x128xf32, #tpu.memory_space<hbm>> -> memref<400x128xf32, #tpu.memory_space<hbm>>
        %dma_wait3A_55 = arith.constant 9600 : i32
        %dma_wait3A_56 = arith.constant 0 : i32
        %dma_wait3A_57 = tpu.memref_slice %arg10[%dma_wait3A_55, %dma_wait3A_56] : memref<10000x128xf32, #tpu.memory_space<vmem_shared>> -> memref<400x128xf32, #tpu.memory_space<vmem_shared>>
        tpu.wait_dma2 semaphore(%run_scoped3A : memref<!tpu.dma_semaphore, #tpu.memory_space<semaphore_mem>>) src(%dma_wait3A_57 : memref<400x128xf32, #tpu.memory_space<vmem_shared>>) dst(%dma_wait3A_54 : memref<400x128xf32, #tpu.memory_space<hbm>>)
        tpu.yield
      }) : () -> ()
    } else {
    }
    return
  }
}

module attributes {stable_mosaic.version = 14 : i64} {
  func.func @_h0_tc(%arg0: i32, %arg1: memref<2000x128xf32, #tpu.memory_space<vmem>>, %arg2: memref<128x128xf32, #tpu.memory_space<vmem>>, %arg3: memref<2000x128xf32, #tpu.memory_space<vmem>>) attributes {dimension_semantics = [#tpu.dimension_semantics<arbitrary>], iteration_bounds = array<i64: 5>, scalar_prefetch = 0 : i64, scratch_operands = 0 : i64, tpu.core_type = #tpu.core_type<tc>, window_params = [{transform_indices = @transform_0, window_bounds = array<i64: 2000, 128>}, {pipeline_mode = #tpu.pipeline_mode<synchronous>, transform_indices = @transform_1, window_bounds = array<i64: 128, 128>}, {transform_indices = @transform_2, window_bounds = array<i64: 2000, 128>}]} {
    %get3A = arith.constant 0 : index
    %get3A_0 = arith.constant 0 : index
    %get3A_1 = vector.load %arg1[%get3A, %get3A_0] : memref<2000x128xf32, #tpu.memory_space<vmem>>, vector<2000x128xf32>
    %get3A_2 = arith.constant 0 : index
    %get3A_3 = arith.constant 0 : index
    %get3A_4 = vector.load %arg2[%get3A_2, %get3A_3] : memref<128x128xf32, #tpu.memory_space<vmem>>, vector<128x128xf32>
    %dot_general3A = arith.constant dense<0.000000e+00> : vector<2000x128xf32>
    %dot_general3A_5 = tpu.matmul %get3A_1, %get3A_4, %dot_general3A {dimension_numbers = #tpu.dot_dimension_numbers<[1], [0], [0], [1], [0, 0, 1, 1], [], []>, transpose_lhs_hint = false} : vector<2000x128xf32>, vector<128x128xf32>, vector<2000x128xf32> -> vector<2000x128xf32>
    %swap3A = arith.constant 0 : index
    %swap3A_6 = arith.constant 0 : index
    %swap3A_7 = vector.load %arg3[%swap3A, %swap3A_6] : memref<2000x128xf32, #tpu.memory_space<vmem>>, vector<2000x128xf32>
    tpu.vector_store %arg3[%swap3A, %swap3A_6], %dot_general3A_5 {strides = array<i32>} : memref<2000x128xf32, #tpu.memory_space<vmem>>, vector<2000x128xf32>,
    return
  }
  func.func @transform_0(%arg0: i32) -> (i32, i32) {
    %c0_i32 = arith.constant 0 : i32
    %c0_i32_0 = arith.constant 0 : i32
    return %arg0, %c0_i32 : i32, i32
  }
  func.func @transform_1(%arg0: i32) -> (i32, i32) {
    %c0_i32 = arith.constant 0 : i32
    %c0_i32_0 = arith.constant 0 : i32
    %c0_i32_1 = arith.constant 0 : i32
    return %c0_i32, %c0_i32_0 : i32, i32
  }
  func.func @transform_2(%arg0: i32) -> (i32, i32) {
    %c0_i32 = arith.constant 0 : i32
    %c0_i32_0 = arith.constant 0 : i32
    return %arg0, %c0_i32 : i32, i32
  }
}

module attributes {stable_mosaic.version = 14 : i64} {
  func.func @_init_tc(%arg0: i32, %arg1: memref<2x2000x16xf32, #tpu.memory_space<vmem>>, %arg2: memref<2000x128xf32, #tpu.memory_space<vmem>>, %arg3: memref<2000x128xf32, #tpu.memory_space<vmem>>, %arg4: memref<2000x1xf32, #tpu.memory_space<vmem>>) attributes {dimension_semantics = [#tpu.dimension_semantics<arbitrary>], iteration_bounds = array<i64: 5>, scalar_prefetch = 0 : i64, scratch_operands = 0 : i64, tpu.core_type = #tpu.core_type<tc>, window_params = [{transform_indices = @transform_0, window_bounds = array<i64: 2, 2000, 16>}, {transform_indices = @transform_1, window_bounds = array<i64: 2000, 128>}, {transform_indices = @transform_2, window_bounds = array<i64: 2000, 128>}, {transform_indices = @transform_3, window_bounds = array<i64: 2000, 1>}]} {
    %get3A = arith.constant 0 : index
    %get3A_0 = arith.constant 0 : index
    %get3A_1 = arith.constant 0 : index
    %get3A_2 = vector.load %arg1[%get3A, %get3A_0, %get3A_1] : memref<2x2000x16xf32, #tpu.memory_space<vmem>>, vector<1x2000x1xf32>
    %get3A_3 = vector.shape_cast %get3A_2 : vector<1x2000x1xf32> to vector<2000xf32>
    %get3A_4 = arith.constant 1 : index
    %get3A_5 = arith.constant 0 : index
    %get3A_6 = arith.constant 0 : index
    %get3A_7 = vector.load %arg1[%get3A_4, %get3A_5, %get3A_6] : memref<2x2000x16xf32, #tpu.memory_space<vmem>>, vector<1x2000x1xf32>
    %get3A_8 = vector.shape_cast %get3A_7 : vector<1x2000x1xf32> to vector<2000xf32>
    %add3A = arith.addf %get3A_3, %get3A_8 : vector<2000xf32>
    %add3A_9 = arith.constant 1.000000e+00 : f32
    %add3A_10 = vector.broadcast %add3A_9 : f32 to vector<2000xf32>
    %add3A_11 = arith.addf %add3A, %add3A_10 : vector<2000xf32>
    %rsqrt3A = math.rsqrt %add3A_11 : vector<2000xf32>
    %get3A_12 = arith.constant 0 : index
    %get3A_13 = arith.constant 0 : index
    %get3A_14 = vector.load %arg2[%get3A_12, %get3A_13] : memref<2000x128xf32, #tpu.memory_space<vmem>>, vector<2000x128xf32>
    %broadcast_in_dim3A = vector.shape_cast %rsqrt3A : vector<2000xf32> to vector<2000x1xf32>
    %mul3A = vector.broadcast %broadcast_in_dim3A : vector<2000x1xf32> to vector<2000x128xf32>
    %mul3A_15 = arith.mulf %get3A_14, %mul3A : vector<2000x128xf32>
    %swap3A = arith.constant 0 : index
    %swap3A_16 = arith.constant 0 : index
    %swap3A_17 = vector.load %arg3[%swap3A, %swap3A_16] : memref<2000x128xf32, #tpu.memory_space<vmem>>, vector<2000x128xf32>
    tpu.vector_store %arg3[%swap3A, %swap3A_16], %mul3A_15 {strides = array<i32>} : memref<2000x128xf32, #tpu.memory_space<vmem>>, vector<2000x128xf32>,
    %broadcast_in_dim3A_18 = vector.shape_cast %rsqrt3A : vector<2000xf32> to vector<2000x1xf32>
    %swap3A_19 = arith.constant 0 : index
    %swap3A_20 = arith.constant 0 : index
    %swap3A_21 = vector.load %arg4[%swap3A_19, %swap3A_20] : memref<2000x1xf32, #tpu.memory_space<vmem>>, vector<2000x1xf32>
    tpu.vector_store %arg4[%swap3A_19, %swap3A_20], %broadcast_in_dim3A_18 {strides = array<i32>} : memref<2000x1xf32, #tpu.memory_space<vmem>>, vector<2000x1xf32>,
    return
  }
  func.func @transform_0(%arg0: i32) -> (i32, i32, i32) {
    %c0_i32 = arith.constant 0 : i32
    %c0_i32_0 = arith.constant 0 : i32
    %c0_i32_1 = arith.constant 0 : i32
    return %c0_i32, %arg0, %c0_i32_0 : i32, i32, i32
  }
  func.func @transform_1(%arg0: i32) -> (i32, i32) {
    %c0_i32 = arith.constant 0 : i32
    %c0_i32_0 = arith.constant 0 : i32
    return %arg0, %c0_i32 : i32, i32
  }
  func.func @transform_2(%arg0: i32) -> (i32, i32) {
    %c0_i32 = arith.constant 0 : i32
    %c0_i32_0 = arith.constant 0 : i32
    return %arg0, %c0_i32 : i32, i32
  }
  func.func @transform_3(%arg0: i32) -> (i32, i32) {
    %c0_i32 = arith.constant 0 : i32
    %c0_i32_0 = arith.constant 0 : i32
    return %arg0, %c0_i32 : i32, i32
  }
}

module attributes {stable_mosaic.version = 14 : i64} {
  func.func @_mid_tc(%arg0: i32, %arg1: memref<2x2000x128xf32, #tpu.memory_space<vmem>>, %arg2: memref<2000x1xf32, #tpu.memory_space<vmem>>, %arg3: memref<1x128xf32, #tpu.memory_space<vmem>>, %arg4: memref<128x128xf32, #tpu.memory_space<vmem>>, %arg5: memref<2000x128xf32, #tpu.memory_space<vmem>>) attributes {dimension_semantics = [#tpu.dimension_semantics<arbitrary>], iteration_bounds = array<i64: 5>, scalar_prefetch = 0 : i64, scratch_operands = 0 : i64, tpu.core_type = #tpu.core_type<tc>, window_params = [{transform_indices = @transform_0, window_bounds = array<i64: 2, 2000, 128>}, {transform_indices = @transform_1, window_bounds = array<i64: 2000, 1>}, {pipeline_mode = #tpu.pipeline_mode<synchronous>, transform_indices = @transform_2, window_bounds = array<i64: 1, 128>}, {pipeline_mode = #tpu.pipeline_mode<synchronous>, transform_indices = @transform_3, window_bounds = array<i64: 128, 128>}, {transform_indices = @transform_4, window_bounds = array<i64: 2000, 128>}]} {
    %get3A = arith.constant 0 : index
    %get3A_0 = arith.constant 0 : index
    %get3A_1 = vector.load %arg2[%get3A, %get3A_0] : memref<2000x1xf32, #tpu.memory_space<vmem>>, vector<2000x1xf32>
    %get3A_2 = arith.constant 0 : index
    %get3A_3 = arith.constant 0 : index
    %get3A_4 = arith.constant 0 : index
    %get3A_5 = vector.load %arg1[%get3A_2, %get3A_3, %get3A_4] : memref<2x2000x128xf32, #tpu.memory_space<vmem>>, vector<1x2000x128xf32>
    %get3A_6 = vector.shape_cast %get3A_5 : vector<1x2000x128xf32> to vector<2000x128xf32>
    %get3A_7 = arith.constant 1 : index
    %get3A_8 = arith.constant 0 : index
    %get3A_9 = arith.constant 0 : index
    %get3A_10 = vector.load %arg1[%get3A_7, %get3A_8, %get3A_9] : memref<2x2000x128xf32, #tpu.memory_space<vmem>>, vector<1x2000x128xf32>
    %get3A_11 = vector.shape_cast %get3A_10 : vector<1x2000x128xf32> to vector<2000x128xf32>
    %add3A = arith.addf %get3A_6, %get3A_11 : vector<2000x128xf32>
    %mul3A = vector.broadcast %get3A_1 : vector<2000x1xf32> to vector<2000x128xf32>
    %mul3A_12 = arith.mulf %add3A, %mul3A : vector<2000x128xf32>
    %get3A_13 = arith.constant 0 : index
    %get3A_14 = arith.constant 0 : index
    %get3A_15 = vector.load %arg3[%get3A_13, %get3A_14] : memref<1x128xf32, #tpu.memory_space<vmem>>, vector<1x128xf32>
    %add3A_16 = vector.broadcast %get3A_15 : vector<1x128xf32> to vector<2000x128xf32>
    %add3A_17 = arith.addf %mul3A_12, %add3A_16 : vector<2000x128xf32>
    %max3A = arith.constant 0.000000e+00 : f32
    %max3A_18 = vector.broadcast %max3A : f32 to vector<2000x128xf32>
    %max3A_19 = arith.maximumf %add3A_17, %max3A_18 : vector<2000x128xf32>
    %get3A_20 = arith.constant 0 : index
    %get3A_21 = arith.constant 0 : index
    %get3A_22 = vector.load %arg4[%get3A_20, %get3A_21] : memref<128x128xf32, #tpu.memory_space<vmem>>, vector<128x128xf32>
    %dot_general3A = arith.constant dense<0.000000e+00> : vector<2000x128xf32>
    %dot_general3A_23 = tpu.matmul %max3A_19, %get3A_22, %dot_general3A {dimension_numbers = #tpu.dot_dimension_numbers<[1], [0], [0], [1], [0, 0, 1, 1], [], []>, transpose_lhs_hint = false} : vector<2000x128xf32>, vector<128x128xf32>, vector<2000x128xf32> -> vector<2000x128xf32>
    %mul3A_24 = vector.broadcast %get3A_1 : vector<2000x1xf32> to vector<2000x128xf32>
    %mul3A_25 = arith.mulf %dot_general3A_23, %mul3A_24 : vector<2000x128xf32>
    %swap3A = arith.constant 0 : index
    %swap3A_26 = arith.constant 0 : index
    %swap3A_27 = vector.load %arg5[%swap3A, %swap3A_26] : memref<2000x128xf32, #tpu.memory_space<vmem>>, vector<2000x128xf32>
    tpu.vector_store %arg5[%swap3A, %swap3A_26], %mul3A_25 {strides = array<i32>} : memref<2000x128xf32, #tpu.memory_space<vmem>>, vector<2000x128xf32>,
    return
  }
  func.func @transform_0(%arg0: i32) -> (i32, i32, i32) {
    %c0_i32 = arith.constant 0 : i32
    %c0_i32_0 = arith.constant 0 : i32
    %c0_i32_1 = arith.constant 0 : i32
    return %c0_i32, %arg0, %c0_i32_0 : i32, i32, i32
  }
  func.func @transform_1(%arg0: i32) -> (i32, i32) {
    %c0_i32 = arith.constant 0 : i32
    %c0_i32_0 = arith.constant 0 : i32
    return %arg0, %c0_i32 : i32, i32
  }
  func.func @transform_2(%arg0: i32) -> (i32, i32) {
    %c0_i32 = arith.constant 0 : i32
    %c0_i32_0 = arith.constant 0 : i32
    %c0_i32_1 = arith.constant 0 : i32
    return %c0_i32, %c0_i32_0 : i32, i32
  }
  func.func @transform_3(%arg0: i32) -> (i32, i32) {
    %c0_i32 = arith.constant 0 : i32
    %c0_i32_0 = arith.constant 0 : i32
    %c0_i32_1 = arith.constant 0 : i32
    return %c0_i32, %c0_i32_0 : i32, i32
  }
  func.func @transform_4(%arg0: i32) -> (i32, i32) {
    %c0_i32 = arith.constant 0 : i32
    %c0_i32_0 = arith.constant 0 : i32
    return %arg0, %c0_i32 : i32, i32
  }
}

module attributes {stable_mosaic.version = 14 : i64} {
  func.func @_final_tc(%arg0: i32, %arg1: memref<2x2000x128xf32, #tpu.memory_space<vmem>>, %arg2: memref<2000x1xf32, #tpu.memory_space<vmem>>, %arg3: memref<1x128xf32, #tpu.memory_space<vmem>>, %arg4: memref<128x128xf32, #tpu.memory_space<vmem>>, %arg5: memref<1x128xf32, #tpu.memory_space<vmem>>, %arg6: memref<128x128xf32, #tpu.memory_space<vmem>>, %arg7: memref<1x128xf32, #tpu.memory_space<vmem>>, %arg8: memref<128x64xf32, #tpu.memory_space<vmem>>, %arg9: memref<1x64xf32, #tpu.memory_space<vmem>>, %arg10: memref<64x32xf32, #tpu.memory_space<vmem>>, %arg11: memref<1x32xf32, #tpu.memory_space<vmem>>, %arg12: memref<32x3xf32, #tpu.memory_space<vmem>>, %arg13: memref<1x3xf32, #tpu.memory_space<vmem>>, %arg14: memref<128x64xf32, #tpu.memory_space<vmem>>, %arg15: memref<1x64xf32, #tpu.memory_space<vmem>>, %arg16: memref<64x1xf32, #tpu.memory_space<vmem>>, %arg17: memref<1x1xf32, #tpu.memory_space<vmem>>, %arg18: memref<2000x3xf32, #tpu.memory_space<vmem>>, %arg19: memref<2000x1xf32, #tpu.memory_space<vmem>>) attributes {dimension_semantics = [#tpu.dimension_semantics<arbitrary>], iteration_bounds = array<i64: 5>, scalar_prefetch = 0 : i64, scratch_operands = 0 : i64, tpu.core_type = #tpu.core_type<tc>, window_params = [{transform_indices = @transform_0, window_bounds = array<i64: 2, 2000, 128>}, {transform_indices = @transform_1, window_bounds = array<i64: 2000, 1>}, {pipeline_mode = #tpu.pipeline_mode<synchronous>, transform_indices = @transform_2, window_bounds = array<i64: 1, 128>}, {pipeline_mode = #tpu.pipeline_mode<synchronous>, transform_indices = @transform_3, window_bounds = array<i64: 128, 128>}, {pipeline_mode = #tpu.pipeline_mode<synchronous>, transform_indices = @transform_4, window_bounds = array<i64: 1, 128>}, {pipeline_mode = #tpu.pipeline_mode<synchronous>, transform_indices = @transform_5, window_bounds = array<i64: 128, 128>}, {pipeline_mode = #tpu.pipeline_mode<synchronous>, transform_indices = @transform_6, window_bounds = array<i64: 1, 128>}, {pipeline_mode = #tpu.pipeline_mode<synchronous>, transform_indices = @transform_7, window_bounds = array<i64: 128, 64>}, {pipeline_mode = #tpu.pipeline_mode<synchronous>, transform_indices = @transform_8, window_bounds = array<i64: 1, 64>}, {pipeline_mode = #tpu.pipeline_mode<synchronous>, transform_indices = @transform_9, window_bounds = array<i64: 64, 32>}, {pipeline_mode = #tpu.pipeline_mode<synchronous>, transform_indices = @transform_10, window_bounds = array<i64: 1, 32>}, {pipeline_mode = #tpu.pipeline_mode<synchronous>, transform_indices = @transform_11, window_bounds = array<i64: 32, 3>}, {pipeline_mode = #tpu.pipeline_mode<synchronous>, transform_indices = @transform_12, window_bounds = array<i64: 1, 3>}, {pipeline_mode = #tpu.pipeline_mode<synchronous>, transform_indices = @transform_13, window_bounds = array<i64: 128, 64>}, {pipeline_mode = #tpu.pipeline_mode<synchronous>, transform_indices = @transform_14, window_bounds = array<i64: 1, 64>}, {pipeline_mode = #tpu.pipeline_mode<synchronous>, transform_indices = @transform_15, window_bounds = array<i64: 64, 1>}, {pipeline_mode = #tpu.pipeline_mode<synchronous>, transform_indices = @transform_16, window_bounds = array<i64: 1, 1>}, {transform_indices = @transform_17, window_bounds = array<i64: 2000, 3>}, {transform_indices = @transform_18, window_bounds = array<i64: 2000, 1>}]} {
    %get3A = arith.constant 0 : index
    %get3A_0 = arith.constant 0 : index
    %get3A_1 = vector.load %arg2[%get3A, %get3A_0] : memref<2000x1xf32, #tpu.memory_space<vmem>>, vector<2000x1xf32>
    %get3A_2 = arith.constant 0 : index
    %get3A_3 = arith.constant 0 : index
    %get3A_4 = arith.constant 0 : index
    %get3A_5 = vector.load %arg1[%get3A_2, %get3A_3, %get3A_4] : memref<2x2000x128xf32, #tpu.memory_space<vmem>>, vector<1x2000x128xf32>
    %get3A_6 = vector.shape_cast %get3A_5 : vector<1x2000x128xf32> to vector<2000x128xf32>
    %get3A_7 = arith.constant 1 : index
    %get3A_8 = arith.constant 0 : index
    %get3A_9 = arith.constant 0 : index
    %get3A_10 = vector.load %arg1[%get3A_7, %get3A_8, %get3A_9] : memref<2x2000x128xf32, #tpu.memory_space<vmem>>, vector<1x2000x128xf32>
    %get3A_11 = vector.shape_cast %get3A_10 : vector<1x2000x128xf32> to vector<2000x128xf32>
    %add3A = arith.addf %get3A_6, %get3A_11 : vector<2000x128xf32>
    %mul3A = vector.broadcast %get3A_1 : vector<2000x1xf32> to vector<2000x128xf32>
    %mul3A_12 = arith.mulf %add3A, %mul3A : vector<2000x128xf32>
    %get3A_13 = arith.constant 0 : index
    %get3A_14 = arith.constant 0 : index
    %get3A_15 = vector.load %arg3[%get3A_13, %get3A_14] : memref<1x128xf32, #tpu.memory_space<vmem>>, vector<1x128xf32>
    %add3A_16 = vector.broadcast %get3A_15 : vector<1x128xf32> to vector<2000x128xf32>
    %add3A_17 = arith.addf %mul3A_12, %add3A_16 : vector<2000x128xf32>
    %get3A_18 = arith.constant 0 : index
    %get3A_19 = arith.constant 0 : index
    %get3A_20 = vector.load %arg4[%get3A_18, %get3A_19] : memref<128x128xf32, #tpu.memory_space<vmem>>, vector<128x128xf32>
    %dot_general3A = arith.constant dense<0.000000e+00> : vector<2000x128xf32>
    %dot_general3A_21 = tpu.matmul %add3A_17, %get3A_20, %dot_general3A {dimension_numbers = #tpu.dot_dimension_numbers<[1], [0], [0], [1], [0, 0, 1, 1], [], []>, transpose_lhs_hint = false} : vector<2000x128xf32>, vector<128x128xf32>, vector<2000x128xf32> -> vector<2000x128xf32>
    %get3A_22 = arith.constant 0 : index
    %get3A_23 = arith.constant 0 : index
    %get3A_24 = vector.load %arg5[%get3A_22, %get3A_23] : memref<1x128xf32, #tpu.memory_space<vmem>>, vector<1x128xf32>
    %add3A_25 = vector.broadcast %get3A_24 : vector<1x128xf32> to vector<2000x128xf32>
    %add3A_26 = arith.addf %dot_general3A_21, %add3A_25 : vector<2000x128xf32>
    %get3A_27 = arith.constant 0 : index
    %get3A_28 = arith.constant 0 : index
    %get3A_29 = vector.load %arg6[%get3A_27, %get3A_28] : memref<128x128xf32, #tpu.memory_space<vmem>>, vector<128x128xf32>
    %dot_general3A_30 = arith.constant dense<0.000000e+00> : vector<2000x128xf32>
    %dot_general3A_31 = tpu.matmul %add3A_26, %get3A_29, %dot_general3A_30 {dimension_numbers = #tpu.dot_dimension_numbers<[1], [0], [0], [1], [0, 0, 1, 1], [], []>, transpose_lhs_hint = false} : vector<2000x128xf32>, vector<128x128xf32>, vector<2000x128xf32> -> vector<2000x128xf32>
    %get3A_32 = arith.constant 0 : index
    %get3A_33 = arith.constant 0 : index
    %get3A_34 = vector.load %arg7[%get3A_32, %get3A_33] : memref<1x128xf32, #tpu.memory_space<vmem>>, vector<1x128xf32>
    %add3A_35 = vector.broadcast %get3A_34 : vector<1x128xf32> to vector<2000x128xf32>
    %add3A_36 = arith.addf %dot_general3A_31, %add3A_35 : vector<2000x128xf32>
    %get3A_37 = arith.constant 0 : index
    %get3A_38 = arith.constant 0 : index
    %get3A_39 = vector.load %arg8[%get3A_37, %get3A_38] : memref<128x64xf32, #tpu.memory_space<vmem>>, vector<128x64xf32>
    %dot_general3A_40 = arith.constant dense<0.000000e+00> : vector<2000x64xf32>
    %dot_general3A_41 = tpu.matmul %add3A_36, %get3A_39, %dot_general3A_40 {dimension_numbers = #tpu.dot_dimension_numbers<[1], [0], [0], [1], [0, 0, 1, 1], [], []>, transpose_lhs_hint = false} : vector<2000x128xf32>, vector<128x64xf32>, vector<2000x64xf32> -> vector<2000x64xf32>
    %get3A_42 = arith.constant 0 : index
    %get3A_43 = arith.constant 0 : index
    %get3A_44 = vector.load %arg9[%get3A_42, %get3A_43] : memref<1x64xf32, #tpu.memory_space<vmem>>, vector<1x64xf32>
    %add3A_45 = vector.broadcast %get3A_44 : vector<1x64xf32> to vector<2000x64xf32>
    %add3A_46 = arith.addf %dot_general3A_41, %add3A_45 : vector<2000x64xf32>
    %max3A = arith.constant 0.000000e+00 : f32
    %max3A_47 = vector.broadcast %max3A : f32 to vector<2000x64xf32>
    %max3A_48 = arith.maximumf %add3A_46, %max3A_47 : vector<2000x64xf32>
    %get3A_49 = arith.constant 0 : index
    %get3A_50 = arith.constant 0 : index
    %get3A_51 = vector.load %arg10[%get3A_49, %get3A_50] : memref<64x32xf32, #tpu.memory_space<vmem>>, vector<64x32xf32>
    %dot_general3A_52 = arith.constant dense<0.000000e+00> : vector<2000x32xf32>
    %dot_general3A_53 = tpu.matmul %max3A_48, %get3A_51, %dot_general3A_52 {dimension_numbers = #tpu.dot_dimension_numbers<[1], [0], [0], [1], [0, 0, 1, 1], [], []>, transpose_lhs_hint = false} : vector<2000x64xf32>, vector<64x32xf32>, vector<2000x32xf32> -> vector<2000x32xf32>
    %get3A_54 = arith.constant 0 : index
    %get3A_55 = arith.constant 0 : index
    %get3A_56 = vector.load %arg11[%get3A_54, %get3A_55] : memref<1x32xf32, #tpu.memory_space<vmem>>, vector<1x32xf32>
    %add3A_57 = vector.broadcast %get3A_56 : vector<1x32xf32> to vector<2000x32xf32>
    %add3A_58 = arith.addf %dot_general3A_53, %add3A_57 : vector<2000x32xf32>
    %max3A_59 = arith.constant 0.000000e+00 : f32
    %max3A_60 = vector.broadcast %max3A_59 : f32 to vector<2000x32xf32>
    %max3A_61 = arith.maximumf %add3A_58, %max3A_60 : vector<2000x32xf32>
    %get3A_62 = arith.constant 0 : index
    %get3A_63 = arith.constant 0 : index
    %get3A_64 = vector.load %arg12[%get3A_62, %get3A_63] : memref<32x3xf32, #tpu.memory_space<vmem>>, vector<32x3xf32>
    %dot_general3A_65 = arith.constant dense<0.000000e+00> : vector<2000x3xf32>
    %dot_general3A_66 = tpu.matmul %max3A_61, %get3A_64, %dot_general3A_65 {dimension_numbers = #tpu.dot_dimension_numbers<[1], [0], [0], [1], [0, 0, 1, 1], [], []>, transpose_lhs_hint = false} : vector<2000x32xf32>, vector<32x3xf32>, vector<2000x3xf32> -> vector<2000x3xf32>
    %get3A_67 = arith.constant 0 : index
    %get3A_68 = arith.constant 0 : index
    %get3A_69 = vector.load %arg13[%get3A_67, %get3A_68] : memref<1x3xf32, #tpu.memory_space<vmem>>, vector<1x3xf32>
    %add3A_70 = vector.broadcast %get3A_69 : vector<1x3xf32> to vector<2000x3xf32>
    %add3A_71 = arith.addf %dot_general3A_66, %add3A_70 : vector<2000x3xf32>
    %swap3A = arith.constant 0 : index
    %swap3A_72 = arith.constant 0 : index
    %swap3A_73 = vector.load %arg18[%swap3A, %swap3A_72] : memref<2000x3xf32, #tpu.memory_space<vmem>>, vector<2000x3xf32>
    tpu.vector_store %arg18[%swap3A, %swap3A_72], %add3A_71 {strides = array<i32>} : memref<2000x3xf32, #tpu.memory_space<vmem>>, vector<2000x3xf32>,
    %get3A_74 = arith.constant 0 : index
    %get3A_75 = arith.constant 0 : index
    %get3A_76 = vector.load %arg14[%get3A_74, %get3A_75] : memref<128x64xf32, #tpu.memory_space<vmem>>, vector<128x64xf32>
    %dot_general3A_77 = arith.constant dense<0.000000e+00> : vector<2000x64xf32>
    %dot_general3A_78 = tpu.matmul %add3A_36, %get3A_76, %dot_general3A_77 {dimension_numbers = #tpu.dot_dimension_numbers<[1], [0], [0], [1], [0, 0, 1, 1], [], []>, transpose_lhs_hint = false} : vector<2000x128xf32>, vector<128x64xf32>, vector<2000x64xf32> -> vector<2000x64xf32>
    %get3A_79 = arith.constant 0 : index
    %get3A_80 = arith.constant 0 : index
    %get3A_81 = vector.load %arg15[%get3A_79, %get3A_80] : memref<1x64xf32, #tpu.memory_space<vmem>>, vector<1x64xf32>
    %add3A_82 = vector.broadcast %get3A_81 : vector<1x64xf32> to vector<2000x64xf32>
    %add3A_83 = arith.addf %dot_general3A_78, %add3A_82 : vector<2000x64xf32>
    %max3A_84 = arith.constant 0.000000e+00 : f32
    %max3A_85 = vector.broadcast %max3A_84 : f32 to vector<2000x64xf32>
    %max3A_86 = arith.maximumf %add3A_83, %max3A_85 : vector<2000x64xf32>
    %get3A_87 = arith.constant 0 : index
    %get3A_88 = arith.constant 0 : index
    %get3A_89 = vector.load %arg16[%get3A_87, %get3A_88] : memref<64x1xf32, #tpu.memory_space<vmem>>, vector<64x1xf32>
    %dot_general3A_90 = arith.constant dense<0.000000e+00> : vector<2000x1xf32>
    %dot_general3A_91 = tpu.matmul %max3A_86, %get3A_89, %dot_general3A_90 {dimension_numbers = #tpu.dot_dimension_numbers<[1], [0], [0], [1], [0, 0, 1, 1], [], []>, transpose_lhs_hint = false} : vector<2000x64xf32>, vector<64x1xf32>, vector<2000x1xf32> -> vector<2000x1xf32>
    %get3A_92 = arith.constant 0 : index
    %get3A_93 = arith.constant 0 : index
    %get3A_94 = vector.load %arg17[%get3A_92, %get3A_93] : memref<1x1xf32, #tpu.memory_space<vmem>>, vector<1x1xf32>
    %add3A_95 = vector.broadcast %get3A_94 : vector<1x1xf32> to vector<2000x1xf32>
    %add3A_96 = arith.addf %dot_general3A_91, %add3A_95 : vector<2000x1xf32>
    %neg3A = arith.constant 0.000000e+00 : f32
    %neg3A_97 = vector.broadcast %neg3A : f32 to vector<2000x1xf32>
    %neg3A_98 = arith.subf %neg3A_97, %add3A_96 : vector<2000x1xf32>
    %exp3A = math.exp %neg3A_98 : vector<2000x1xf32>
    %add3A_99 = arith.constant 1.000000e+00 : f32
    %add3A_100 = vector.broadcast %add3A_99 : f32 to vector<2000x1xf32>
    %add3A_101 = arith.addf %add3A_100, %exp3A : vector<2000x1xf32>
    %div3A = arith.constant 1.000000e+00 : f32
    %div3A_102 = vector.broadcast %div3A : f32 to vector<2000x1xf32>
    %div3A_103 = arith.divf %div3A_102, %add3A_101 : vector<2000x1xf32>
    %swap3A_104 = arith.constant 0 : index
    %swap3A_105 = arith.constant 0 : index
    %swap3A_106 = vector.load %arg19[%swap3A_104, %swap3A_105] : memref<2000x1xf32, #tpu.memory_space<vmem>>, vector<2000x1xf32>
    tpu.vector_store %arg19[%swap3A_104, %swap3A_105], %div3A_103 {strides = array<i32>} : memref<2000x1xf32, #tpu.memory_space<vmem>>, vector<2000x1xf32>,
    return
  }
  func.func @transform_0(%arg0: i32) -> (i32, i32, i32) {
    %c0_i32 = arith.constant 0 : i32
    %c0_i32_0 = arith.constant 0 : i32
    %c0_i32_1 = arith.constant 0 : i32
    return %c0_i32, %arg0, %c0_i32_0 : i32, i32, i32
  }
  func.func @transform_1(%arg0: i32) -> (i32, i32) {
    %c0_i32 = arith.constant 0 : i32
    %c0_i32_0 = arith.constant 0 : i32
    return %arg0, %c0_i32 : i32, i32
  }
  func.func @transform_2(%arg0: i32) -> (i32, i32) {
    %c0_i32 = arith.constant 0 : i32
    %c0_i32_0 = arith.constant 0 : i32
    %c0_i32_1 = arith.constant 0 : i32
    return %c0_i32, %c0_i32_0 : i32, i32
  }
  func.func @transform_3(%arg0: i32) -> (i32, i32) {
    %c0_i32 = arith.constant 0 : i32
    %c0_i32_0 = arith.constant 0 : i32
    %c0_i32_1 = arith.constant 0 : i32
    return %c0_i32, %c0_i32_0 : i32, i32
  }
  func.func @transform_4(%arg0: i32) -> (i32, i32) {
    %c0_i32 = arith.constant 0 : i32
    %c0_i32_0 = arith.constant 0 : i32
    %c0_i32_1 = arith.constant 0 : i32
    return %c0_i32, %c0_i32_0 : i32, i32
  }
  func.func @transform_5(%arg0: i32) -> (i32, i32) {
    %c0_i32 = arith.constant 0 : i32
    %c0_i32_0 = arith.constant 0 : i32
    %c0_i32_1 = arith.constant 0 : i32
    return %c0_i32, %c0_i32_0 : i32, i32
  }
  func.func @transform_6(%arg0: i32) -> (i32, i32) {
    %c0_i32 = arith.constant 0 : i32
    %c0_i32_0 = arith.constant 0 : i32
    %c0_i32_1 = arith.constant 0 : i32
    return %c0_i32, %c0_i32_0 : i32, i32
  }
  func.func @transform_7(%arg0: i32) -> (i32, i32) {
    %c0_i32 = arith.constant 0 : i32
    %c0_i32_0 = arith.constant 0 : i32
    %c0_i32_1 = arith.constant 0 : i32
    return %c0_i32, %c0_i32_0 : i32, i32
  }
  func.func @transform_8(%arg0: i32) -> (i32, i32) {
    %c0_i32 = arith.constant 0 : i32
    %c0_i32_0 = arith.constant 0 : i32
    %c0_i32_1 = arith.constant 0 : i32
    return %c0_i32, %c0_i32_0 : i32, i32
  }
  func.func @transform_9(%arg0: i32) -> (i32, i32) {
    %c0_i32 = arith.constant 0 : i32
    %c0_i32_0 = arith.constant 0 : i32
    %c0_i32_1 = arith.constant 0 : i32
    return %c0_i32, %c0_i32_0 : i32, i32
  }
  func.func @transform_10(%arg0: i32) -> (i32, i32) {
    %c0_i32 = arith.constant 0 : i32
    %c0_i32_0 = arith.constant 0 : i32
    %c0_i32_1 = arith.constant 0 : i32
    return %c0_i32, %c0_i32_0 : i32, i32
  }
  func.func @transform_11(%arg0: i32) -> (i32, i32) {
    %c0_i32 = arith.constant 0 : i32
    %c0_i32_0 = arith.constant 0 : i32
    %c0_i32_1 = arith.constant 0 : i32
    return %c0_i32, %c0_i32_0 : i32, i32
  }
  func.func @transform_12(%arg0: i32) -> (i32, i32) {
    %c0_i32 = arith.constant 0 : i32
    %c0_i32_0 = arith.constant 0 : i32
    %c0_i32_1 = arith.constant 0 : i32
    return %c0_i32, %c0_i32_0 : i32, i32
  }
  func.func @transform_13(%arg0: i32) -> (i32, i32) {
    %c0_i32 = arith.constant 0 : i32
    %c0_i32_0 = arith.constant 0 : i32
    %c0_i32_1 = arith.constant 0 : i32
    return %c0_i32, %c0_i32_0 : i32, i32
  }
  func.func @transform_14(%arg0: i32) -> (i32, i32) {
    %c0_i32 = arith.constant 0 : i32
    %c0_i32_0 = arith.constant 0 : i32
    %c0_i32_1 = arith.constant 0 : i32
    return %c0_i32, %c0_i32_0 : i32, i32
  }
  func.func @transform_15(%arg0: i32) -> (i32, i32) {
    %c0_i32 = arith.constant 0 : i32
    %c0_i32_0 = arith.constant 0 : i32
    %c0_i32_1 = arith.constant 0 : i32
    return %c0_i32, %c0_i32_0 : i32, i32
  }
  func.func @transform_16(%arg0: i32) -> (i32, i32) {
    %c0_i32 = arith.constant 0 : i32
    %c0_i32_0 = arith.constant 0 : i32
    %c0_i32_1 = arith.constant 0 : i32
    return %c0_i32, %c0_i32_0 : i32, i32
  }
  func.func @transform_17(%arg0: i32) -> (i32, i32) {
    %c0_i32 = arith.constant 0 : i32
    %c0_i32_0 = arith.constant 0 : i32
    return %arg0, %c0_i32 : i32, i32
  }
  func.func @transform_18(%arg0: i32) -> (i32, i32) {
    %c0_i32 = arith.constant 0 : i32
    %c0_i32_0 = arith.constant 0 : i32
    return %arg0, %c0_i32 : i32, i32
  }
}

</mosaic_0001>

<sc_bundles>
// kernel: kernel.13.cloned.1.call-start
scs
__scs_entry_jumppad:
0x0: {  	(pc) =	sbr.rel $0x88, $3  }
0x1: {  	(tag) =	ssettag $0x0;
	lr =	simm.s32 $0x1  }
0x2: {  	[smem:$0x3F89] =	sst lr;
	_ =	strace $0xD0000000  }
0x3: {  	_ = 	snop  }
0x4: {  	_ = 	snop  }
0x5: {  	_ = 	snop  }
0x6: {  	_ = 	snop  }
0x7: {  	_ = 	snop  }
__scs_overlays_trampoline_lowered:
0x8: {  	[smem:$0x3F98] =	sst s0  }
0x9: {  	[smem:$0x3F99] =	sst s1  }
0xa: {  	[smem:$0x3F9A] =	sst s2  }
0xb: {  	[smem:$0x3F9B] =	sst s3  }
0xc: {  	[smem:$0x3F9C] =	sst s4  }
0xd: {  	[smem:$0x3F9D] =	sst s5  }
0xe: {  	[smem:$0x3F9E] =	sst s6  }
0xf: {  	[smem:$0x3F9F] =	sst s7  }
0x10: {  	[smem:$0x3FA0] =	sst s8  }
0x11: {  	[smem:$0x3FA1] =	sst s9;
	s0 =	simm.s32 @!p0 $0x0  }
0x12: {  	s1 =	sld [smem:$0x3F87];
	s0 =	simm.s32 @p0 $0x1  }
0x13: {  	[smem:$0x3FA2] =	sst s0;
	s0 =	simm.s32 @!p1 $0x0  }
0x14: {  	s2 =	sld [smem:$0x3F86];
	s0 =	simm.s32 @p1 $0x1  }
0x15: {  	[smem:$0x3FA3] =	sst s0;
	s0 =	simm.s32 @!p2 $0x0  }
0x16: {  	s3 =	sld [smem:$0x3FDB];
	s0 =	simm.s32 @p2 $0x1  }
0x17: {  	s4 =	simm.s32 $0x1BF5;
	[smem:$0x3FA5] =	sst s0  }
0x18: {  	s0 =	sld [smem:$0x3F88];
	_ =	swait.ge [sflag:s4], $0x0  }
0x19: {  	s7 =	sld [smem:$0x3F89]  }
0x1a: {  	s8 =	sadd.s32 $0xFFFFE003, lr  }
0x1b: {  	s9 =	sadd.s32 $0xFFFFFEF7, lr;
	s5 =	simm.s32 $0xFFFFFFFF;
	p2 =	slt.u32 s8, $0xFFFFF086  }
0x1c: {  	p1 =	slt.u32 s9, $0xF7A;
	s5 =	simm.s32 @!p2 $0x0  }
0x1d: {  	s5 =	simm.s32 @p1 $0x1;
	p0 =	seq.s32 s7, s2  }
0x1e: {  	s7 =	smul.u32 @!p0 $0xF7A, s2;
	p2 =	seq.s32 @!p0 s5, $0x0  }
0x1f: {  	s9 =	smul.u32 $0xF7A, s1;
	s8 =	simm.s32 @!p0 $0x1BF5;
	p2 =	por !p2, p0  }
0x20: {  	[sflag:s8] =	ssyncset.s32 @!p0 $0xFFFFF086;
	s6 =	sadd.s32 @!p0 s3, s7;
	s7 =	simm.s32 @!p0 $0x108  }
0x21: {  	s3 =	sadd.s32 s3, s9;
	s6 =	sadd.s32 @!p0 $0x88, s6;
	s7 =	simm.s32 @p2 $0x1082  }
0x22: {  	[simem:s7], [sflag:s8] =	dma.local @!p0 [hbm:s6], $0xF7A  }
0x23: {  	s9 =	sor.u32 $0xD0000000, s2;
	s6 =	simm.s32 $0x108;
	_ =	swait.ge @!p0 [sflag:s8], $0x0  }
0x24: {  	s3 =	sadd.s32 $0x88, s3;
	s6 =	simm.s32 @!p1 $0x1082;
	[sflag:s4] =	ssyncset.s32 $0xFFFFF086  }
0x25: {  	[simem:s6], [sflag:s4] =	dma.local [hbm:s3], $0xF7A  }
0x26: {  	[smem:$0x3F89] =	sst s1;
	(tag) =	ssettag s2;
	_ =	strace s9  }
0x27: {  	s1 =	sld [smem:$0x3F99]  }
0x28: {  	s2 =	sld [smem:$0x3F9A]  }
0x29: {  	s4 =	sld [smem:$0x3F9C]  }
0x2a: {  	p0 =	seq.s32 s5, $0x0;
	s5 =	sld [smem:$0x3F9D]  }
0x2b: {  	s6 =	sld [smem:$0x3F9E]  }
0x2c: {  	s7 =	sld [smem:$0x3F9F]  }
0x2d: {  	s3 =	simm.s32 $0x108;
	s8 =	sld [smem:$0x3FA0]  }
0x2e: {  	s3 =	simm.s32 @!p0 $0x1082;
	s9 =	sld [smem:$0x3FA1]  }
0x2f: {  	lr =	sadd.s32 s0, s3;
	s0 =	sld [smem:$0x3F98]  }
0x30: {  	s3 =	sld [smem:$0x3F9B]  }
0x31: {  	[smem:$0x3FA4] =	sst s10  }
0x32: {  	s10 =	sld [smem:$0x3FA2];
	_ =	sdelay $0x3  }
0x33: {  	p0 =	seq.s32 s10, $0x1;
	s10 =	sld [smem:$0x3FA4];
	_ =	sdelay $0x3  }
0x34: {  	[smem:$0x3FA4] =	sst s10  }
0x35: {  	s10 =	sld [smem:$0x3FA3];
	_ =	sdelay $0x3  }
0x36: {  	p1 =	seq.s32 s10, $0x1;
	s10 =	sld [smem:$0x3FA4];
	_ =	sdelay $0x3  }
0x37: {  	[smem:$0x3FA4] =	sst s10  }
0x38: {  	s10 =	sld [smem:$0x3FA5]  }
0x39: {  	_ = 	snop;
	(pc) =	sbr.ind lr, $3  }
0x3a: {  	_ = 	snop  }
0x3b: {  	_ = 	snop  }
0x3c: {  	p2 =	seq.s32 s10, $0x1;
	s10 =	sld [smem:$0x3FA4]  }
0x3d: {  	_ =	shalt  }
0x3e: {  	_ =	shalt  }
0x3f: {  	_ =	shalt  }
0x40: {  	_ =	shalt  }
0x41: {  	_ =	shalt  }
0x42: {  	_ =	shalt  }
0x43: {  	_ =	shalt  }
0x44: {  	_ =	shalt  }
0x45: {  	_ =	shalt  }
0x46: {  	_ =	shalt  }
0x47: {  	_ =	shalt  }
0x48: {  	_ =	shalt  }
0x49: {  	_ =	shalt  }
0x4a: {  	_ =	shalt  }
0x4b: {  	_ =	shalt  }
0x4c: {  	_ =	shalt  }
0x4d: {  	_ =	shalt  }
0x4e: {  	_ =	shalt  }
0x4f: {  	_ =	shalt  }
0x50: {  	_ =	shalt  }
0x51: {  	_ =	shalt  }
0x52: {  	_ =	shalt  }
0x53: {  	_ =	shalt  }
0x54: {  	_ =	shalt  }
0x55: {  	_ =	shalt  }
0x56: {  	_ =	shalt  }
0x57: {  	_ =	shalt  }
0x58: {  	_ =	shalt  }
0x59: {  	_ =	shalt  }
0x5a: {  	_ =	shalt  }
0x5b: {  	_ =	shalt  }
0x5c: {  	_ =	shalt  }
0x5d: {  	_ =	shalt  }
0x5e: {  	_ =	shalt  }
0x5f: {  	_ =	shalt  }
0x60: {  	_ =	shalt  }
0x61: {  	_ =	shalt  }
0x62: {  	_ =	shalt  }
0x63: {  	_ =	shalt  }
0x64: {  	_ =	shalt  }
0x65: {  	_ =	shalt  }
0x66: {  	_ =	shalt  }
0x67: {  	_ =	shalt  }
0x68: {  	_ =	shalt  }
0x69: {  	_ =	shalt  }
0x6a: {  	_ =	shalt  }
0x6b: {  	_ =	shalt  }
0x6c: {  	_ =	shalt  }
0x6d: {  	_ =	shalt  }
0x6e: {  	_ =	shalt  }
0x6f: {  	_ =	shalt  }
0x70: {  	_ =	shalt  }
0x71: {  	_ =	shalt  }
0x72: {  	_ =	shalt  }
0x73: {  	_ =	shalt  }
0x74: {  	_ =	shalt  }
0x75: {  	_ =	shalt  }
0x76: {  	_ =	shalt  }
0x77: {  	_ =	shalt  }
0x78: {  	_ =	shalt  }
0x79: {  	_ =	shalt  }
0x7a: {  	_ =	shalt  }
0x7b: {  	_ =	shalt  }
0x7c: {  	_ =	shalt  }
0x7d: {  	_ =	shalt  }
0x7e: {  	_ =	shalt  }
0x7f: {  	_ =	shalt  }
0x80: {  	_ =	shalt  }
0x81: {  	_ =	shalt  }
0x82: {  	_ =	shalt  }
0x83: {  	_ =	shalt  }
0x84: {  	_ =	shalt  }
0x85: {  	_ =	shalt  }
0x86: {  	_ =	shalt  }
0x87: {  	_ =	shalt  }
.Lfunc_end0:
.L_simem_size_0:
called_computation_lowered:
.L_overlay_start_0:
0x88: {  	s2 =	sld [smem:$0x3FD9]  }
0x89: {  	s3 =	sld [smem:$0x3FFE];
	_ =	sdelay $0x1  }
0x8a: {  	s1 =	srdreg.scid  }
0x8b: {  	s0 =	sand.u32 $0x1, s1  }
0x8c: {  	s16 =	sshll.u32 s0, $0xA;
	s2 =	sadd.s32 s3, s2  }
0x8d: {  	s2 =	sadd.s32 s2, s16  }
0x8e: {  	[smem:$0x3FB0] =	sst s2  }
0x8f: {  	_ = 	snop  }
0x90: {  	(tm) =	ssettm $0x1  }
0x91: {  	s17 =	sld [smem:$0x3FFB];
	_ =	sdelay $0x3  }
0x92: {  	_ =	strace s17  }
0x93: {  	s2 =	sld [smem:$0x3FFC];
	_ =	sdelay $0x3  }
0x94: {  	_ =	strace s2  }
0x95: {  	s2 =	sld [smem:$0x3FFD];
	_ =	sdelay $0x3  }
0x96: {  	_ =	strace s2  }
0x97: {  	_ =	strace $0x8FFFFFFF  }
0x98: {  	s18 =	sld [smem:$0x3FDB];
	_ =	sdelay $0x1  }
0x99: {  	s19 =	simm.s32 $_scs_section_size  }
0x9a: {  	s4 =	simm.s32 $_size__tile_overlayer_lowered;
	s5 =	simm.s32 $_tile_overlayer_lowered  }
0x9b: {  	s22 =	simm.s32 $0x1BFF;
	s21 =	sshll.u32 s5, $0x1;
	s2 =	sadd.s32 s19, s18  }
0x9c: {  	s6 =	simm.s32 $0x0;
	s20 =	sshll.u32 s4, $0x1;
	s4 =	sadd.s32 s21, s2  }
0x9d: {  	[timem:s6], [sflag:s22] =	dma.local [hbm:s4], s20  }
0x9e: {  	_ =	swait.ge [sflag:s22], s20  }
0x9f: {  	s3 =	ssub.s32 $0x0, s20;
	[sflag:s22] =	ssyncset.done $0x0  }
0xa0: {  	[sflag:s22] =	ssyncadd.s32 s3;
	_ =	sdelay $0x1  }
0xa1: {  	s23 =	simm.s32 $0x1B8B  }
0xa2: {  	_ =	swait.ge [sflag:s23], $0x1  }
0xa3: {  	[sflag:s23] =	ssyncset.done $0x0  }
0xa4: {  	s25 =	simm.s32 $0x1B8E;
	s24 =	sld [smem:$0x3FFE];
	[sflag:s23] =	ssyncadd.s32 $0xFFFFFFFF  }
0xa5: {  	s26 =	simm.s32 $execute0_lowered;
	[smem:$0x3FD2] =	sst s25  }
0xa6: {  	s4 =	sshll.u32 s26, $0x1;
	_ =	strace $0x80000046;
	[dreg:$0x1] =	wrdreg $0xFFFFFFFF  }
0xa7: {  	s28 =	simm.s32 $_size_execute0_lowered;
	s2 =	sadd.s32 s2, s4;
	[dreg:$0x0] =	wrdreg $0x0  }
0xa8: {  	s4 =	sshll.u32 s28, $0x1;
	[dreg:$0x2] =	wrdreg s2  }
0xa9: {  	[dreg:$0x3] =	wrdreg s4  }
0xaa: {  	[dreg:$0x4] =	wrdreg $0xC0  }
0xab: {  	_ =	task [dreg:s6], $0x5FFFF  }
0xac: {  	[dreg:$0x1] =	wrdreg $0xFFFFFFFF  }
0xad: {  	[dreg:$0x0] =	wrdreg $0x60  }
0xae: {  	[dreg:$0x2] =	wrdreg s24  }
0xaf: {  	[dreg:$0x3] =	wrdreg $0x68000  }
0xb0: {  	[dreg:$0x4] =	wrdreg $0x9  }
0xb1: {  	_ =	task.clear_ibuf [dreg:s6], $0x5FFFF;
	_ =	strace $0x90000046  }
0xb2: {  	s29 =	simm.s32 $0x9;
	_ =	strace $0x80000048  }
0xb3: {  	_ =	swait.ge [sflag:s29], $0x1  }
0xb4: {  	[sflag:s29] =	ssyncadd.s32 $0xFFFFFFFF  }
0xb5: {  	_ =	strace $0x90000048  }
0xb6: {  	_ =	sfence  }
0xb7: {  	s30 =	sld [smem:$0x0];
	_ =	sdelay $0x2  }
0xb8: {  	s31 =	sshll.u32 s1, $0xD;
	s1 =	sshrl.u32 s1, $0x2  }
0xb9: {  	s3 =	sand.u32 $0x4000, s31;
	s1 =	sadd.s32 s1, s30  }
0xba: {  	s0 =	sor.u32 s3, s0;
	s1 =	sshll.u32 s1, $0x11  }
0xbb: {  	s0 =	sor.u32 s1, s0  }
0xbc: {  	s0 =	sadd.s32 $0x8F2B, s0  }
0xbd: {  	[sflag:s0] =	ssyncadd.remote.s32 $0x1  }
0xbe: {  	_ =	sfence.sel $0xFFFF  }
0xbf: {  	[dreg:$0x0] =	wrdreg $0xFFFFFFFF;
	(pc) =	sbr.abs _section_cstart, $3  }
0xc0: {  	[dreg:$0x1] =	wrdreg $0xFFFFFFFF  }
0xc1: {  	_ =	task.clear_ibuf [dreg:s6], $0x2FFFF;
	_ =	strace $0x9FFFFFFF  }
0xc2: {  	(tm) =	ssettm $0x7FFFFFFF  }
0xc3: {  	_ =	shalt  }
tec
execute0_lowered:
.L_overlay_start_1:
0x0: {  	(tag) =	ssettag $0x1  }
0x1: {  	s0 =	srdreg.scid  }
0x2: {  	s5 =	rddreg [dreg:$0x0];
	s4 =	sand.u32 $0x1, s0;
	s0 =	stileid.u32  }
0x3: {  	s2 =	rddreg [dreg:$0x1];
	s3 =	simm.s32 $0x0;
	s7 =	smul.u32 $0x2800, s0  }
0x4: {  	s15 =	simm.s32 $0x2800;
	[smem:$0x7FF] =	sst s3;
	s8 =	smul.u32 $0x50000, s0  }
0x5: {  	s9 =	sadd.s32 $0x36200, s5;
	s14 =	sadd.s32 $0x12C000, s2;
	s11 =	smul.u32 $0x138800, s4  }
0x6: {  	s1 =	sshll.u32 s4, $0x4;
	s10 =	ssub.s32 $0x2, s4;
	s12 =	smul.u32 $0x14000, s0  }
0x7: {  	p0 =	seq.s32 s0, $0xF;
	s6 =	sor.u32 s0, s1;
	s1 =	rddreg [dreg:$0x2]  }
0x8: {  	_ =	strace $0x80000047;
	s29 =	sshrl.u32 s10, $0x1;
	s6 =	smul.u32 $0x500, s6  }
0x9: {  	s7 =	sadd.s32 s7, s5;
	s8 =	sshrl.u32 s8, $0x2;
	s10 =	ssub.s32 s10, s29  }
0xa: {  	s30 =	sadd.s32 s12, s11;
	s31 =	sshrl.u32 s11, $0x3;
	s11 =	sshll.u32 @!p0 s0, $0x6  }
0xb: {  	s13 =	sadd.s32 s8, s2;
	s4 =	sadd.s32 $0xF000, s7;
	s7 =	sshrl.u32 s30, $0x3  }
0xc: {  	s8 =	sadd.s32 s9, s31;
	s11 =	sor.u32 @!p0 $0x1C01, s11;
	s6 =	sadd.s32 s6, s5  }
0xd: {  	s5 =	sadd.s32 $0x34800, s5;
	s7 =	sadd.s32 s9, s7;
	s8 =	sadd.s32 $0x25800, s8  }
0xe: {  	s9 =	smax.u32 s10, $0x1;
	s10 =	sshrl.u32 @p0 s14, $0x3;
	s12 =	sshrl.u32 @!p0 s13, $0x3  }
0xf: {  	v0 =	vimm.f32 $1.000000000e+00;
	s13 =	simm.s32 $0x1;
	s14 =	simm.s32 $0x7D;
	s6 =	sadd.s32 $0x5000, s6  }
.LBB2_1:
0x10: {  	s16 =	simm.s32 $0x200;
	s17 =	simm.s32 $0x0  }
.LBB2_2:
0x11: {  	p1 =	sne.s32 s16, $0xF800;
	[tilespmem:s17+$0x2800] =	vst v0;
	s17 =	smov.u32 s16;
	s16 =	sadd.s32 $0x200, s16  }
.Ltmp0:
0x12: {  	(pc) =	sbr.rel @p1 .LBB2_2-.Ltmp0, $2  }
0x13: {  	_ =	sdelay $0x2  }
0x14: {  	s17 =	sshra.s32 s17, $0x2  }
0x15: {  	[tilespmem:s17+$0x2800] =	vst v0;
	s16 =	simm.s32 @p0 $0x1FC1  }
0x16: {  	[spmem:s10], [sflag:s16] =	dma.local @p0 [hbm:s5], $0x1900  }
0x17: {  	s16 =	simm.s32 @p0 $0x1  }
0x18: {  	_ =	swait.ge @p0 [sflag:s16], $0x1900  }
0x19: {  	[sflag:s16] =	ssyncset.done @p0 $0x0  }
0x1a: {  	[sflag:s16] =	ssyncadd.s32 @p0 $0xFFFFE700;
	s16 =	simm.s32 @!p0 $0x1  }
0x1b: {  	[spmem:s12], [sflag:s11] =	dma.local @!p0 [hbm:s4], $0x2800  }
0x1c: {  	_ =	swait.ge @!p0 [sflag:s16], $0x2800  }
0x1d: {  	[sflag:s16] =	ssyncset.done @!p0 $0x0  }
0x1e: {  	[sflag:s16] =	ssyncadd.s32 @!p0 $0xFFFFD800  }
0x1f: {  	s30 =	simm.s32 $0x0;
	[bflag:$0x0] =	sbarrier.arrive $0xFFFF  }
0x20: {  	[tilespmem:s30], [sflag:$0x1] =	stream.linear.gather [hbm4b:s6+s30], $0x2800, $0x38;
	[tilespmem:$0x8F10] =	vst v63  }
0x21: {  	_ =	swait.ge [sflag:s13], $0x2800  }
0x22: {  	[sflag:s13] =	ssyncset.done $0x0  }
0x23: {  	s31 =	simm.s32 $0x0;
	[sflag:s13] =	ssyncadd.s32 $0xFFFFD800  }
0x24: {  	[spmem:s2] =	stream.indirect.scatter.add.f32 [tilespmem:s15], [sflag:$0x1], $0x10, s31, s14, $0xb8;
	[tilespmem:$0x8F10] =	vst v63  }
0x25: {  	_ =	swait.ge [sflag:s13], $0x7D0  }
0x26: {  	s16 =	simm.s32 $0x200;
	[sflag:s13] =	ssyncset.done $0x0  }
.LBB2_4:
0x27: {  	s17 =	sshra.s32 s16, $0x2;
	[sflag:s13] =	ssyncadd.s32 $0xFFFFF830;
	p1 =	sne.s32 s16, $0x9E00  }
0x28: {  	[spmem:s2] =	stream.indirect.scatter.add.f32 [tilespmem:s15], [sflag:$0x1], $0x10, s17, s14, $0xb8;
	[tilespmem:$0x8F10] =	vst v63  }
.Ltmp1:
0x29: {  	_ = 	snop;
	(pc) =	sbr.rel @p1 .LBB2_4-.Ltmp1, $4  }
0x2a: {  	_ = 	snop  }
0x2b: {  	s16 =	sadd.s32 $0x200, s16  }
0x2c: {  	_ =	swait.ge [sflag:s13], $0x7D0  }
0x2d: {  	[sflag:s13] =	ssyncset.done $0x0  }
0x2e: {  	[sflag:s13] =	ssyncadd.s32 $0xFFFFF830  }
0x2f: {  	s16 =	simm.s32 @p0 $0x1FC1;
	[bflag:$0x0] =	sbarrier.arrive $0xFFFF  }
0x30: {  	[hbm:s8], [sflag:s16] =	dma.local @p0 [spmem:s10], $0x1900  }
0x31: {  	s16 =	simm.s32 @p0 $0x1  }
0x32: {  	s3 =	sadd.s32 $0x1, s3;
	_ =	swait.ge @p0 [sflag:s16], $0x1900  }
0x33: {  	p1 =	sne.s32 s3, s9;
	[sflag:s16] =	ssyncset.done @p0 $0x0  }
.Ltmp2:
0x34: {  	[sflag:s16] =	ssyncadd.s32 @p0 $0xFFFFE700;
	s16 =	simm.s32 @!p0 $0x1;
	(pc) =	sbr.rel @p1 .LBB2_1-.Ltmp2, $4  }
0x35: {  	[hbm:s7], [sflag:s11] =	dma.local @!p0 [spmem:s12], $0x2800  }
0x36: {  	_ =	swait.ge @!p0 [sflag:s16], $0x2800  }
0x37: {  	[sflag:s16] =	ssyncset.done @!p0 $0x0  }
0x38: {  	[sflag:s16] =	ssyncadd.s32 @!p0 $0xFFFFD800  }
0x39: {  	_ =	sfence.sel $0x180000  }
0x3a: {  	[bflag:$0x0] =	sbarrier.arrive $0xFFFF  }
0x3b: {  	p0 =	sne.s32 s0, $0x0;
	_ =	strace $0x90000047  }
0x3c: {  	s0 =	sadd.s32 @!p0 $0x100000, s1;
	[bflag:$0x2] =	sbarrier.arrive $0xFFFF  }
0x3d: {  	[sflag:s0] =	ssyncadd.tile.s32 @!p0 $0x1;
	_ =	shalt  }
.Lfunc_end2:
_tile_overlayer_lowered:
.L_overlay_start_2:
0x3e: {  	(tag) =	ssettag $0x2  }
0x3f: {  	s0 =	rddreg [dreg:$0x0];
	s2 =	stileid.u32  }
0x40: {  	s1 =	rddreg [dreg:$0x1];
	p0 =	sne.s32 s2, $0x0  }
0x41: {  	s3 =	rddreg [dreg:$0x2];
	[bflag:$0x3] =	sbarrier.arrive $0xFFFF;
	s2 =	simm.s32 @!p0 $0x1C01  }
0x42: {  	[timem:s3], [sflag:s2] =	dma.local @!p0 [hbm:s0], s1  }
0x43: {  	s0 =	simm.s32 @!p0 $0x1  }
0x44: {  	_ =	swait.ge @!p0 [sflag:s0], s1  }
0x45: {  	s1 =	ssub.s32 @!p0 $0x0, s1;
	[sflag:s0] =	ssyncset.done @!p0 $0x0  }
0x46: {  	[sflag:s0] =	ssyncadd.s32 @!p0 s1  }
0x47: {  	[bflag:$0x3] =	sbarrier.arrive $0xFFFF  }
0x48: {  	_ =	shalt  }

// kernel: kernel.16.cloned.1.call-start
scs
__scs_entry_jumppad:
0x0: {  	(pc) =	sbr.rel $0x88, $3  }
0x1: {  	(tag) =	ssettag $0x0;
	lr =	simm.s32 $0x1  }
0x2: {  	[smem:$0x3F89] =	sst lr;
	_ =	strace $0xD0000000  }
0x3: {  	_ = 	snop  }
0x4: {  	_ = 	snop  }
0x5: {  	_ = 	snop  }
0x6: {  	_ = 	snop  }
0x7: {  	_ = 	snop  }
__scs_overlays_trampoline_lowered:
0x8: {  	[smem:$0x3F98] =	sst s0  }
0x9: {  	[smem:$0x3F99] =	sst s1  }
0xa: {  	[smem:$0x3F9A] =	sst s2  }
0xb: {  	[smem:$0x3F9B] =	sst s3  }
0xc: {  	[smem:$0x3F9C] =	sst s4  }
0xd: {  	[smem:$0x3F9D] =	sst s5  }
0xe: {  	[smem:$0x3F9E] =	sst s6  }
0xf: {  	[smem:$0x3F9F] =	sst s7  }
0x10: {  	[smem:$0x3FA0] =	sst s8  }
0x11: {  	[smem:$0x3FA1] =	sst s9;
	s0 =	simm.s32 @!p0 $0x0  }
0x12: {  	s1 =	sld [smem:$0x3F87];
	s0 =	simm.s32 @p0 $0x1  }
0x13: {  	[smem:$0x3FA2] =	sst s0;
	s0 =	simm.s32 @!p1 $0x0  }
0x14: {  	s2 =	sld [smem:$0x3F86];
	s0 =	simm.s32 @p1 $0x1  }
0x15: {  	[smem:$0x3FA3] =	sst s0;
	s0 =	simm.s32 @!p2 $0x0  }
0x16: {  	s3 =	sld [smem:$0x3FDB];
	s0 =	simm.s32 @p2 $0x1  }
0x17: {  	s4 =	simm.s32 $0x1BF5;
	[smem:$0x3FA5] =	sst s0  }
0x18: {  	s0 =	sld [smem:$0x3F88];
	_ =	swait.ge [sflag:s4], $0x0  }
0x19: {  	s7 =	sld [smem:$0x3F89]  }
0x1a: {  	s8 =	sadd.s32 $0xFFFFE003, lr  }
0x1b: {  	s9 =	sadd.s32 $0xFFFFFEF7, lr;
	s5 =	simm.s32 $0xFFFFFFFF;
	p2 =	slt.u32 s8, $0xFFFFF086  }
0x1c: {  	p1 =	slt.u32 s9, $0xF7A;
	s5 =	simm.s32 @!p2 $0x0  }
0x1d: {  	s5 =	simm.s32 @p1 $0x1;
	p0 =	seq.s32 s7, s2  }
0x1e: {  	s7 =	smul.u32 @!p0 $0xF7A, s2;
	p2 =	seq.s32 @!p0 s5, $0x0  }
0x1f: {  	s9 =	smul.u32 $0xF7A, s1;
	s8 =	simm.s32 @!p0 $0x1BF5;
	p2 =	por !p2, p0  }
0x20: {  	[sflag:s8] =	ssyncset.s32 @!p0 $0xFFFFF086;
	s6 =	sadd.s32 @!p0 s3, s7;
	s7 =	simm.s32 @!p0 $0x108  }
0x21: {  	s3 =	sadd.s32 s3, s9;
	s6 =	sadd.s32 @!p0 $0x88, s6;
	s7 =	simm.s32 @p2 $0x1082  }
0x22: {  	[simem:s7], [sflag:s8] =	dma.local @!p0 [hbm:s6], $0xF7A  }
0x23: {  	s9 =	sor.u32 $0xD0000000, s2;
	s6 =	simm.s32 $0x108;
	_ =	swait.ge @!p0 [sflag:s8], $0x0  }
0x24: {  	s3 =	sadd.s32 $0x88, s3;
	s6 =	simm.s32 @!p1 $0x1082;
	[sflag:s4] =	ssyncset.s32 $0xFFFFF086  }
0x25: {  	[simem:s6], [sflag:s4] =	dma.local [hbm:s3], $0xF7A  }
0x26: {  	[smem:$0x3F89] =	sst s1;
	(tag) =	ssettag s2;
	_ =	strace s9  }
0x27: {  	s1 =	sld [smem:$0x3F99]  }
0x28: {  	s2 =	sld [smem:$0x3F9A]  }
0x29: {  	s4 =	sld [smem:$0x3F9C]  }
0x2a: {  	p0 =	seq.s32 s5, $0x0;
	s5 =	sld [smem:$0x3F9D]  }
0x2b: {  	s6 =	sld [smem:$0x3F9E]  }
0x2c: {  	s7 =	sld [smem:$0x3F9F]  }
0x2d: {  	s3 =	simm.s32 $0x108;
	s8 =	sld [smem:$0x3FA0]  }
0x2e: {  	s3 =	simm.s32 @!p0 $0x1082;
	s9 =	sld [smem:$0x3FA1]  }
0x2f: {  	lr =	sadd.s32 s0, s3;
	s0 =	sld [smem:$0x3F98]  }
0x30: {  	s3 =	sld [smem:$0x3F9B]  }
0x31: {  	[smem:$0x3FA4] =	sst s10  }
0x32: {  	s10 =	sld [smem:$0x3FA2];
	_ =	sdelay $0x3  }
0x33: {  	p0 =	seq.s32 s10, $0x1;
	s10 =	sld [smem:$0x3FA4];
	_ =	sdelay $0x3  }
0x34: {  	[smem:$0x3FA4] =	sst s10  }
0x35: {  	s10 =	sld [smem:$0x3FA3];
	_ =	sdelay $0x3  }
0x36: {  	p1 =	seq.s32 s10, $0x1;
	s10 =	sld [smem:$0x3FA4];
	_ =	sdelay $0x3  }
0x37: {  	[smem:$0x3FA4] =	sst s10  }
0x38: {  	s10 =	sld [smem:$0x3FA5]  }
0x39: {  	_ = 	snop;
	(pc) =	sbr.ind lr, $3  }
0x3a: {  	_ = 	snop  }
0x3b: {  	_ = 	snop  }
0x3c: {  	p2 =	seq.s32 s10, $0x1;
	s10 =	sld [smem:$0x3FA4]  }
0x3d: {  	_ =	shalt  }
0x3e: {  	_ =	shalt  }
0x3f: {  	_ =	shalt  }
0x40: {  	_ =	shalt  }
0x41: {  	_ =	shalt  }
0x42: {  	_ =	shalt  }
0x43: {  	_ =	shalt  }
0x44: {  	_ =	shalt  }
0x45: {  	_ =	shalt  }
0x46: {  	_ =	shalt  }
0x47: {  	_ =	shalt  }
0x48: {  	_ =	shalt  }
0x49: {  	_ =	shalt  }
0x4a: {  	_ =	shalt  }
0x4b: {  	_ =	shalt  }
0x4c: {  	_ =	shalt  }
0x4d: {  	_ =	shalt  }
0x4e: {  	_ =	shalt  }
0x4f: {  	_ =	shalt  }
0x50: {  	_ =	shalt  }
0x51: {  	_ =	shalt  }
0x52: {  	_ =	shalt  }
0x53: {  	_ =	shalt  }
0x54: {  	_ =	shalt  }
0x55: {  	_ =	shalt  }
0x56: {  	_ =	shalt  }
0x57: {  	_ =	shalt  }
0x58: {  	_ =	shalt  }
0x59: {  	_ =	shalt  }
0x5a: {  	_ =	shalt  }
0x5b: {  	_ =	shalt  }
0x5c: {  	_ =	shalt  }
0x5d: {  	_ =	shalt  }
0x5e: {  	_ =	shalt  }
0x5f: {  	_ =	shalt  }
0x60: {  	_ =	shalt  }
0x61: {  	_ =	shalt  }
0x62: {  	_ =	shalt  }
0x63: {  	_ =	shalt  }
0x64: {  	_ =	shalt  }
0x65: {  	_ =	shalt  }
0x66: {  	_ =	shalt  }
0x67: {  	_ =	shalt  }
0x68: {  	_ =	shalt  }
0x69: {  	_ =	shalt  }
0x6a: {  	_ =	shalt  }
0x6b: {  	_ =	shalt  }
0x6c: {  	_ =	shalt  }
0x6d: {  	_ =	shalt  }
0x6e: {  	_ =	shalt  }
0x6f: {  	_ =	shalt  }
0x70: {  	_ =	shalt  }
0x71: {  	_ =	shalt  }
0x72: {  	_ =	shalt  }
0x73: {  	_ =	shalt  }
0x74: {  	_ =	shalt  }
0x75: {  	_ =	shalt  }
0x76: {  	_ =	shalt  }
0x77: {  	_ =	shalt  }
0x78: {  	_ =	shalt  }
0x79: {  	_ =	shalt  }
0x7a: {  	_ =	shalt  }
0x7b: {  	_ =	shalt  }
0x7c: {  	_ =	shalt  }
0x7d: {  	_ =	shalt  }
0x7e: {  	_ =	shalt  }
0x7f: {  	_ =	shalt  }
0x80: {  	_ =	shalt  }
0x81: {  	_ =	shalt  }
0x82: {  	_ =	shalt  }
0x83: {  	_ =	shalt  }
0x84: {  	_ =	shalt  }
0x85: {  	_ =	shalt  }
0x86: {  	_ =	shalt  }
0x87: {  	_ =	shalt  }
.Lfunc_end0:
.L_simem_size_0:
called_computation.1_lowered:
.L_overlay_start_0:
0x88: {  	s2 =	sld [smem:$0x3FD9]  }
0x89: {  	s3 =	sld [smem:$0x3FFE];
	_ =	sdelay $0x1  }
0x8a: {  	s1 =	srdreg.scid  }
0x8b: {  	s0 =	sand.u32 $0x1, s1  }
0x8c: {  	s16 =	sshll.u32 s0, $0xA;
	s2 =	sadd.s32 s3, s2  }
0x8d: {  	s2 =	sadd.s32 s2, s16  }
0x8e: {  	[smem:$0x3FB0] =	sst s2  }
0x8f: {  	_ = 	snop  }
0x90: {  	(tm) =	ssettm $0x1  }
0x91: {  	s17 =	sld [smem:$0x3FFB];
	_ =	sdelay $0x3  }
0x92: {  	_ =	strace s17  }
0x93: {  	s2 =	sld [smem:$0x3FFC];
	_ =	sdelay $0x3  }
0x94: {  	_ =	strace s2  }
0x95: {  	s2 =	sld [smem:$0x3FFD];
	_ =	sdelay $0x3  }
0x96: {  	_ =	strace s2  }
0x97: {  	_ =	strace $0x8FFFFFFF  }
0x98: {  	s18 =	sld [smem:$0x3FDB];
	_ =	sdelay $0x1  }
0x99: {  	s19 =	simm.s32 $_scs_section_size  }
0x9a: {  	s4 =	simm.s32 $_size__tile_overlayer_lowered;
	s5 =	simm.s32 $_tile_overlayer_lowered  }
0x9b: {  	s22 =	simm.s32 $0x1BFF;
	s21 =	sshll.u32 s5, $0x1;
	s2 =	sadd.s32 s19, s18  }
0x9c: {  	s6 =	simm.s32 $0x0;
	s20 =	sshll.u32 s4, $0x1;
	s4 =	sadd.s32 s21, s2  }
0x9d: {  	[timem:s6], [sflag:s22] =	dma.local [hbm:s4], s20  }
0x9e: {  	_ =	swait.ge [sflag:s22], s20  }
0x9f: {  	s3 =	ssub.s32 $0x0, s20;
	[sflag:s22] =	ssyncset.done $0x0  }
0xa0: {  	[sflag:s22] =	ssyncadd.s32 s3;
	_ =	sdelay $0x1  }
0xa1: {  	s23 =	simm.s32 $0x1B8B  }
0xa2: {  	_ =	swait.ge [sflag:s23], $0x1  }
0xa3: {  	[sflag:s23] =	ssyncset.done $0x0  }
0xa4: {  	s25 =	simm.s32 $0x1B8E;
	s24 =	sld [smem:$0x3FFE];
	[sflag:s23] =	ssyncadd.s32 $0xFFFFFFFF  }
0xa5: {  	s26 =	simm.s32 $execute0_lowered;
	[smem:$0x3FD2] =	sst s25  }
0xa6: {  	s4 =	sshll.u32 s26, $0x1;
	_ =	strace $0x80000049;
	[dreg:$0x1] =	wrdreg $0xFFFFFFFF  }
0xa7: {  	s28 =	simm.s32 $_size_execute0_lowered;
	s2 =	sadd.s32 s2, s4;
	[dreg:$0x0] =	wrdreg $0x0  }
0xa8: {  	s4 =	sshll.u32 s28, $0x1;
	[dreg:$0x2] =	wrdreg s2  }
0xa9: {  	[dreg:$0x3] =	wrdreg s4  }
0xaa: {  	[dreg:$0x4] =	wrdreg $0xC0  }
0xab: {  	_ =	task [dreg:s6], $0x5FFFF  }
0xac: {  	[dreg:$0x1] =	wrdreg $0xFFFFFFFF  }
0xad: {  	[dreg:$0x0] =	wrdreg $0x60  }
0xae: {  	[dreg:$0x2] =	wrdreg s24  }
0xaf: {  	[dreg:$0x3] =	wrdreg $0x90000  }
0xb0: {  	[dreg:$0x4] =	wrdreg $0x9  }
0xb1: {  	_ =	task.clear_ibuf [dreg:s6], $0x5FFFF;
	_ =	strace $0x90000049  }
0xb2: {  	s29 =	simm.s32 $0x9;
	_ =	strace $0x8000004B  }
0xb3: {  	_ =	swait.ge [sflag:s29], $0x1  }
0xb4: {  	[sflag:s29] =	ssyncadd.s32 $0xFFFFFFFF  }
0xb5: {  	_ =	strace $0x9000004B  }
0xb6: {  	_ =	sfence  }
0xb7: {  	s30 =	sld [smem:$0x0];
	_ =	sdelay $0x2  }
0xb8: {  	s31 =	sshll.u32 s1, $0xD;
	s1 =	sshrl.u32 s1, $0x2  }
0xb9: {  	s3 =	sand.u32 $0x4000, s31;
	s1 =	sadd.s32 s1, s30  }
0xba: {  	s0 =	sor.u32 s3, s0;
	s1 =	sshll.u32 s1, $0x11  }
0xbb: {  	s0 =	sor.u32 s1, s0  }
0xbc: {  	s0 =	sadd.s32 $0x8F2B, s0  }
0xbd: {  	[sflag:s0] =	ssyncadd.remote.s32 $0x1  }
0xbe: {  	_ =	sfence.sel $0xFFFF  }
0xbf: {  	[dreg:$0x0] =	wrdreg $0xFFFFFFFF;
	(pc) =	sbr.abs _section_cstart, $3  }
0xc0: {  	[dreg:$0x1] =	wrdreg $0xFFFFFFFF  }
0xc1: {  	_ =	task.clear_ibuf [dreg:s6], $0x2FFFF;
	_ =	strace $0x9FFFFFFF  }
0xc2: {  	(tm) =	ssettm $0x7FFFFFFF  }
0xc3: {  	_ =	shalt  }
tec
execute0_lowered:
.L_overlay_start_1:
0x0: {  	(tag) =	ssettag $0x1  }
0x1: {  	s0 =	srdreg.scid;
	s6 =	rddreg [dreg:$0x0]  }
0x2: {  	s2 =	rddreg [dreg:$0x1];
	s3 =	simm.s32 $0x0;
	s17 =	simm.s32 $0x2  }
0x3: {  	s21 =	simm.s32 $0x2800;
	s22 =	simm.s32 $0x7D;
	s23 =	simm.s32 $0x5000  }
0x4: {  	s24 =	simm.s32 $0x1;
	s7 =	sand.u32 $0x1, s0;
	s0 =	stileid.u32  }
0x5: {  	[smem:$0x7FF] =	sst s3;
	s12 =	sadd.s32 $0x8E400, s6;
	s30 =	smul.u32 $0x50000, s0  }
0x6: {  	s1 =	sshll.u32 s7, $0x4;
	s29 =	ssub.s32 $0x2, s7;
	s9 =	smul.u32 $0x2800, s0  }
0x7: {  	p2 =	seq.s32 s7, $0x0;
	p4 =	sne.s32 s0, $0xF;
	s13 =	smul.u32 $0x138800, s7  }
0x8: {  	p0 =	seq.s32 s0, $0xF;
	p3 =	seq.s32 s7, $0x1;
	s15 =	smul.u32 $0x14000, s0  }
0x9: {  	s31 =	sshll.u32 s0, $0x6;
	s4 =	sor.u32 s0, s1;
	s1 =	rddreg [dreg:$0x2]  }
0xa: {  	_ =	strace $0x8000004A;
	s8 =	sshrl.u32 s29, $0x1;
	p1 =	por !p2, !p4  }
0xb: {  	p2 =	por !p2, !p0;
	p4 =	por !p4, !p3;
	s5 =	smul.u32 $0x500, s4  }
0xc: {  	s4 =	sadd.s32 $0xF000, s6;
	s14 =	ssub.s32 s29, s8;
	p1 =	por !p1, !p1  }
0xd: {  	p2 =	por !p2, !p2;
	s8 =	sshrl.u32 s30, $0x2;
	p4 =	por !p4, !p4  }
0xe: {  	s15 =	sadd.s32 s15, s13;
	s13 =	sshrl.u32 s13, $0x3;
	s7 =	sadd.s32 s8, s2  }
0xf: {  	s8 =	sadd.s32 s4, s9;
	s15 =	sshrl.u32 s15, $0x3;
	s13 =	sadd.s32 s12, s13  }
0x10: {  	s14 =	smax.u32 s14, $0x1;
	s18 =	sshll.u32 @p4 s0, $0x6;
	s11 =	sadd.s32 s5, s6  }
0x11: {  	s5 =	sadd.s32 $0x36200, s6;
	s6 =	sadd.s32 $0x12C000, s2;
	s12 =	sadd.s32 s12, s15  }
0x12: {  	s13 =	sadd.s32 $0x25800, s13;
	s15 =	sor.u32 $0x1C02, s31;
	s16 =	sshrl.u32 s7, $0x3  }
0x13: {  	s18 =	sor.u32 @p4 $0x1C02, s18;
	s19 =	sshrl.u32 @p4 s7, $0x3;
	s9 =	sadd.s32 s5, s9  }
0x14: {  	s10 =	sadd.s32 $0x84400, s11;
	s11 =	sadd.s32 $0x5000, s11;
	s20 =	sshrl.u32 s6, $0x3  }
.LBB2_1:
.Ltmp0:
0x15: {  	(pc) =	sbr.rel @!p1 .LBB2_4-.Ltmp0, $1  }
0x16: {  	_ =	sdelay $0x3  }
.Ltmp1:
0x17: {  	(pc) =	sbr.rel .LBB2_3-.Ltmp1, $4  }
0x18: {  	[spmem:s16], [sflag:s15] =	dma.local [hbm:s8], $0x2800  }
0x19: {  	_ =	swait.ge [sflag:s17], $0x2800  }
0x1a: {  	[sflag:s17] =	ssyncset.done $0x0  }
0x1b: {  	p5 =	por $0x0, $0x0;
	[sflag:s17] =	ssyncadd.s32 $0xFFFFD800  }
.LBB2_4:
.Ltmp2:
0x1c: {  	(pc) =	sbr.rel @!p2 .LBB2_3-.Ltmp2, $2  }
0x1d: {  	_ =	sdelay $0x2  }
0x1e: {  	p5 =	por p0, p0  }
.Ltmp3:
0x1f: {  	(pc) =	sbr.rel .LBB2_6-.Ltmp3, $2  }
0x20: {  	_ =	sdelay $0x2  }
0x21: {  	p5 =	por $0x1, $0x1;
	s26 =	simm.s32 $0xF;
	s25 =	smov.u32 s4  }
.LBB2_3:
0x22: {  	[spmem:s19], [sflag:s18] =	dma.local @p4 [hbm:s9], $0x2800  }
0x23: {  	p6 =	por @p4 $0x1, $0x1  }
0x24: {  	p6 =	por @!p4 p3, p3  }
0x25: {  	p6 =	por !p6, !p5  }
0x26: {  	p6 =	por !p6, !p6  }
.Ltmp4:
0x27: {  	_ = 	snop;
	(pc) =	sbr.rel @!p6 .LBB2_7-.Ltmp4, $4  }
0x28: {  	s25 =	simm.s32 @p4 $0x2  }
0x29: {  	_ =	swait.ge @p4 [sflag:s25], $0x2800  }
0x2a: {  	[sflag:s25] =	ssyncset.done @p4 $0x0  }
0x2b: {  	s26 =	stileid.u32;
	[sflag:s25] =	ssyncadd.s32 @p4 $0xFFFFD800;
	s25 =	smov.u32 s5  }
.LBB2_6:
0x2c: {  	s26 =	sshll.u32 s26, $0x6  }
0x2d: {  	s25 =	sadd.s32 $0x25800, s25;
	s26 =	sor.u32 $0x1C02, s26  }
0x2e: {  	[spmem:s20], [sflag:s26] =	dma.local [hbm:s25], $0x1900  }
0x2f: {  	_ =	swait.ge [sflag:s17], $0x1900  }
0x30: {  	[sflag:s17] =	ssyncset.done $0x0  }
0x31: {  	[sflag:s17] =	ssyncadd.s32 $0xFFFFE700  }
.LBB2_7:
0x32: {  	[bflag:$0x0] =	sbarrier.arrive $0xFFFF;
	s25 =	simm.s32 $0x0  }
0x33: {  	[tilespmem:s25], [sflag:$0x2] =	stream.linear.gather [hbm4b:s10+s25], $0x2800, $0x38;
	[tilespmem:$0x1C880] =	vst v63  }
0x34: {  	_ =	swait.ge [sflag:s17], $0x2800  }
0x35: {  	[sflag:s17] =	ssyncset.done $0x0  }
0x36: {  	[sflag:s17] =	ssyncadd.s32 $0xFFFFD800  }
0x37: {  	[tilespmem:s21], [sflag:$0x2] =	stream.linear.gather [hbm4b:s11+s25], $0x2800, $0x38;
	[tilespmem:$0x1C880] =	vst v63  }
0x38: {  	_ =	swait.ge [sflag:s17], $0x2800  }
0x39: {  	[sflag:s17] =	ssyncset.done $0x0  }
0x3a: {  	s30 =	simm.s32 $0x0;
	[sflag:s17] =	ssyncadd.s32 $0xFFFFD800  }
0x3b: {  	[tilespmem:s23], [sflag:$0x1] =	stream.indirect.gather [hbm4b:s4+s22], $0x80, s30, s22, $0xb8;
	[tilespmem:$0x1C880] =	vst v63  }
0x3c: {  	_ =	swait.ge [sflag:s24], $0x3E80  }
0x3d: {  	[sflag:s24] =	ssyncset.done $0x0  }
0x3e: {  	s31 =	simm.s32 $0x2800;
	[sflag:s24] =	ssyncadd.s32 $0xFFFFC180  }
0x3f: {  	[spmem:s2] =	stream.indirect.scatter.add.f32 [tilespmem:s23], [sflag:$0x2], $0x80, s31, s22, $0xb8;
	[tilespmem:$0x1C880] =	vst v63  }
0x40: {  	_ =	swait.ge [sflag:s17], $0x3E80  }
0x41: {  	s26 =	simm.s32 $0x400;
	s25 =	simm.s32 $0x200;
	[sflag:s17] =	ssyncset.done $0x0  }
.LBB2_8:
0x42: {  	s28 =	sshra.s32 s25, $0x2  }
0x43: {  	[sflag:s17] =	ssyncadd.s32 $0xFFFFC180;
	s25 =	smov.u32 s26;
	s29 =	sadd.s32 $0x200, s26  }
0x44: {  	[tilespmem:s23], [sflag:$0x1] =	stream.indirect.gather [hbm4b:s4+s22], $0x80, s28, s22, $0xb8;
	[tilespmem:$0x1C880] =	vst v63  }
0x45: {  	p6 =	sne.s32 s26, $0x9E00;
	_ =	swait.ge [sflag:s24], $0x3E80  }
.Ltmp5:
0x46: {  	[sflag:s24] =	ssyncset.done $0x0;
	(pc) =	sbr.rel @p6 .LBB2_8-.Ltmp5, $4  }
0x47: {  	s26 =	sadd.s32 $0x2800, s28;
	[sflag:s24] =	ssyncadd.s32 $0xFFFFC180  }
0x48: {  	[spmem:s2] =	stream.indirect.scatter.add.f32 [tilespmem:s23], [sflag:$0x2], $0x80, s26, s22, $0xb8;
	[tilespmem:$0x1C880] =	vst v63  }
0x49: {  	_ =	swait.ge [sflag:s17], $0x3E80  }
0x4a: {  	s26 =	smov.u32 s29;
	[sflag:s17] =	ssyncset.done $0x0  }
0x4b: {  	s25 =	sshra.s32 s25, $0x2;
	[sflag:s17] =	ssyncadd.s32 $0xFFFFC180  }
0x4c: {  	[tilespmem:s23], [sflag:$0x1] =	stream.indirect.gather [hbm4b:s4+s22], $0x80, s25, s22, $0xb8;
	[tilespmem:$0x1C880] =	vst v63  }
0x4d: {  	_ =	swait.ge [sflag:s24], $0x3E80  }
0x4e: {  	[sflag:s24] =	ssyncset.done $0x0  }
0x4f: {  	s25 =	sadd.s32 $0x2800, s25;
	[sflag:s24] =	ssyncadd.s32 $0xFFFFC180  }
0x50: {  	[spmem:s2] =	stream.indirect.scatter.add.f32 [tilespmem:s23], [sflag:$0x2], $0x80, s25, s22, $0xb8;
	[tilespmem:$0x1C880] =	vst v63  }
0x51: {  	_ =	swait.ge [sflag:s17], $0x3E80  }
0x52: {  	[sflag:s17] =	ssyncset.done $0x0  }
0x53: {  	s25 =	sshll.u32 @!p0 s0, $0x6;
	[sflag:s17] =	ssyncadd.s32 $0xFFFFC180  }
0x54: {  	s26 =	sshrl.u32 @!p0 s7, $0x3;
	s25 =	sor.u32 @!p0 $0x1C02, s25;
	[bflag:$0x0] =	sbarrier.arrive $0xFFFF  }
0x55: {  	[hbm:s12], [sflag:s25] =	dma.local @!p0 [spmem:s26], $0x2800  }
0x56: {  	s25 =	simm.s32 @!p0 $0x2  }
0x57: {  	s3 =	sadd.s32 $0x1, s3;
	_ =	swait.ge @!p0 [sflag:s25], $0x2800  }
0x58: {  	p6 =	sne.s32 s3, s14;
	s26 =	sshll.u32 @p5 s0, $0x6;
	[sflag:s25] =	ssyncset.done @!p0 $0x0  }
0x59: {  	[sflag:s25] =	ssyncadd.s32 @!p0 $0xFFFFD800;
	s25 =	sor.u32 @p5 $0x1C02, s26;
	s26 =	sshrl.u32 @p5 s6, $0x3  }
0x5a: {  	[hbm:s13], [sflag:s25] =	dma.local @p5 [spmem:s26], $0x1900  }
.Ltmp6:
0x5b: {  	_ = 	snop;
	(pc) =	sbr.rel @p6 .LBB2_1-.Ltmp6, $4  }
0x5c: {  	s25 =	simm.s32 @p5 $0x2  }
0x5d: {  	_ =	swait.ge @p5 [sflag:s25], $0x1900  }
0x5e: {  	[sflag:s25] =	ssyncset.done @p5 $0x0  }
0x5f: {  	[sflag:s25] =	ssyncadd.s32 @p5 $0xFFFFE700  }
0x60: {  	_ =	sfence.sel $0x180000  }
0x61: {  	[bflag:$0x0] =	sbarrier.arrive $0xFFFF  }
0x62: {  	p0 =	sne.s32 s0, $0x0;
	_ =	strace $0x9000004A  }
0x63: {  	s0 =	sadd.s32 @!p0 $0x100000, s1;
	[bflag:$0x2] =	sbarrier.arrive $0xFFFF  }
0x64: {  	[sflag:s0] =	ssyncadd.tile.s32 @!p0 $0x1;
	_ =	shalt  }
.Lfunc_end2:
_tile_overlayer_lowered:
.L_overlay_start_2:
0x65: {  	(tag) =	ssettag $0x2  }
0x66: {  	s0 =	rddreg [dreg:$0x0];
	s2 =	stileid.u32  }
0x67: {  	s1 =	rddreg [dreg:$0x1];
	p0 =	sne.s32 s2, $0x0  }
0x68: {  	s3 =	rddreg [dreg:$0x2];
	[bflag:$0x3] =	sbarrier.arrive $0xFFFF;
	s2 =	simm.s32 @!p0 $0x1C02  }
0x69: {  	[timem:s3], [sflag:s2] =	dma.local @!p0 [hbm:s0], s1  }
0x6a: {  	s0 =	simm.s32 @!p0 $0x2  }
0x6b: {  	_ =	swait.ge @!p0 [sflag:s0], s1  }
0x6c: {  	s1 =	ssub.s32 @!p0 $0x0, s1;
	[sflag:s0] =	ssyncset.done @!p0 $0x0  }
0x6d: {  	[sflag:s0] =	ssyncadd.s32 @!p0 s1  }
0x6e: {  	[bflag:$0x3] =	sbarrier.arrive $0xFFFF  }
0x6f: {  	_ =	shalt  }

// kernel: kernel.19.cloned.1.call-start
scs
__scs_entry_jumppad:
0x0: {  	(pc) =	sbr.rel $0x88, $3  }
0x1: {  	(tag) =	ssettag $0x0;
	lr =	simm.s32 $0x1  }
0x2: {  	[smem:$0x3F89] =	sst lr;
	_ =	strace $0xD0000000  }
0x3: {  	_ = 	snop  }
0x4: {  	_ = 	snop  }
0x5: {  	_ = 	snop  }
0x6: {  	_ = 	snop  }
0x7: {  	_ = 	snop  }
__scs_overlays_trampoline_lowered:
0x8: {  	[smem:$0x3F98] =	sst s0  }
0x9: {  	[smem:$0x3F99] =	sst s1  }
0xa: {  	[smem:$0x3F9A] =	sst s2  }
0xb: {  	[smem:$0x3F9B] =	sst s3  }
0xc: {  	[smem:$0x3F9C] =	sst s4  }
0xd: {  	[smem:$0x3F9D] =	sst s5  }
0xe: {  	[smem:$0x3F9E] =	sst s6  }
0xf: {  	[smem:$0x3F9F] =	sst s7  }
0x10: {  	[smem:$0x3FA0] =	sst s8  }
0x11: {  	[smem:$0x3FA1] =	sst s9;
	s0 =	simm.s32 @!p0 $0x0  }
0x12: {  	s1 =	sld [smem:$0x3F87];
	s0 =	simm.s32 @p0 $0x1  }
0x13: {  	[smem:$0x3FA2] =	sst s0;
	s0 =	simm.s32 @!p1 $0x0  }
0x14: {  	s2 =	sld [smem:$0x3F86];
	s0 =	simm.s32 @p1 $0x1  }
0x15: {  	[smem:$0x3FA3] =	sst s0;
	s0 =	simm.s32 @!p2 $0x0  }
0x16: {  	s3 =	sld [smem:$0x3FDB];
	s0 =	simm.s32 @p2 $0x1  }
0x17: {  	s4 =	simm.s32 $0x1BF5;
	[smem:$0x3FA5] =	sst s0  }
0x18: {  	s0 =	sld [smem:$0x3F88];
	_ =	swait.ge [sflag:s4], $0x0  }
0x19: {  	s7 =	sld [smem:$0x3F89]  }
0x1a: {  	s8 =	sadd.s32 $0xFFFFE003, lr  }
0x1b: {  	s9 =	sadd.s32 $0xFFFFFEF7, lr;
	s5 =	simm.s32 $0xFFFFFFFF;
	p2 =	slt.u32 s8, $0xFFFFF086  }
0x1c: {  	p1 =	slt.u32 s9, $0xF7A;
	s5 =	simm.s32 @!p2 $0x0  }
0x1d: {  	s5 =	simm.s32 @p1 $0x1;
	p0 =	seq.s32 s7, s2  }
0x1e: {  	s7 =	smul.u32 @!p0 $0xF7A, s2;
	p2 =	seq.s32 @!p0 s5, $0x0  }
0x1f: {  	s9 =	smul.u32 $0xF7A, s1;
	s8 =	simm.s32 @!p0 $0x1BF5;
	p2 =	por !p2, p0  }
0x20: {  	[sflag:s8] =	ssyncset.s32 @!p0 $0xFFFFF086;
	s6 =	sadd.s32 @!p0 s3, s7;
	s7 =	simm.s32 @!p0 $0x108  }
0x21: {  	s3 =	sadd.s32 s3, s9;
	s6 =	sadd.s32 @!p0 $0x88, s6;
	s7 =	simm.s32 @p2 $0x1082  }
0x22: {  	[simem:s7], [sflag:s8] =	dma.local @!p0 [hbm:s6], $0xF7A  }
0x23: {  	s9 =	sor.u32 $0xD0000000, s2;
	s6 =	simm.s32 $0x108;
	_ =	swait.ge @!p0 [sflag:s8], $0x0  }
0x24: {  	s3 =	sadd.s32 $0x88, s3;
	s6 =	simm.s32 @!p1 $0x1082;
	[sflag:s4] =	ssyncset.s32 $0xFFFFF086  }
0x25: {  	[simem:s6], [sflag:s4] =	dma.local [hbm:s3], $0xF7A  }
0x26: {  	[smem:$0x3F89] =	sst s1;
	(tag) =	ssettag s2;
	_ =	strace s9  }
0x27: {  	s1 =	sld [smem:$0x3F99]  }
0x28: {  	s2 =	sld [smem:$0x3F9A]  }
0x29: {  	s4 =	sld [smem:$0x3F9C]  }
0x2a: {  	p0 =	seq.s32 s5, $0x0;
	s5 =	sld [smem:$0x3F9D]  }
0x2b: {  	s6 =	sld [smem:$0x3F9E]  }
0x2c: {  	s7 =	sld [smem:$0x3F9F]  }
0x2d: {  	s3 =	simm.s32 $0x108;
	s8 =	sld [smem:$0x3FA0]  }
0x2e: {  	s3 =	simm.s32 @!p0 $0x1082;
	s9 =	sld [smem:$0x3FA1]  }
0x2f: {  	lr =	sadd.s32 s0, s3;
	s0 =	sld [smem:$0x3F98]  }
0x30: {  	s3 =	sld [smem:$0x3F9B]  }
0x31: {  	[smem:$0x3FA4] =	sst s10  }
0x32: {  	s10 =	sld [smem:$0x3FA2];
	_ =	sdelay $0x3  }
0x33: {  	p0 =	seq.s32 s10, $0x1;
	s10 =	sld [smem:$0x3FA4];
	_ =	sdelay $0x3  }
0x34: {  	[smem:$0x3FA4] =	sst s10  }
0x35: {  	s10 =	sld [smem:$0x3FA3];
	_ =	sdelay $0x3  }
0x36: {  	p1 =	seq.s32 s10, $0x1;
	s10 =	sld [smem:$0x3FA4];
	_ =	sdelay $0x3  }
0x37: {  	[smem:$0x3FA4] =	sst s10  }
0x38: {  	s10 =	sld [smem:$0x3FA5]  }
0x39: {  	_ = 	snop;
	(pc) =	sbr.ind lr, $3  }
0x3a: {  	_ = 	snop  }
0x3b: {  	_ = 	snop  }
0x3c: {  	p2 =	seq.s32 s10, $0x1;
	s10 =	sld [smem:$0x3FA4]  }
0x3d: {  	_ =	shalt  }
0x3e: {  	_ =	shalt  }
0x3f: {  	_ =	shalt  }
0x40: {  	_ =	shalt  }
0x41: {  	_ =	shalt  }
0x42: {  	_ =	shalt  }
0x43: {  	_ =	shalt  }
0x44: {  	_ =	shalt  }
0x45: {  	_ =	shalt  }
0x46: {  	_ =	shalt  }
0x47: {  	_ =	shalt  }
0x48: {  	_ =	shalt  }
0x49: {  	_ =	shalt  }
0x4a: {  	_ =	shalt  }
0x4b: {  	_ =	shalt  }
0x4c: {  	_ =	shalt  }
0x4d: {  	_ =	shalt  }
0x4e: {  	_ =	shalt  }
0x4f: {  	_ =	shalt  }
0x50: {  	_ =	shalt  }
0x51: {  	_ =	shalt  }
0x52: {  	_ =	shalt  }
0x53: {  	_ =	shalt  }
0x54: {  	_ =	shalt  }
0x55: {  	_ =	shalt  }
0x56: {  	_ =	shalt  }
0x57: {  	_ =	shalt  }
0x58: {  	_ =	shalt  }
0x59: {  	_ =	shalt  }
0x5a: {  	_ =	shalt  }
0x5b: {  	_ =	shalt  }
0x5c: {  	_ =	shalt  }
0x5d: {  	_ =	shalt  }
0x5e: {  	_ =	shalt  }
0x5f: {  	_ =	shalt  }
0x60: {  	_ =	shalt  }
0x61: {  	_ =	shalt  }
0x62: {  	_ =	shalt  }
0x63: {  	_ =	shalt  }
0x64: {  	_ =	shalt  }
0x65: {  	_ =	shalt  }
0x66: {  	_ =	shalt  }
0x67: {  	_ =	shalt  }
0x68: {  	_ =	shalt  }
0x69: {  	_ =	shalt  }
0x6a: {  	_ =	shalt  }
0x6b: {  	_ =	shalt  }
0x6c: {  	_ =	shalt  }
0x6d: {  	_ =	shalt  }
0x6e: {  	_ =	shalt  }
0x6f: {  	_ =	shalt  }
0x70: {  	_ =	shalt  }
0x71: {  	_ =	shalt  }
0x72: {  	_ =	shalt  }
0x73: {  	_ =	shalt  }
0x74: {  	_ =	shalt  }
0x75: {  	_ =	shalt  }
0x76: {  	_ =	shalt  }
0x77: {  	_ =	shalt  }
0x78: {  	_ =	shalt  }
0x79: {  	_ =	shalt  }
0x7a: {  	_ =	shalt  }
0x7b: {  	_ =	shalt  }
0x7c: {  	_ =	shalt  }
0x7d: {  	_ =	shalt  }
0x7e: {  	_ =	shalt  }
0x7f: {  	_ =	shalt  }
0x80: {  	_ =	shalt  }
0x81: {  	_ =	shalt  }
0x82: {  	_ =	shalt  }
0x83: {  	_ =	shalt  }
0x84: {  	_ =	shalt  }
0x85: {  	_ =	shalt  }
0x86: {  	_ =	shalt  }
0x87: {  	_ =	shalt  }
.Lfunc_end0:
.L_simem_size_0:
called_computation.2_lowered:
.L_overlay_start_0:
0x88: {  	s2 =	sld [smem:$0x3FD9]  }
0x89: {  	s3 =	sld [smem:$0x3FFE];
	_ =	sdelay $0x1  }
0x8a: {  	s1 =	srdreg.scid  }
0x8b: {  	s0 =	sand.u32 $0x1, s1  }
0x8c: {  	s16 =	sshll.u32 s0, $0xA;
	s2 =	sadd.s32 s3, s2  }
0x8d: {  	s2 =	sadd.s32 s2, s16  }
0x8e: {  	[smem:$0x3FB0] =	sst s2  }
0x8f: {  	_ = 	snop  }
0x90: {  	(tm) =	ssettm $0x1  }
0x91: {  	s17 =	sld [smem:$0x3FFB];
	_ =	sdelay $0x3  }
0x92: {  	_ =	strace s17  }
0x93: {  	s2 =	sld [smem:$0x3FFC];
	_ =	sdelay $0x3  }
0x94: {  	_ =	strace s2  }
0x95: {  	s2 =	sld [smem:$0x3FFD];
	_ =	sdelay $0x3  }
0x96: {  	_ =	strace s2  }
0x97: {  	_ =	strace $0x8FFFFFFF  }
0x98: {  	s18 =	sld [smem:$0x3FDB];
	_ =	sdelay $0x1  }
0x99: {  	s19 =	simm.s32 $_scs_section_size  }
0x9a: {  	s4 =	simm.s32 $_size__tile_overlayer_lowered;
	s5 =	simm.s32 $_tile_overlayer_lowered  }
0x9b: {  	s22 =	simm.s32 $0x1BFF;
	s21 =	sshll.u32 s5, $0x1;
	s2 =	sadd.s32 s19, s18  }
0x9c: {  	s6 =	simm.s32 $0x0;
	s20 =	sshll.u32 s4, $0x1;
	s4 =	sadd.s32 s21, s2  }
0x9d: {  	[timem:s6], [sflag:s22] =	dma.local [hbm:s4], s20  }
0x9e: {  	_ =	swait.ge [sflag:s22], s20  }
0x9f: {  	s3 =	ssub.s32 $0x0, s20;
	[sflag:s22] =	ssyncset.done $0x0  }
0xa0: {  	[sflag:s22] =	ssyncadd.s32 s3;
	_ =	sdelay $0x1  }
0xa1: {  	s23 =	simm.s32 $0x1B8B  }
0xa2: {  	_ =	swait.ge [sflag:s23], $0x1  }
0xa3: {  	[sflag:s23] =	ssyncset.done $0x0  }
0xa4: {  	s25 =	simm.s32 $0x1B8E;
	s24 =	sld [smem:$0x3FFE];
	[sflag:s23] =	ssyncadd.s32 $0xFFFFFFFF  }
0xa5: {  	s26 =	simm.s32 $execute0_lowered;
	[smem:$0x3FD2] =	sst s25  }
0xa6: {  	s4 =	sshll.u32 s26, $0x1;
	_ =	strace $0x8000004C;
	[dreg:$0x1] =	wrdreg $0xFFFFFFFF  }
0xa7: {  	s28 =	simm.s32 $_size_execute0_lowered;
	s2 =	sadd.s32 s2, s4;
	[dreg:$0x0] =	wrdreg $0x0  }
0xa8: {  	s4 =	sshll.u32 s28, $0x1;
	[dreg:$0x2] =	wrdreg s2  }
0xa9: {  	[dreg:$0x3] =	wrdreg s4  }
0xaa: {  	[dreg:$0x4] =	wrdreg $0xC0  }
0xab: {  	_ =	task [dreg:s6], $0x5FFFF  }
0xac: {  	[dreg:$0x1] =	wrdreg $0xFFFFFFFF  }
0xad: {  	[dreg:$0x0] =	wrdreg $0x60  }
0xae: {  	[dreg:$0x2] =	wrdreg s24  }
0xaf: {  	[dreg:$0x3] =	wrdreg $0x90000  }
0xb0: {  	[dreg:$0x4] =	wrdreg $0x9  }
0xb1: {  	_ =	task.clear_ibuf [dreg:s6], $0x5FFFF;
	_ =	strace $0x9000004C  }
0xb2: {  	s29 =	simm.s32 $0x9;
	_ =	strace $0x8000004E  }
0xb3: {  	_ =	swait.ge [sflag:s29], $0x1  }
0xb4: {  	[sflag:s29] =	ssyncadd.s32 $0xFFFFFFFF  }
0xb5: {  	_ =	strace $0x9000004E  }
0xb6: {  	_ =	sfence  }
0xb7: {  	s30 =	sld [smem:$0x0];
	_ =	sdelay $0x2  }
0xb8: {  	s31 =	sshll.u32 s1, $0xD;
	s1 =	sshrl.u32 s1, $0x2  }
0xb9: {  	s3 =	sand.u32 $0x4000, s31;
	s1 =	sadd.s32 s1, s30  }
0xba: {  	s0 =	sor.u32 s3, s0;
	s1 =	sshll.u32 s1, $0x11  }
0xbb: {  	s0 =	sor.u32 s1, s0  }
0xbc: {  	s0 =	sadd.s32 $0x8F2B, s0  }
0xbd: {  	[sflag:s0] =	ssyncadd.remote.s32 $0x1  }
0xbe: {  	_ =	sfence.sel $0xFFFF  }
0xbf: {  	[dreg:$0x0] =	wrdreg $0xFFFFFFFF;
	(pc) =	sbr.abs _section_cstart, $3  }
0xc0: {  	[dreg:$0x1] =	wrdreg $0xFFFFFFFF  }
0xc1: {  	_ =	task.clear_ibuf [dreg:s6], $0x2FFFF;
	_ =	strace $0x9FFFFFFF  }
0xc2: {  	(tm) =	ssettm $0x7FFFFFFF  }
0xc3: {  	_ =	shalt  }
tec
execute0_lowered:
.L_overlay_start_1:
0x0: {  	(tag) =	ssettag $0x1  }
0x1: {  	s0 =	srdreg.scid;
	s6 =	rddreg [dreg:$0x0]  }
0x2: {  	s2 =	rddreg [dreg:$0x1];
	s3 =	simm.s32 $0x0;
	s17 =	simm.s32 $0x2  }
0x3: {  	s21 =	simm.s32 $0x2800;
	s22 =	simm.s32 $0x7D;
	s23 =	simm.s32 $0x5000  }
0x4: {  	s24 =	simm.s32 $0x1;
	s7 =	sand.u32 $0x1, s0;
	s0 =	stileid.u32  }
0x5: {  	[smem:$0x7FF] =	sst s3;
	s12 =	sadd.s32 $0x8E400, s6;
	s30 =	smul.u32 $0x50000, s0  }
0x6: {  	s1 =	sshll.u32 s7, $0x4;
	s29 =	ssub.s32 $0x2, s7;
	s9 =	smul.u32 $0x2800, s0  }
0x7: {  	p2 =	seq.s32 s7, $0x0;
	p4 =	sne.s32 s0, $0xF;
	s13 =	smul.u32 $0x138800, s7  }
0x8: {  	p0 =	seq.s32 s0, $0xF;
	p3 =	seq.s32 s7, $0x1;
	s15 =	smul.u32 $0x14000, s0  }
0x9: {  	s31 =	sshll.u32 s0, $0x6;
	s4 =	sor.u32 s0, s1;
	s1 =	rddreg [dreg:$0x2]  }
0xa: {  	_ =	strace $0x8000004D;
	s8 =	sshrl.u32 s29, $0x1;
	p1 =	por !p2, !p4  }
0xb: {  	p2 =	por !p2, !p0;
	p4 =	por !p4, !p3;
	s5 =	smul.u32 $0x500, s4  }
0xc: {  	s4 =	sadd.s32 $0xF000, s6;
	s14 =	ssub.s32 s29, s8;
	p1 =	por !p1, !p1  }
0xd: {  	p2 =	por !p2, !p2;
	s8 =	sshrl.u32 s30, $0x2;
	p4 =	por !p4, !p4  }
0xe: {  	s15 =	sadd.s32 s15, s13;
	s13 =	sshrl.u32 s13, $0x3;
	s7 =	sadd.s32 s8, s2  }
0xf: {  	s8 =	sadd.s32 s4, s9;
	s15 =	sshrl.u32 s15, $0x3;
	s13 =	sadd.s32 s12, s13  }
0x10: {  	s14 =	smax.u32 s14, $0x1;
	s18 =	sshll.u32 @p4 s0, $0x6;
	s11 =	sadd.s32 s5, s6  }
0x11: {  	s5 =	sadd.s32 $0x36200, s6;
	s6 =	sadd.s32 $0x12C000, s2;
	s12 =	sadd.s32 s12, s15  }
0x12: {  	s13 =	sadd.s32 $0x25800, s13;
	s15 =	sor.u32 $0x1C02, s31;
	s16 =	sshrl.u32 s7, $0x3  }
0x13: {  	s18 =	sor.u32 @p4 $0x1C02, s18;
	s19 =	sshrl.u32 @p4 s7, $0x3;
	s9 =	sadd.s32 s5, s9  }
0x14: {  	s10 =	sadd.s32 $0x84400, s11;
	s11 =	sadd.s32 $0x5000, s11;
	s20 =	sshrl.u32 s6, $0x3  }
.LBB2_1:
.Ltmp0:
0x15: {  	(pc) =	sbr.rel @!p1 .LBB2_4-.Ltmp0, $1  }
0x16: {  	_ =	sdelay $0x3  }
.Ltmp1:
0x17: {  	(pc) =	sbr.rel .LBB2_3-.Ltmp1, $4  }
0x18: {  	[spmem:s16], [sflag:s15] =	dma.local [hbm:s8], $0x2800  }
0x19: {  	_ =	swait.ge [sflag:s17], $0x2800  }
0x1a: {  	[sflag:s17] =	ssyncset.done $0x0  }
0x1b: {  	p5 =	por $0x0, $0x0;
	[sflag:s17] =	ssyncadd.s32 $0xFFFFD800  }
.LBB2_4:
.Ltmp2:
0x1c: {  	(pc) =	sbr.rel @!p2 .LBB2_3-.Ltmp2, $2  }
0x1d: {  	_ =	sdelay $0x2  }
0x1e: {  	p5 =	por p0, p0  }
.Ltmp3:
0x1f: {  	(pc) =	sbr.rel .LBB2_6-.Ltmp3, $2  }
0x20: {  	_ =	sdelay $0x2  }
0x21: {  	p5 =	por $0x1, $0x1;
	s26 =	simm.s32 $0xF;
	s25 =	smov.u32 s4  }
.LBB2_3:
0x22: {  	[spmem:s19], [sflag:s18] =	dma.local @p4 [hbm:s9], $0x2800  }
0x23: {  	p6 =	por @p4 $0x1, $0x1  }
0x24: {  	p6 =	por @!p4 p3, p3  }
0x25: {  	p6 =	por !p6, !p5  }
0x26: {  	p6 =	por !p6, !p6  }
.Ltmp4:
0x27: {  	_ = 	snop;
	(pc) =	sbr.rel @!p6 .LBB2_7-.Ltmp4, $4  }
0x28: {  	s25 =	simm.s32 @p4 $0x2  }
0x29: {  	_ =	swait.ge @p4 [sflag:s25], $0x2800  }
0x2a: {  	[sflag:s25] =	ssyncset.done @p4 $0x0  }
0x2b: {  	s26 =	stileid.u32;
	[sflag:s25] =	ssyncadd.s32 @p4 $0xFFFFD800;
	s25 =	smov.u32 s5  }
.LBB2_6:
0x2c: {  	s26 =	sshll.u32 s26, $0x6  }
0x2d: {  	s25 =	sadd.s32 $0x25800, s25;
	s26 =	sor.u32 $0x1C02, s26  }
0x2e: {  	[spmem:s20], [sflag:s26] =	dma.local [hbm:s25], $0x1900  }
0x2f: {  	_ =	swait.ge [sflag:s17], $0x1900  }
0x30: {  	[sflag:s17] =	ssyncset.done $0x0  }
0x31: {  	[sflag:s17] =	ssyncadd.s32 $0xFFFFE700  }
.LBB2_7:
0x32: {  	[bflag:$0x0] =	sbarrier.arrive $0xFFFF;
	s25 =	simm.s32 $0x0  }
0x33: {  	[tilespmem:s25], [sflag:$0x2] =	stream.linear.gather [hbm4b:s10+s25], $0x2800, $0x38;
	[tilespmem:$0x1C880] =	vst v63  }
0x34: {  	_ =	swait.ge [sflag:s17], $0x2800  }
0x35: {  	[sflag:s17] =	ssyncset.done $0x0  }
0x36: {  	[sflag:s17] =	ssyncadd.s32 $0xFFFFD800  }
0x37: {  	[tilespmem:s21], [sflag:$0x2] =	stream.linear.gather [hbm4b:s11+s25], $0x2800, $0x38;
	[tilespmem:$0x1C880] =	vst v63  }
0x38: {  	_ =	swait.ge [sflag:s17], $0x2800  }
0x39: {  	[sflag:s17] =	ssyncset.done $0x0  }
0x3a: {  	s30 =	simm.s32 $0x0;
	[sflag:s17] =	ssyncadd.s32 $0xFFFFD800  }
0x3b: {  	[tilespmem:s23], [sflag:$0x1] =	stream.indirect.gather [hbm4b:s4+s22], $0x80, s30, s22, $0xb8;
	[tilespmem:$0x1C880] =	vst v63  }
0x3c: {  	_ =	swait.ge [sflag:s24], $0x3E80  }
0x3d: {  	[sflag:s24] =	ssyncset.done $0x0  }
0x3e: {  	s31 =	simm.s32 $0x2800;
	[sflag:s24] =	ssyncadd.s32 $0xFFFFC180  }
0x3f: {  	[spmem:s2] =	stream.indirect.scatter.add.f32 [tilespmem:s23], [sflag:$0x2], $0x80, s31, s22, $0xb8;
	[tilespmem:$0x1C880] =	vst v63  }
0x40: {  	_ =	swait.ge [sflag:s17], $0x3E80  }
0x41: {  	s26 =	simm.s32 $0x400;
	s25 =	simm.s32 $0x200;
	[sflag:s17] =	ssyncset.done $0x0  }
.LBB2_8:
0x42: {  	s28 =	sshra.s32 s25, $0x2  }
0x43: {  	[sflag:s17] =	ssyncadd.s32 $0xFFFFC180;
	s25 =	smov.u32 s26;
	s29 =	sadd.s32 $0x200, s26  }
0x44: {  	[tilespmem:s23], [sflag:$0x1] =	stream.indirect.gather [hbm4b:s4+s22], $0x80, s28, s22, $0xb8;
	[tilespmem:$0x1C880] =	vst v63  }
0x45: {  	p6 =	sne.s32 s26, $0x9E00;
	_ =	swait.ge [sflag:s24], $0x3E80  }
.Ltmp5:
0x46: {  	[sflag:s24] =	ssyncset.done $0x0;
	(pc) =	sbr.rel @p6 .LBB2_8-.Ltmp5, $4  }
0x47: {  	s26 =	sadd.s32 $0x2800, s28;
	[sflag:s24] =	ssyncadd.s32 $0xFFFFC180  }
0x48: {  	[spmem:s2] =	stream.indirect.scatter.add.f32 [tilespmem:s23], [sflag:$0x2], $0x80, s26, s22, $0xb8;
	[tilespmem:$0x1C880] =	vst v63  }
0x49: {  	_ =	swait.ge [sflag:s17], $0x3E80  }
0x4a: {  	s26 =	smov.u32 s29;
	[sflag:s17] =	ssyncset.done $0x0  }
0x4b: {  	s25 =	sshra.s32 s25, $0x2;
	[sflag:s17] =	ssyncadd.s32 $0xFFFFC180  }
0x4c: {  	[tilespmem:s23], [sflag:$0x1] =	stream.indirect.gather [hbm4b:s4+s22], $0x80, s25, s22, $0xb8;
	[tilespmem:$0x1C880] =	vst v63  }
0x4d: {  	_ =	swait.ge [sflag:s24], $0x3E80  }
0x4e: {  	[sflag:s24] =	ssyncset.done $0x0  }
0x4f: {  	s25 =	sadd.s32 $0x2800, s25;
	[sflag:s24] =	ssyncadd.s32 $0xFFFFC180  }
0x50: {  	[spmem:s2] =	stream.indirect.scatter.add.f32 [tilespmem:s23], [sflag:$0x2], $0x80, s25, s22, $0xb8;
	[tilespmem:$0x1C880] =	vst v63  }
0x51: {  	_ =	swait.ge [sflag:s17], $0x3E80  }
0x52: {  	[sflag:s17] =	ssyncset.done $0x0  }
0x53: {  	s25 =	sshll.u32 @!p0 s0, $0x6;
	[sflag:s17] =	ssyncadd.s32 $0xFFFFC180  }
0x54: {  	s26 =	sshrl.u32 @!p0 s7, $0x3;
	s25 =	sor.u32 @!p0 $0x1C02, s25;
	[bflag:$0x0] =	sbarrier.arrive $0xFFFF  }
0x55: {  	[hbm:s12], [sflag:s25] =	dma.local @!p0 [spmem:s26], $0x2800  }
0x56: {  	s25 =	simm.s32 @!p0 $0x2  }
0x57: {  	s3 =	sadd.s32 $0x1, s3;
	_ =	swait.ge @!p0 [sflag:s25], $0x2800  }
0x58: {  	p6 =	sne.s32 s3, s14;
	s26 =	sshll.u32 @p5 s0, $0x6;
	[sflag:s25] =	ssyncset.done @!p0 $0x0  }
0x59: {  	[sflag:s25] =	ssyncadd.s32 @!p0 $0xFFFFD800;
	s25 =	sor.u32 @p5 $0x1C02, s26;
	s26 =	sshrl.u32 @p5 s6, $0x3  }
0x5a: {  	[hbm:s13], [sflag:s25] =	dma.local @p5 [spmem:s26], $0x1900  }
.Ltmp6:
0x5b: {  	_ = 	snop;
	(pc) =	sbr.rel @p6 .LBB2_1-.Ltmp6, $4  }
0x5c: {  	s25 =	simm.s32 @p5 $0x2  }
0x5d: {  	_ =	swait.ge @p5 [sflag:s25], $0x1900  }
0x5e: {  	[sflag:s25] =	ssyncset.done @p5 $0x0  }
0x5f: {  	[sflag:s25] =	ssyncadd.s32 @p5 $0xFFFFE700  }
0x60: {  	_ =	sfence.sel $0x180000  }
0x61: {  	[bflag:$0x0] =	sbarrier.arrive $0xFFFF  }
0x62: {  	p0 =	sne.s32 s0, $0x0;
	_ =	strace $0x9000004D  }
0x63: {  	s0 =	sadd.s32 @!p0 $0x100000, s1;
	[bflag:$0x2] =	sbarrier.arrive $0xFFFF  }
0x64: {  	[sflag:s0] =	ssyncadd.tile.s32 @!p0 $0x1;
	_ =	shalt  }
.Lfunc_end2:
_tile_overlayer_lowered:
.L_overlay_start_2:
0x65: {  	(tag) =	ssettag $0x2  }
0x66: {  	s0 =	rddreg [dreg:$0x0];
	s2 =	stileid.u32  }
0x67: {  	s1 =	rddreg [dreg:$0x1];
	p0 =	sne.s32 s2, $0x0  }
0x68: {  	s3 =	rddreg [dreg:$0x2];
	[bflag:$0x3] =	sbarrier.arrive $0xFFFF;
	s2 =	simm.s32 @!p0 $0x1C02  }
0x69: {  	[timem:s3], [sflag:s2] =	dma.local @!p0 [hbm:s0], s1  }
0x6a: {  	s0 =	simm.s32 @!p0 $0x2  }
0x6b: {  	_ =	swait.ge @!p0 [sflag:s0], s1  }
0x6c: {  	s1 =	ssub.s32 @!p0 $0x0, s1;
	[sflag:s0] =	ssyncset.done @!p0 $0x0  }
0x6d: {  	[sflag:s0] =	ssyncadd.s32 @!p0 s1  }
0x6e: {  	[bflag:$0x3] =	sbarrier.arrive $0xFFFF  }
0x6f: {  	_ =	shalt  }

// kernel: kernel.22.cloned.1.call-start
scs
__scs_entry_jumppad:
0x0: {  	(pc) =	sbr.rel $0x88, $3  }
0x1: {  	(tag) =	ssettag $0x0;
	lr =	simm.s32 $0x1  }
0x2: {  	[smem:$0x3F89] =	sst lr;
	_ =	strace $0xD0000000  }
0x3: {  	_ = 	snop  }
0x4: {  	_ = 	snop  }
0x5: {  	_ = 	snop  }
0x6: {  	_ = 	snop  }
0x7: {  	_ = 	snop  }
__scs_overlays_trampoline_lowered:
0x8: {  	[smem:$0x3F98] =	sst s0  }
0x9: {  	[smem:$0x3F99] =	sst s1  }
0xa: {  	[smem:$0x3F9A] =	sst s2  }
0xb: {  	[smem:$0x3F9B] =	sst s3  }
0xc: {  	[smem:$0x3F9C] =	sst s4  }
0xd: {  	[smem:$0x3F9D] =	sst s5  }
0xe: {  	[smem:$0x3F9E] =	sst s6  }
0xf: {  	[smem:$0x3F9F] =	sst s7  }
0x10: {  	[smem:$0x3FA0] =	sst s8  }
0x11: {  	[smem:$0x3FA1] =	sst s9;
	s0 =	simm.s32 @!p0 $0x0  }
0x12: {  	s1 =	sld [smem:$0x3F87];
	s0 =	simm.s32 @p0 $0x1  }
0x13: {  	[smem:$0x3FA2] =	sst s0;
	s0 =	simm.s32 @!p1 $0x0  }
0x14: {  	s2 =	sld [smem:$0x3F86];
	s0 =	simm.s32 @p1 $0x1  }
0x15: {  	[smem:$0x3FA3] =	sst s0;
	s0 =	simm.s32 @!p2 $0x0  }
0x16: {  	s3 =	sld [smem:$0x3FDB];
	s0 =	simm.s32 @p2 $0x1  }
0x17: {  	s4 =	simm.s32 $0x1BF5;
	[smem:$0x3FA5] =	sst s0  }
0x18: {  	s0 =	sld [smem:$0x3F88];
	_ =	swait.ge [sflag:s4], $0x0  }
0x19: {  	s7 =	sld [smem:$0x3F89]  }
0x1a: {  	s8 =	sadd.s32 $0xFFFFE003, lr  }
0x1b: {  	s9 =	sadd.s32 $0xFFFFFEF7, lr;
	s5 =	simm.s32 $0xFFFFFFFF;
	p2 =	slt.u32 s8, $0xFFFFF086  }
0x1c: {  	p1 =	slt.u32 s9, $0xF7A;
	s5 =	simm.s32 @!p2 $0x0  }
0x1d: {  	s5 =	simm.s32 @p1 $0x1;
	p0 =	seq.s32 s7, s2  }
0x1e: {  	s7 =	smul.u32 @!p0 $0xF7A, s2;
	p2 =	seq.s32 @!p0 s5, $0x0  }
0x1f: {  	s9 =	smul.u32 $0xF7A, s1;
	s8 =	simm.s32 @!p0 $0x1BF5;
	p2 =	por !p2, p0  }
0x20: {  	[sflag:s8] =	ssyncset.s32 @!p0 $0xFFFFF086;
	s6 =	sadd.s32 @!p0 s3, s7;
	s7 =	simm.s32 @!p0 $0x108  }
0x21: {  	s3 =	sadd.s32 s3, s9;
	s6 =	sadd.s32 @!p0 $0x88, s6;
	s7 =	simm.s32 @p2 $0x1082  }
0x22: {  	[simem:s7], [sflag:s8] =	dma.local @!p0 [hbm:s6], $0xF7A  }
0x23: {  	s9 =	sor.u32 $0xD0000000, s2;
	s6 =	simm.s32 $0x108;
	_ =	swait.ge @!p0 [sflag:s8], $0x0  }
0x24: {  	s3 =	sadd.s32 $0x88, s3;
	s6 =	simm.s32 @!p1 $0x1082;
	[sflag:s4] =	ssyncset.s32 $0xFFFFF086  }
0x25: {  	[simem:s6], [sflag:s4] =	dma.local [hbm:s3], $0xF7A  }
0x26: {  	[smem:$0x3F89] =	sst s1;
	(tag) =	ssettag s2;
	_ =	strace s9  }
0x27: {  	s1 =	sld [smem:$0x3F99]  }
0x28: {  	s2 =	sld [smem:$0x3F9A]  }
0x29: {  	s4 =	sld [smem:$0x3F9C]  }
0x2a: {  	p0 =	seq.s32 s5, $0x0;
	s5 =	sld [smem:$0x3F9D]  }
0x2b: {  	s6 =	sld [smem:$0x3F9E]  }
0x2c: {  	s7 =	sld [smem:$0x3F9F]  }
0x2d: {  	s3 =	simm.s32 $0x108;
	s8 =	sld [smem:$0x3FA0]  }
0x2e: {  	s3 =	simm.s32 @!p0 $0x1082;
	s9 =	sld [smem:$0x3FA1]  }
0x2f: {  	lr =	sadd.s32 s0, s3;
	s0 =	sld [smem:$0x3F98]  }
0x30: {  	s3 =	sld [smem:$0x3F9B]  }
0x31: {  	[smem:$0x3FA4] =	sst s10  }
0x32: {  	s10 =	sld [smem:$0x3FA2];
	_ =	sdelay $0x3  }
0x33: {  	p0 =	seq.s32 s10, $0x1;
	s10 =	sld [smem:$0x3FA4];
	_ =	sdelay $0x3  }
0x34: {  	[smem:$0x3FA4] =	sst s10  }
0x35: {  	s10 =	sld [smem:$0x3FA3];
	_ =	sdelay $0x3  }
0x36: {  	p1 =	seq.s32 s10, $0x1;
	s10 =	sld [smem:$0x3FA4];
	_ =	sdelay $0x3  }
0x37: {  	[smem:$0x3FA4] =	sst s10  }
0x38: {  	s10 =	sld [smem:$0x3FA5]  }
0x39: {  	_ = 	snop;
	(pc) =	sbr.ind lr, $3  }
0x3a: {  	_ = 	snop  }
0x3b: {  	_ = 	snop  }
0x3c: {  	p2 =	seq.s32 s10, $0x1;
	s10 =	sld [smem:$0x3FA4]  }
0x3d: {  	_ =	shalt  }
0x3e: {  	_ =	shalt  }
0x3f: {  	_ =	shalt  }
0x40: {  	_ =	shalt  }
0x41: {  	_ =	shalt  }
0x42: {  	_ =	shalt  }
0x43: {  	_ =	shalt  }
0x44: {  	_ =	shalt  }
0x45: {  	_ =	shalt  }
0x46: {  	_ =	shalt  }
0x47: {  	_ =	shalt  }
0x48: {  	_ =	shalt  }
0x49: {  	_ =	shalt  }
0x4a: {  	_ =	shalt  }
0x4b: {  	_ =	shalt  }
0x4c: {  	_ =	shalt  }
0x4d: {  	_ =	shalt  }
0x4e: {  	_ =	shalt  }
0x4f: {  	_ =	shalt  }
0x50: {  	_ =	shalt  }
0x51: {  	_ =	shalt  }
0x52: {  	_ =	shalt  }
0x53: {  	_ =	shalt  }
0x54: {  	_ =	shalt  }
0x55: {  	_ =	shalt  }
0x56: {  	_ =	shalt  }
0x57: {  	_ =	shalt  }
0x58: {  	_ =	shalt  }
0x59: {  	_ =	shalt  }
0x5a: {  	_ =	shalt  }
0x5b: {  	_ =	shalt  }
0x5c: {  	_ =	shalt  }
0x5d: {  	_ =	shalt  }
0x5e: {  	_ =	shalt  }
0x5f: {  	_ =	shalt  }
0x60: {  	_ =	shalt  }
0x61: {  	_ =	shalt  }
0x62: {  	_ =	shalt  }
0x63: {  	_ =	shalt  }
0x64: {  	_ =	shalt  }
0x65: {  	_ =	shalt  }
0x66: {  	_ =	shalt  }
0x67: {  	_ =	shalt  }
0x68: {  	_ =	shalt  }
0x69: {  	_ =	shalt  }
0x6a: {  	_ =	shalt  }
0x6b: {  	_ =	shalt  }
0x6c: {  	_ =	shalt  }
0x6d: {  	_ =	shalt  }
0x6e: {  	_ =	shalt  }
0x6f: {  	_ =	shalt  }
0x70: {  	_ =	shalt  }
0x71: {  	_ =	shalt  }
0x72: {  	_ =	shalt  }
0x73: {  	_ =	shalt  }
0x74: {  	_ =	shalt  }
0x75: {  	_ =	shalt  }
0x76: {  	_ =	shalt  }
0x77: {  	_ =	shalt  }
0x78: {  	_ =	shalt  }
0x79: {  	_ =	shalt  }
0x7a: {  	_ =	shalt  }
0x7b: {  	_ =	shalt  }
0x7c: {  	_ =	shalt  }
0x7d: {  	_ =	shalt  }
0x7e: {  	_ =	shalt  }
0x7f: {  	_ =	shalt  }
0x80: {  	_ =	shalt  }
0x81: {  	_ =	shalt  }
0x82: {  	_ =	shalt  }
0x83: {  	_ =	shalt  }
0x84: {  	_ =	shalt  }
0x85: {  	_ =	shalt  }
0x86: {  	_ =	shalt  }
0x87: {  	_ =	shalt  }
.Lfunc_end0:
.L_simem_size_0:
called_computation.3_lowered:
.L_overlay_start_0:
0x88: {  	s2 =	sld [smem:$0x3FD9]  }
0x89: {  	s3 =	sld [smem:$0x3FFE];
	_ =	sdelay $0x1  }
0x8a: {  	s1 =	srdreg.scid  }
0x8b: {  	s0 =	sand.u32 $0x1, s1  }
0x8c: {  	s16 =	sshll.u32 s0, $0xA;
	s2 =	sadd.s32 s3, s2  }
0x8d: {  	s2 =	sadd.s32 s2, s16  }
0x8e: {  	[smem:$0x3FB0] =	sst s2  }
0x8f: {  	_ = 	snop  }
0x90: {  	(tm) =	ssettm $0x1  }
0x91: {  	s17 =	sld [smem:$0x3FFB];
	_ =	sdelay $0x3  }
0x92: {  	_ =	strace s17  }
0x93: {  	s2 =	sld [smem:$0x3FFC];
	_ =	sdelay $0x3  }
0x94: {  	_ =	strace s2  }
0x95: {  	s2 =	sld [smem:$0x3FFD];
	_ =	sdelay $0x3  }
0x96: {  	_ =	strace s2  }
0x97: {  	_ =	strace $0x8FFFFFFF  }
0x98: {  	s18 =	sld [smem:$0x3FDB];
	_ =	sdelay $0x1  }
0x99: {  	s19 =	simm.s32 $_scs_section_size  }
0x9a: {  	s4 =	simm.s32 $_size__tile_overlayer_lowered;
	s5 =	simm.s32 $_tile_overlayer_lowered  }
0x9b: {  	s22 =	simm.s32 $0x1BFF;
	s21 =	sshll.u32 s5, $0x1;
	s2 =	sadd.s32 s19, s18  }
0x9c: {  	s6 =	simm.s32 $0x0;
	s20 =	sshll.u32 s4, $0x1;
	s4 =	sadd.s32 s21, s2  }
0x9d: {  	[timem:s6], [sflag:s22] =	dma.local [hbm:s4], s20  }
0x9e: {  	_ =	swait.ge [sflag:s22], s20  }
0x9f: {  	s3 =	ssub.s32 $0x0, s20;
	[sflag:s22] =	ssyncset.done $0x0  }
0xa0: {  	[sflag:s22] =	ssyncadd.s32 s3;
	_ =	sdelay $0x1  }
0xa1: {  	s23 =	simm.s32 $0x1B8B  }
0xa2: {  	_ =	swait.ge [sflag:s23], $0x1  }
0xa3: {  	[sflag:s23] =	ssyncset.done $0x0  }
0xa4: {  	s25 =	simm.s32 $0x1B8E;
	s24 =	sld [smem:$0x3FFE];
	[sflag:s23] =	ssyncadd.s32 $0xFFFFFFFF  }
0xa5: {  	s26 =	simm.s32 $execute0_lowered;
	[smem:$0x3FD2] =	sst s25  }
0xa6: {  	s4 =	sshll.u32 s26, $0x1;
	_ =	strace $0x8000004F;
	[dreg:$0x1] =	wrdreg $0xFFFFFFFF  }
0xa7: {  	s28 =	simm.s32 $_size_execute0_lowered;
	s2 =	sadd.s32 s2, s4;
	[dreg:$0x0] =	wrdreg $0x0  }
0xa8: {  	s4 =	sshll.u32 s28, $0x1;
	[dreg:$0x2] =	wrdreg s2  }
0xa9: {  	[dreg:$0x3] =	wrdreg s4  }
0xaa: {  	[dreg:$0x4] =	wrdreg $0xC0  }
0xab: {  	_ =	task [dreg:s6], $0x5FFFF  }
0xac: {  	[dreg:$0x1] =	wrdreg $0xFFFFFFFF  }
0xad: {  	[dreg:$0x0] =	wrdreg $0x60  }
0xae: {  	[dreg:$0x2] =	wrdreg s24  }
0xaf: {  	[dreg:$0x3] =	wrdreg $0x90000  }
0xb0: {  	[dreg:$0x4] =	wrdreg $0x9  }
0xb1: {  	_ =	task.clear_ibuf [dreg:s6], $0x5FFFF;
	_ =	strace $0x9000004F  }
0xb2: {  	s29 =	simm.s32 $0x9;
	_ =	strace $0x80000051  }
0xb3: {  	_ =	swait.ge [sflag:s29], $0x1  }
0xb4: {  	[sflag:s29] =	ssyncadd.s32 $0xFFFFFFFF  }
0xb5: {  	_ =	strace $0x90000051  }
0xb6: {  	_ =	sfence  }
0xb7: {  	s30 =	sld [smem:$0x0];
	_ =	sdelay $0x2  }
0xb8: {  	s31 =	sshll.u32 s1, $0xD;
	s1 =	sshrl.u32 s1, $0x2  }
0xb9: {  	s3 =	sand.u32 $0x4000, s31;
	s1 =	sadd.s32 s1, s30  }
0xba: {  	s0 =	sor.u32 s3, s0;
	s1 =	sshll.u32 s1, $0x11  }
0xbb: {  	s0 =	sor.u32 s1, s0  }
0xbc: {  	s0 =	sadd.s32 $0x8F2B, s0  }
0xbd: {  	[sflag:s0] =	ssyncadd.remote.s32 $0x1  }
0xbe: {  	_ =	sfence.sel $0xFFFF  }
0xbf: {  	[dreg:$0x0] =	wrdreg $0xFFFFFFFF;
	(pc) =	sbr.abs _section_cstart, $3  }
0xc0: {  	[dreg:$0x1] =	wrdreg $0xFFFFFFFF  }
0xc1: {  	_ =	task.clear_ibuf [dreg:s6], $0x2FFFF;
	_ =	strace $0x9FFFFFFF  }
0xc2: {  	(tm) =	ssettm $0x7FFFFFFF  }
0xc3: {  	_ =	shalt  }
tec
execute0_lowered:
.L_overlay_start_1:
0x0: {  	(tag) =	ssettag $0x1  }
0x1: {  	s0 =	srdreg.scid;
	s6 =	rddreg [dreg:$0x0]  }
0x2: {  	s2 =	rddreg [dreg:$0x1];
	s3 =	simm.s32 $0x0;
	s17 =	simm.s32 $0x2  }
0x3: {  	s21 =	simm.s32 $0x2800;
	s22 =	simm.s32 $0x7D;
	s23 =	simm.s32 $0x5000  }
0x4: {  	s24 =	simm.s32 $0x1;
	s7 =	sand.u32 $0x1, s0;
	s0 =	stileid.u32  }
0x5: {  	[smem:$0x7FF] =	sst s3;
	s12 =	sadd.s32 $0x8E400, s6;
	s30 =	smul.u32 $0x50000, s0  }
0x6: {  	s1 =	sshll.u32 s7, $0x4;
	s29 =	ssub.s32 $0x2, s7;
	s9 =	smul.u32 $0x2800, s0  }
0x7: {  	p2 =	seq.s32 s7, $0x0;
	p4 =	sne.s32 s0, $0xF;
	s13 =	smul.u32 $0x138800, s7  }
0x8: {  	p0 =	seq.s32 s0, $0xF;
	p3 =	seq.s32 s7, $0x1;
	s15 =	smul.u32 $0x14000, s0  }
0x9: {  	s31 =	sshll.u32 s0, $0x6;
	s4 =	sor.u32 s0, s1;
	s1 =	rddreg [dreg:$0x2]  }
0xa: {  	_ =	strace $0x80000050;
	s8 =	sshrl.u32 s29, $0x1;
	p1 =	por !p2, !p4  }
0xb: {  	p2 =	por !p2, !p0;
	p4 =	por !p4, !p3;
	s5 =	smul.u32 $0x500, s4  }
0xc: {  	s4 =	sadd.s32 $0xF000, s6;
	s14 =	ssub.s32 s29, s8;
	p1 =	por !p1, !p1  }
0xd: {  	p2 =	por !p2, !p2;
	s8 =	sshrl.u32 s30, $0x2;
	p4 =	por !p4, !p4  }
0xe: {  	s15 =	sadd.s32 s15, s13;
	s13 =	sshrl.u32 s13, $0x3;
	s7 =	sadd.s32 s8, s2  }
0xf: {  	s8 =	sadd.s32 s4, s9;
	s15 =	sshrl.u32 s15, $0x3;
	s13 =	sadd.s32 s12, s13  }
0x10: {  	s14 =	smax.u32 s14, $0x1;
	s18 =	sshll.u32 @p4 s0, $0x6;
	s11 =	sadd.s32 s5, s6  }
0x11: {  	s5 =	sadd.s32 $0x36200, s6;
	s6 =	sadd.s32 $0x12C000, s2;
	s12 =	sadd.s32 s12, s15  }
0x12: {  	s13 =	sadd.s32 $0x25800, s13;
	s15 =	sor.u32 $0x1C02, s31;
	s16 =	sshrl.u32 s7, $0x3  }
0x13: {  	s18 =	sor.u32 @p4 $0x1C02, s18;
	s19 =	sshrl.u32 @p4 s7, $0x3;
	s9 =	sadd.s32 s5, s9  }
0x14: {  	s10 =	sadd.s32 $0x84400, s11;
	s11 =	sadd.s32 $0x5000, s11;
	s20 =	sshrl.u32 s6, $0x3  }
.LBB2_1:
.Ltmp0:
0x15: {  	(pc) =	sbr.rel @!p1 .LBB2_4-.Ltmp0, $1  }
0x16: {  	_ =	sdelay $0x3  }
.Ltmp1:
0x17: {  	(pc) =	sbr.rel .LBB2_3-.Ltmp1, $4  }
0x18: {  	[spmem:s16], [sflag:s15] =	dma.local [hbm:s8], $0x2800  }
0x19: {  	_ =	swait.ge [sflag:s17], $0x2800  }
0x1a: {  	[sflag:s17] =	ssyncset.done $0x0  }
0x1b: {  	p5 =	por $0x0, $0x0;
	[sflag:s17] =	ssyncadd.s32 $0xFFFFD800  }
.LBB2_4:
.Ltmp2:
0x1c: {  	(pc) =	sbr.rel @!p2 .LBB2_3-.Ltmp2, $2  }
0x1d: {  	_ =	sdelay $0x2  }
0x1e: {  	p5 =	por p0, p0  }
.Ltmp3:
0x1f: {  	(pc) =	sbr.rel .LBB2_6-.Ltmp3, $2  }
0x20: {  	_ =	sdelay $0x2  }
0x21: {  	p5 =	por $0x1, $0x1;
	s26 =	simm.s32 $0xF;
	s25 =	smov.u32 s4  }
.LBB2_3:
0x22: {  	[spmem:s19], [sflag:s18] =	dma.local @p4 [hbm:s9], $0x2800  }
0x23: {  	p6 =	por @p4 $0x1, $0x1  }
0x24: {  	p6 =	por @!p4 p3, p3  }
0x25: {  	p6 =	por !p6, !p5  }
0x26: {  	p6 =	por !p6, !p6  }
.Ltmp4:
0x27: {  	_ = 	snop;
	(pc) =	sbr.rel @!p6 .LBB2_7-.Ltmp4, $4  }
0x28: {  	s25 =	simm.s32 @p4 $0x2  }
0x29: {  	_ =	swait.ge @p4 [sflag:s25], $0x2800  }
0x2a: {  	[sflag:s25] =	ssyncset.done @p4 $0x0  }
0x2b: {  	s26 =	stileid.u32;
	[sflag:s25] =	ssyncadd.s32 @p4 $0xFFFFD800;
	s25 =	smov.u32 s5  }
.LBB2_6:
0x2c: {  	s26 =	sshll.u32 s26, $0x6  }
0x2d: {  	s25 =	sadd.s32 $0x25800, s25;
	s26 =	sor.u32 $0x1C02, s26  }
0x2e: {  	[spmem:s20], [sflag:s26] =	dma.local [hbm:s25], $0x1900  }
0x2f: {  	_ =	swait.ge [sflag:s17], $0x1900  }
0x30: {  	[sflag:s17] =	ssyncset.done $0x0  }
0x31: {  	[sflag:s17] =	ssyncadd.s32 $0xFFFFE700  }
.LBB2_7:
0x32: {  	[bflag:$0x0] =	sbarrier.arrive $0xFFFF;
	s25 =	simm.s32 $0x0  }
0x33: {  	[tilespmem:s25], [sflag:$0x2] =	stream.linear.gather [hbm4b:s10+s25], $0x2800, $0x38;
	[tilespmem:$0x1C880] =	vst v63  }
0x34: {  	_ =	swait.ge [sflag:s17], $0x2800  }
0x35: {  	[sflag:s17] =	ssyncset.done $0x0  }
0x36: {  	[sflag:s17] =	ssyncadd.s32 $0xFFFFD800  }
0x37: {  	[tilespmem:s21], [sflag:$0x2] =	stream.linear.gather [hbm4b:s11+s25], $0x2800, $0x38;
	[tilespmem:$0x1C880] =	vst v63  }
0x38: {  	_ =	swait.ge [sflag:s17], $0x2800  }
0x39: {  	[sflag:s17] =	ssyncset.done $0x0  }
0x3a: {  	s30 =	simm.s32 $0x0;
	[sflag:s17] =	ssyncadd.s32 $0xFFFFD800  }
0x3b: {  	[tilespmem:s23], [sflag:$0x1] =	stream.indirect.gather [hbm4b:s4+s22], $0x80, s30, s22, $0xb8;
	[tilespmem:$0x1C880] =	vst v63  }
0x3c: {  	_ =	swait.ge [sflag:s24], $0x3E80  }
0x3d: {  	[sflag:s24] =	ssyncset.done $0x0  }
0x3e: {  	s31 =	simm.s32 $0x2800;
	[sflag:s24] =	ssyncadd.s32 $0xFFFFC180  }
0x3f: {  	[spmem:s2] =	stream.indirect.scatter.add.f32 [tilespmem:s23], [sflag:$0x2], $0x80, s31, s22, $0xb8;
	[tilespmem:$0x1C880] =	vst v63  }
0x40: {  	_ =	swait.ge [sflag:s17], $0x3E80  }
0x41: {  	s26 =	simm.s32 $0x400;
	s25 =	simm.s32 $0x200;
	[sflag:s17] =	ssyncset.done $0x0  }
.LBB2_8:
0x42: {  	s28 =	sshra.s32 s25, $0x2  }
0x43: {  	[sflag:s17] =	ssyncadd.s32 $0xFFFFC180;
	s25 =	smov.u32 s26;
	s29 =	sadd.s32 $0x200, s26  }
0x44: {  	[tilespmem:s23], [sflag:$0x1] =	stream.indirect.gather [hbm4b:s4+s22], $0x80, s28, s22, $0xb8;
	[tilespmem:$0x1C880] =	vst v63  }
0x45: {  	p6 =	sne.s32 s26, $0x9E00;
	_ =	swait.ge [sflag:s24], $0x3E80  }
.Ltmp5:
0x46: {  	[sflag:s24] =	ssyncset.done $0x0;
	(pc) =	sbr.rel @p6 .LBB2_8-.Ltmp5, $4  }
0x47: {  	s26 =	sadd.s32 $0x2800, s28;
	[sflag:s24] =	ssyncadd.s32 $0xFFFFC180  }
0x48: {  	[spmem:s2] =	stream.indirect.scatter.add.f32 [tilespmem:s23], [sflag:$0x2], $0x80, s26, s22, $0xb8;
	[tilespmem:$0x1C880] =	vst v63  }
0x49: {  	_ =	swait.ge [sflag:s17], $0x3E80  }
0x4a: {  	s26 =	smov.u32 s29;
	[sflag:s17] =	ssyncset.done $0x0  }
0x4b: {  	s25 =	sshra.s32 s25, $0x2;
	[sflag:s17] =	ssyncadd.s32 $0xFFFFC180  }
0x4c: {  	[tilespmem:s23], [sflag:$0x1] =	stream.indirect.gather [hbm4b:s4+s22], $0x80, s25, s22, $0xb8;
	[tilespmem:$0x1C880] =	vst v63  }
0x4d: {  	_ =	swait.ge [sflag:s24], $0x3E80  }
0x4e: {  	[sflag:s24] =	ssyncset.done $0x0  }
0x4f: {  	s25 =	sadd.s32 $0x2800, s25;
	[sflag:s24] =	ssyncadd.s32 $0xFFFFC180  }
0x50: {  	[spmem:s2] =	stream.indirect.scatter.add.f32 [tilespmem:s23], [sflag:$0x2], $0x80, s25, s22, $0xb8;
	[tilespmem:$0x1C880] =	vst v63  }
0x51: {  	_ =	swait.ge [sflag:s17], $0x3E80  }
0x52: {  	[sflag:s17] =	ssyncset.done $0x0  }
0x53: {  	s25 =	sshll.u32 @!p0 s0, $0x6;
	[sflag:s17] =	ssyncadd.s32 $0xFFFFC180  }
0x54: {  	s26 =	sshrl.u32 @!p0 s7, $0x3;
	s25 =	sor.u32 @!p0 $0x1C02, s25;
	[bflag:$0x0] =	sbarrier.arrive $0xFFFF  }
0x55: {  	[hbm:s12], [sflag:s25] =	dma.local @!p0 [spmem:s26], $0x2800  }
0x56: {  	s25 =	simm.s32 @!p0 $0x2  }
0x57: {  	s3 =	sadd.s32 $0x1, s3;
	_ =	swait.ge @!p0 [sflag:s25], $0x2800  }
0x58: {  	p6 =	sne.s32 s3, s14;
	s26 =	sshll.u32 @p5 s0, $0x6;
	[sflag:s25] =	ssyncset.done @!p0 $0x0  }
0x59: {  	[sflag:s25] =	ssyncadd.s32 @!p0 $0xFFFFD800;
	s25 =	sor.u32 @p5 $0x1C02, s26;
	s26 =	sshrl.u32 @p5 s6, $0x3  }
0x5a: {  	[hbm:s13], [sflag:s25] =	dma.local @p5 [spmem:s26], $0x1900  }
.Ltmp6:
0x5b: {  	_ = 	snop;
	(pc) =	sbr.rel @p6 .LBB2_1-.Ltmp6, $4  }
0x5c: {  	s25 =	simm.s32 @p5 $0x2  }
0x5d: {  	_ =	swait.ge @p5 [sflag:s25], $0x1900  }
0x5e: {  	[sflag:s25] =	ssyncset.done @p5 $0x0  }
0x5f: {  	[sflag:s25] =	ssyncadd.s32 @p5 $0xFFFFE700  }
0x60: {  	_ =	sfence.sel $0x180000  }
0x61: {  	[bflag:$0x0] =	sbarrier.arrive $0xFFFF  }
0x62: {  	p0 =	sne.s32 s0, $0x0;
	_ =	strace $0x90000050  }
0x63: {  	s0 =	sadd.s32 @!p0 $0x100000, s1;
	[bflag:$0x2] =	sbarrier.arrive $0xFFFF  }
0x64: {  	[sflag:s0] =	ssyncadd.tile.s32 @!p0 $0x1;
	_ =	shalt  }
.Lfunc_end2:
_tile_overlayer_lowered:
.L_overlay_start_2:
0x65: {  	(tag) =	ssettag $0x2  }
0x66: {  	s0 =	rddreg [dreg:$0x0];
	s2 =	stileid.u32  }
0x67: {  	s1 =	rddreg [dreg:$0x1];
	p0 =	sne.s32 s2, $0x0  }
0x68: {  	s3 =	rddreg [dreg:$0x2];
	[bflag:$0x3] =	sbarrier.arrive $0xFFFF;
	s2 =	simm.s32 @!p0 $0x1C02  }
0x69: {  	[timem:s3], [sflag:s2] =	dma.local @!p0 [hbm:s0], s1  }
0x6a: {  	s0 =	simm.s32 @!p0 $0x2  }
0x6b: {  	_ =	swait.ge @!p0 [sflag:s0], s1  }
0x6c: {  	s1 =	ssub.s32 @!p0 $0x0, s1;
	[sflag:s0] =	ssyncset.done @!p0 $0x0  }
0x6d: {  	[sflag:s0] =	ssyncadd.s32 @!p0 s1  }
0x6e: {  	[bflag:$0x3] =	sbarrier.arrive $0xFFFF  }
0x6f: {  	_ =	shalt  }

// kernel: kernel.25.cloned.1.call-start
scs
__scs_entry_jumppad:
0x0: {  	(pc) =	sbr.rel $0x88, $3  }
0x1: {  	(tag) =	ssettag $0x0;
	lr =	simm.s32 $0x1  }
0x2: {  	[smem:$0x3F89] =	sst lr;
	_ =	strace $0xD0000000  }
0x3: {  	_ = 	snop  }
0x4: {  	_ = 	snop  }
0x5: {  	_ = 	snop  }
0x6: {  	_ = 	snop  }
0x7: {  	_ = 	snop  }
__scs_overlays_trampoline_lowered:
0x8: {  	[smem:$0x3F98] =	sst s0  }
0x9: {  	[smem:$0x3F99] =	sst s1  }
0xa: {  	[smem:$0x3F9A] =	sst s2  }
0xb: {  	[smem:$0x3F9B] =	sst s3  }
0xc: {  	[smem:$0x3F9C] =	sst s4  }
0xd: {  	[smem:$0x3F9D] =	sst s5  }
0xe: {  	[smem:$0x3F9E] =	sst s6  }
0xf: {  	[smem:$0x3F9F] =	sst s7  }
0x10: {  	[smem:$0x3FA0] =	sst s8  }
0x11: {  	[smem:$0x3FA1] =	sst s9;
	s0 =	simm.s32 @!p0 $0x0  }
0x12: {  	s1 =	sld [smem:$0x3F87];
	s0 =	simm.s32 @p0 $0x1  }
0x13: {  	[smem:$0x3FA2] =	sst s0;
	s0 =	simm.s32 @!p1 $0x0  }
0x14: {  	s2 =	sld [smem:$0x3F86];
	s0 =	simm.s32 @p1 $0x1  }
0x15: {  	[smem:$0x3FA3] =	sst s0;
	s0 =	simm.s32 @!p2 $0x0  }
0x16: {  	s3 =	sld [smem:$0x3FDB];
	s0 =	simm.s32 @p2 $0x1  }
0x17: {  	s4 =	simm.s32 $0x1BF5;
	[smem:$0x3FA5] =	sst s0  }
0x18: {  	s0 =	sld [smem:$0x3F88];
	_ =	swait.ge [sflag:s4], $0x0  }
0x19: {  	s7 =	sld [smem:$0x3F89]  }
0x1a: {  	s8 =	sadd.s32 $0xFFFFE003, lr  }
0x1b: {  	s9 =	sadd.s32 $0xFFFFFEF7, lr;
	s5 =	simm.s32 $0xFFFFFFFF;
	p2 =	slt.u32 s8, $0xFFFFF086  }
0x1c: {  	p1 =	slt.u32 s9, $0xF7A;
	s5 =	simm.s32 @!p2 $0x0  }
0x1d: {  	s5 =	simm.s32 @p1 $0x1;
	p0 =	seq.s32 s7, s2  }
0x1e: {  	s7 =	smul.u32 @!p0 $0xF7A, s2;
	p2 =	seq.s32 @!p0 s5, $0x0  }
0x1f: {  	s9 =	smul.u32 $0xF7A, s1;
	s8 =	simm.s32 @!p0 $0x1BF5;
	p2 =	por !p2, p0  }
0x20: {  	[sflag:s8] =	ssyncset.s32 @!p0 $0xFFFFF086;
	s6 =	sadd.s32 @!p0 s3, s7;
	s7 =	simm.s32 @!p0 $0x108  }
0x21: {  	s3 =	sadd.s32 s3, s9;
	s6 =	sadd.s32 @!p0 $0x88, s6;
	s7 =	simm.s32 @p2 $0x1082  }
0x22: {  	[simem:s7], [sflag:s8] =	dma.local @!p0 [hbm:s6], $0xF7A  }
0x23: {  	s9 =	sor.u32 $0xD0000000, s2;
	s6 =	simm.s32 $0x108;
	_ =	swait.ge @!p0 [sflag:s8], $0x0  }
0x24: {  	s3 =	sadd.s32 $0x88, s3;
	s6 =	simm.s32 @!p1 $0x1082;
	[sflag:s4] =	ssyncset.s32 $0xFFFFF086  }
0x25: {  	[simem:s6], [sflag:s4] =	dma.local [hbm:s3], $0xF7A  }
0x26: {  	[smem:$0x3F89] =	sst s1;
	(tag) =	ssettag s2;
	_ =	strace s9  }
0x27: {  	s1 =	sld [smem:$0x3F99]  }
0x28: {  	s2 =	sld [smem:$0x3F9A]  }
0x29: {  	s4 =	sld [smem:$0x3F9C]  }
0x2a: {  	p0 =	seq.s32 s5, $0x0;
	s5 =	sld [smem:$0x3F9D]  }
0x2b: {  	s6 =	sld [smem:$0x3F9E]  }
0x2c: {  	s7 =	sld [smem:$0x3F9F]  }
0x2d: {  	s3 =	simm.s32 $0x108;
	s8 =	sld [smem:$0x3FA0]  }
0x2e: {  	s3 =	simm.s32 @!p0 $0x1082;
	s9 =	sld [smem:$0x3FA1]  }
0x2f: {  	lr =	sadd.s32 s0, s3;
	s0 =	sld [smem:$0x3F98]  }
0x30: {  	s3 =	sld [smem:$0x3F9B]  }
0x31: {  	[smem:$0x3FA4] =	sst s10  }
0x32: {  	s10 =	sld [smem:$0x3FA2];
	_ =	sdelay $0x3  }
0x33: {  	p0 =	seq.s32 s10, $0x1;
	s10 =	sld [smem:$0x3FA4];
	_ =	sdelay $0x3  }
0x34: {  	[smem:$0x3FA4] =	sst s10  }
0x35: {  	s10 =	sld [smem:$0x3FA3];
	_ =	sdelay $0x3  }
0x36: {  	p1 =	seq.s32 s10, $0x1;
	s10 =	sld [smem:$0x3FA4];
	_ =	sdelay $0x3  }
0x37: {  	[smem:$0x3FA4] =	sst s10  }
0x38: {  	s10 =	sld [smem:$0x3FA5]  }
0x39: {  	_ = 	snop;
	(pc) =	sbr.ind lr, $3  }
0x3a: {  	_ = 	snop  }
0x3b: {  	_ = 	snop  }
0x3c: {  	p2 =	seq.s32 s10, $0x1;
	s10 =	sld [smem:$0x3FA4]  }
0x3d: {  	_ =	shalt  }
0x3e: {  	_ =	shalt  }
0x3f: {  	_ =	shalt  }
0x40: {  	_ =	shalt  }
0x41: {  	_ =	shalt  }
0x42: {  	_ =	shalt  }
0x43: {  	_ =	shalt  }
0x44: {  	_ =	shalt  }
0x45: {  	_ =	shalt  }
0x46: {  	_ =	shalt  }
0x47: {  	_ =	shalt  }
0x48: {  	_ =	shalt  }
0x49: {  	_ =	shalt  }
0x4a: {  	_ =	shalt  }
0x4b: {  	_ =	shalt  }
0x4c: {  	_ =	shalt  }
0x4d: {  	_ =	shalt  }
0x4e: {  	_ =	shalt  }
0x4f: {  	_ =	shalt  }
0x50: {  	_ =	shalt  }
0x51: {  	_ =	shalt  }
0x52: {  	_ =	shalt  }
0x53: {  	_ =	shalt  }
0x54: {  	_ =	shalt  }
0x55: {  	_ =	shalt  }
0x56: {  	_ =	shalt  }
0x57: {  	_ =	shalt  }
0x58: {  	_ =	shalt  }
0x59: {  	_ =	shalt  }
0x5a: {  	_ =	shalt  }
0x5b: {  	_ =	shalt  }
0x5c: {  	_ =	shalt  }
0x5d: {  	_ =	shalt  }
0x5e: {  	_ =	shalt  }
0x5f: {  	_ =	shalt  }
0x60: {  	_ =	shalt  }
0x61: {  	_ =	shalt  }
0x62: {  	_ =	shalt  }
0x63: {  	_ =	shalt  }
0x64: {  	_ =	shalt  }
0x65: {  	_ =	shalt  }
0x66: {  	_ =	shalt  }
0x67: {  	_ =	shalt  }
0x68: {  	_ =	shalt  }
0x69: {  	_ =	shalt  }
0x6a: {  	_ =	shalt  }
0x6b: {  	_ =	shalt  }
0x6c: {  	_ =	shalt  }
0x6d: {  	_ =	shalt  }
0x6e: {  	_ =	shalt  }
0x6f: {  	_ =	shalt  }
0x70: {  	_ =	shalt  }
0x71: {  	_ =	shalt  }
0x72: {  	_ =	shalt  }
0x73: {  	_ =	shalt  }
0x74: {  	_ =	shalt  }
0x75: {  	_ =	shalt  }
0x76: {  	_ =	shalt  }
0x77: {  	_ =	shalt  }
0x78: {  	_ =	shalt  }
0x79: {  	_ =	shalt  }
0x7a: {  	_ =	shalt  }
0x7b: {  	_ =	shalt  }
0x7c: {  	_ =	shalt  }
0x7d: {  	_ =	shalt  }
0x7e: {  	_ =	shalt  }
0x7f: {  	_ =	shalt  }
0x80: {  	_ =	shalt  }
0x81: {  	_ =	shalt  }
0x82: {  	_ =	shalt  }
0x83: {  	_ =	shalt  }
0x84: {  	_ =	shalt  }
0x85: {  	_ =	shalt  }
0x86: {  	_ =	shalt  }
0x87: {  	_ =	shalt  }
.Lfunc_end0:
.L_simem_size_0:
called_computation.4_lowered:
.L_overlay_start_0:
0x88: {  	s2 =	sld [smem:$0x3FD9]  }
0x89: {  	s3 =	sld [smem:$0x3FFE];
	_ =	sdelay $0x1  }
0x8a: {  	s1 =	srdreg.scid  }
0x8b: {  	s0 =	sand.u32 $0x1, s1  }
0x8c: {  	s16 =	sshll.u32 s0, $0xA;
	s2 =	sadd.s32 s3, s2  }
0x8d: {  	s2 =	sadd.s32 s2, s16  }
0x8e: {  	[smem:$0x3FB0] =	sst s2  }
0x8f: {  	_ = 	snop  }
0x90: {  	(tm) =	ssettm $0x1  }
0x91: {  	s17 =	sld [smem:$0x3FFB];
	_ =	sdelay $0x3  }
0x92: {  	_ =	strace s17  }
0x93: {  	s2 =	sld [smem:$0x3FFC];
	_ =	sdelay $0x3  }
0x94: {  	_ =	strace s2  }
0x95: {  	s2 =	sld [smem:$0x3FFD];
	_ =	sdelay $0x3  }
0x96: {  	_ =	strace s2  }
0x97: {  	_ =	strace $0x8FFFFFFF  }
0x98: {  	s18 =	sld [smem:$0x3FDB];
	_ =	sdelay $0x1  }
0x99: {  	s19 =	simm.s32 $_scs_section_size  }
0x9a: {  	s4 =	simm.s32 $_size__tile_overlayer_lowered;
	s5 =	simm.s32 $_tile_overlayer_lowered  }
0x9b: {  	s22 =	simm.s32 $0x1BFF;
	s21 =	sshll.u32 s5, $0x1;
	s2 =	sadd.s32 s19, s18  }
0x9c: {  	s6 =	simm.s32 $0x0;
	s20 =	sshll.u32 s4, $0x1;
	s4 =	sadd.s32 s21, s2  }
0x9d: {  	[timem:s6], [sflag:s22] =	dma.local [hbm:s4], s20  }
0x9e: {  	_ =	swait.ge [sflag:s22], s20  }
0x9f: {  	s3 =	ssub.s32 $0x0, s20;
	[sflag:s22] =	ssyncset.done $0x0  }
0xa0: {  	[sflag:s22] =	ssyncadd.s32 s3;
	_ =	sdelay $0x1  }
0xa1: {  	s23 =	simm.s32 $0x1B8B  }
0xa2: {  	_ =	swait.ge [sflag:s23], $0x1  }
0xa3: {  	[sflag:s23] =	ssyncset.done $0x0  }
0xa4: {  	s25 =	simm.s32 $0x1B8E;
	s24 =	sld [smem:$0x3FFE];
	[sflag:s23] =	ssyncadd.s32 $0xFFFFFFFF  }
0xa5: {  	s26 =	simm.s32 $execute0_lowered;
	[smem:$0x3FD2] =	sst s25  }
0xa6: {  	s4 =	sshll.u32 s26, $0x1;
	_ =	strace $0x80000052;
	[dreg:$0x1] =	wrdreg $0xFFFFFFFF  }
0xa7: {  	s28 =	simm.s32 $_size_execute0_lowered;
	s2 =	sadd.s32 s2, s4;
	[dreg:$0x0] =	wrdreg $0x0  }
0xa8: {  	s4 =	sshll.u32 s28, $0x1;
	[dreg:$0x2] =	wrdreg s2  }
0xa9: {  	[dreg:$0x3] =	wrdreg s4  }
0xaa: {  	[dreg:$0x4] =	wrdreg $0xC0  }
0xab: {  	_ =	task [dreg:s6], $0x5FFFF  }
0xac: {  	[dreg:$0x1] =	wrdreg $0xFFFFFFFF  }
0xad: {  	[dreg:$0x0] =	wrdreg $0x60  }
0xae: {  	[dreg:$0x2] =	wrdreg s24  }
0xaf: {  	[dreg:$0x3] =	wrdreg $0x90000  }
0xb0: {  	[dreg:$0x4] =	wrdreg $0x9  }
0xb1: {  	_ =	task.clear_ibuf [dreg:s6], $0x5FFFF;
	_ =	strace $0x90000052  }
0xb2: {  	s29 =	simm.s32 $0x9;
	_ =	strace $0x80000054  }
0xb3: {  	_ =	swait.ge [sflag:s29], $0x1  }
0xb4: {  	[sflag:s29] =	ssyncadd.s32 $0xFFFFFFFF  }
0xb5: {  	_ =	strace $0x90000054  }
0xb6: {  	_ =	sfence  }
0xb7: {  	s30 =	sld [smem:$0x0];
	_ =	sdelay $0x2  }
0xb8: {  	s31 =	sshll.u32 s1, $0xD;
	s1 =	sshrl.u32 s1, $0x2  }
0xb9: {  	s3 =	sand.u32 $0x4000, s31;
	s1 =	sadd.s32 s1, s30  }
0xba: {  	s0 =	sor.u32 s3, s0;
	s1 =	sshll.u32 s1, $0x11  }
0xbb: {  	s0 =	sor.u32 s1, s0  }
0xbc: {  	s0 =	sadd.s32 $0x8F2B, s0  }
0xbd: {  	[sflag:s0] =	ssyncadd.remote.s32 $0x1  }
0xbe: {  	_ =	sfence.sel $0xFFFF  }
0xbf: {  	[dreg:$0x0] =	wrdreg $0xFFFFFFFF;
	(pc) =	sbr.abs _section_cstart, $3  }
0xc0: {  	[dreg:$0x1] =	wrdreg $0xFFFFFFFF  }
0xc1: {  	_ =	task.clear_ibuf [dreg:s6], $0x2FFFF;
	_ =	strace $0x9FFFFFFF  }
0xc2: {  	(tm) =	ssettm $0x7FFFFFFF  }
0xc3: {  	_ =	shalt  }
tec
execute0_lowered:
.L_overlay_start_1:
0x0: {  	(tag) =	ssettag $0x1  }
0x1: {  	s0 =	srdreg.scid;
	s6 =	rddreg [dreg:$0x0]  }
0x2: {  	s2 =	rddreg [dreg:$0x1];
	s3 =	simm.s32 $0x0;
	s17 =	simm.s32 $0x2  }
0x3: {  	s21 =	simm.s32 $0x2800;
	s22 =	simm.s32 $0x7D;
	s23 =	simm.s32 $0x5000  }
0x4: {  	s24 =	simm.s32 $0x1;
	s7 =	sand.u32 $0x1, s0;
	s0 =	stileid.u32  }
0x5: {  	[smem:$0x7FF] =	sst s3;
	s12 =	sadd.s32 $0x8E400, s6;
	s30 =	smul.u32 $0x50000, s0  }
0x6: {  	s1 =	sshll.u32 s7, $0x4;
	s29 =	ssub.s32 $0x2, s7;
	s9 =	smul.u32 $0x2800, s0  }
0x7: {  	p2 =	seq.s32 s7, $0x0;
	p4 =	sne.s32 s0, $0xF;
	s13 =	smul.u32 $0x138800, s7  }
0x8: {  	p0 =	seq.s32 s0, $0xF;
	p3 =	seq.s32 s7, $0x1;
	s15 =	smul.u32 $0x14000, s0  }
0x9: {  	s31 =	sshll.u32 s0, $0x6;
	s4 =	sor.u32 s0, s1;
	s1 =	rddreg [dreg:$0x2]  }
0xa: {  	_ =	strace $0x80000053;
	s8 =	sshrl.u32 s29, $0x1;
	p1 =	por !p2, !p4  }
0xb: {  	p2 =	por !p2, !p0;
	p4 =	por !p4, !p3;
	s5 =	smul.u32 $0x500, s4  }
0xc: {  	s4 =	sadd.s32 $0xF000, s6;
	s14 =	ssub.s32 s29, s8;
	p1 =	por !p1, !p1  }
0xd: {  	p2 =	por !p2, !p2;
	s8 =	sshrl.u32 s30, $0x2;
	p4 =	por !p4, !p4  }
0xe: {  	s15 =	sadd.s32 s15, s13;
	s13 =	sshrl.u32 s13, $0x3;
	s7 =	sadd.s32 s8, s2  }
0xf: {  	s8 =	sadd.s32 s4, s9;
	s15 =	sshrl.u32 s15, $0x3;
	s13 =	sadd.s32 s12, s13  }
0x10: {  	s14 =	smax.u32 s14, $0x1;
	s18 =	sshll.u32 @p4 s0, $0x6;
	s11 =	sadd.s32 s5, s6  }
0x11: {  	s5 =	sadd.s32 $0x36200, s6;
	s6 =	sadd.s32 $0x12C000, s2;
	s12 =	sadd.s32 s12, s15  }
0x12: {  	s13 =	sadd.s32 $0x25800, s13;
	s15 =	sor.u32 $0x1C02, s31;
	s16 =	sshrl.u32 s7, $0x3  }
0x13: {  	s18 =	sor.u32 @p4 $0x1C02, s18;
	s19 =	sshrl.u32 @p4 s7, $0x3;
	s9 =	sadd.s32 s5, s9  }
0x14: {  	s10 =	sadd.s32 $0x84400, s11;
	s11 =	sadd.s32 $0x5000, s11;
	s20 =	sshrl.u32 s6, $0x3  }
.LBB2_1:
.Ltmp0:
0x15: {  	(pc) =	sbr.rel @!p1 .LBB2_4-.Ltmp0, $1  }
0x16: {  	_ =	sdelay $0x3  }
.Ltmp1:
0x17: {  	(pc) =	sbr.rel .LBB2_3-.Ltmp1, $4  }
0x18: {  	[spmem:s16], [sflag:s15] =	dma.local [hbm:s8], $0x2800  }
0x19: {  	_ =	swait.ge [sflag:s17], $0x2800  }
0x1a: {  	[sflag:s17] =	ssyncset.done $0x0  }
0x1b: {  	p5 =	por $0x0, $0x0;
	[sflag:s17] =	ssyncadd.s32 $0xFFFFD800  }
.LBB2_4:
.Ltmp2:
0x1c: {  	(pc) =	sbr.rel @!p2 .LBB2_3-.Ltmp2, $2  }
0x1d: {  	_ =	sdelay $0x2  }
0x1e: {  	p5 =	por p0, p0  }
.Ltmp3:
0x1f: {  	(pc) =	sbr.rel .LBB2_6-.Ltmp3, $2  }
0x20: {  	_ =	sdelay $0x2  }
0x21: {  	p5 =	por $0x1, $0x1;
	s26 =	simm.s32 $0xF;
	s25 =	smov.u32 s4  }
.LBB2_3:
0x22: {  	[spmem:s19], [sflag:s18] =	dma.local @p4 [hbm:s9], $0x2800  }
0x23: {  	p6 =	por @p4 $0x1, $0x1  }
0x24: {  	p6 =	por @!p4 p3, p3  }
0x25: {  	p6 =	por !p6, !p5  }
0x26: {  	p6 =	por !p6, !p6  }
.Ltmp4:
0x27: {  	_ = 	snop;
	(pc) =	sbr.rel @!p6 .LBB2_7-.Ltmp4, $4  }
0x28: {  	s25 =	simm.s32 @p4 $0x2  }
0x29: {  	_ =	swait.ge @p4 [sflag:s25], $0x2800  }
0x2a: {  	[sflag:s25] =	ssyncset.done @p4 $0x0  }
0x2b: {  	s26 =	stileid.u32;
	[sflag:s25] =	ssyncadd.s32 @p4 $0xFFFFD800;
	s25 =	smov.u32 s5  }
.LBB2_6:
0x2c: {  	s26 =	sshll.u32 s26, $0x6  }
0x2d: {  	s25 =	sadd.s32 $0x25800, s25;
	s26 =	sor.u32 $0x1C02, s26  }
0x2e: {  	[spmem:s20], [sflag:s26] =	dma.local [hbm:s25], $0x1900  }
0x2f: {  	_ =	swait.ge [sflag:s17], $0x1900  }
0x30: {  	[sflag:s17] =	ssyncset.done $0x0  }
0x31: {  	[sflag:s17] =	ssyncadd.s32 $0xFFFFE700  }
.LBB2_7:
0x32: {  	[bflag:$0x0] =	sbarrier.arrive $0xFFFF;
	s25 =	simm.s32 $0x0  }
0x33: {  	[tilespmem:s25], [sflag:$0x2] =	stream.linear.gather [hbm4b:s10+s25], $0x2800, $0x38;
	[tilespmem:$0x1C880] =	vst v63  }
0x34: {  	_ =	swait.ge [sflag:s17], $0x2800  }
0x35: {  	[sflag:s17] =	ssyncset.done $0x0  }
0x36: {  	[sflag:s17] =	ssyncadd.s32 $0xFFFFD800  }
0x37: {  	[tilespmem:s21], [sflag:$0x2] =	stream.linear.gather [hbm4b:s11+s25], $0x2800, $0x38;
	[tilespmem:$0x1C880] =	vst v63  }
0x38: {  	_ =	swait.ge [sflag:s17], $0x2800  }
0x39: {  	[sflag:s17] =	ssyncset.done $0x0  }
0x3a: {  	s30 =	simm.s32 $0x0;
	[sflag:s17] =	ssyncadd.s32 $0xFFFFD800  }
0x3b: {  	[tilespmem:s23], [sflag:$0x1] =	stream.indirect.gather [hbm4b:s4+s22], $0x80, s30, s22, $0xb8;
	[tilespmem:$0x1C880] =	vst v63  }
0x3c: {  	_ =	swait.ge [sflag:s24], $0x3E80  }
0x3d: {  	[sflag:s24] =	ssyncset.done $0x0  }
0x3e: {  	s31 =	simm.s32 $0x2800;
	[sflag:s24] =	ssyncadd.s32 $0xFFFFC180  }
0x3f: {  	[spmem:s2] =	stream.indirect.scatter.add.f32 [tilespmem:s23], [sflag:$0x2], $0x80, s31, s22, $0xb8;
	[tilespmem:$0x1C880] =	vst v63  }
0x40: {  	_ =	swait.ge [sflag:s17], $0x3E80  }
0x41: {  	s26 =	simm.s32 $0x400;
	s25 =	simm.s32 $0x200;
	[sflag:s17] =	ssyncset.done $0x0  }
.LBB2_8:
0x42: {  	s28 =	sshra.s32 s25, $0x2  }
0x43: {  	[sflag:s17] =	ssyncadd.s32 $0xFFFFC180;
	s25 =	smov.u32 s26;
	s29 =	sadd.s32 $0x200, s26  }
0x44: {  	[tilespmem:s23], [sflag:$0x1] =	stream.indirect.gather [hbm4b:s4+s22], $0x80, s28, s22, $0xb8;
	[tilespmem:$0x1C880] =	vst v63  }
0x45: {  	p6 =	sne.s32 s26, $0x9E00;
	_ =	swait.ge [sflag:s24], $0x3E80  }
.Ltmp5:
0x46: {  	[sflag:s24] =	ssyncset.done $0x0;
	(pc) =	sbr.rel @p6 .LBB2_8-.Ltmp5, $4  }
0x47: {  	s26 =	sadd.s32 $0x2800, s28;
	[sflag:s24] =	ssyncadd.s32 $0xFFFFC180  }
0x48: {  	[spmem:s2] =	stream.indirect.scatter.add.f32 [tilespmem:s23], [sflag:$0x2], $0x80, s26, s22, $0xb8;
	[tilespmem:$0x1C880] =	vst v63  }
0x49: {  	_ =	swait.ge [sflag:s17], $0x3E80  }
0x4a: {  	s26 =	smov.u32 s29;
	[sflag:s17] =	ssyncset.done $0x0  }
0x4b: {  	s25 =	sshra.s32 s25, $0x2;
	[sflag:s17] =	ssyncadd.s32 $0xFFFFC180  }
0x4c: {  	[tilespmem:s23], [sflag:$0x1] =	stream.indirect.gather [hbm4b:s4+s22], $0x80, s25, s22, $0xb8;
	[tilespmem:$0x1C880] =	vst v63  }
0x4d: {  	_ =	swait.ge [sflag:s24], $0x3E80  }
0x4e: {  	[sflag:s24] =	ssyncset.done $0x0  }
0x4f: {  	s25 =	sadd.s32 $0x2800, s25;
	[sflag:s24] =	ssyncadd.s32 $0xFFFFC180  }
0x50: {  	[spmem:s2] =	stream.indirect.scatter.add.f32 [tilespmem:s23], [sflag:$0x2], $0x80, s25, s22, $0xb8;
	[tilespmem:$0x1C880] =	vst v63  }
0x51: {  	_ =	swait.ge [sflag:s17], $0x3E80  }
0x52: {  	[sflag:s17] =	ssyncset.done $0x0  }
0x53: {  	s25 =	sshll.u32 @!p0 s0, $0x6;
	[sflag:s17] =	ssyncadd.s32 $0xFFFFC180  }
0x54: {  	s26 =	sshrl.u32 @!p0 s7, $0x3;
	s25 =	sor.u32 @!p0 $0x1C02, s25;
	[bflag:$0x0] =	sbarrier.arrive $0xFFFF  }
0x55: {  	[hbm:s12], [sflag:s25] =	dma.local @!p0 [spmem:s26], $0x2800  }
0x56: {  	s25 =	simm.s32 @!p0 $0x2  }
0x57: {  	s3 =	sadd.s32 $0x1, s3;
	_ =	swait.ge @!p0 [sflag:s25], $0x2800  }
0x58: {  	p6 =	sne.s32 s3, s14;
	s26 =	sshll.u32 @p5 s0, $0x6;
	[sflag:s25] =	ssyncset.done @!p0 $0x0  }
0x59: {  	[sflag:s25] =	ssyncadd.s32 @!p0 $0xFFFFD800;
	s25 =	sor.u32 @p5 $0x1C02, s26;
	s26 =	sshrl.u32 @p5 s6, $0x3  }
0x5a: {  	[hbm:s13], [sflag:s25] =	dma.local @p5 [spmem:s26], $0x1900  }
.Ltmp6:
0x5b: {  	_ = 	snop;
	(pc) =	sbr.rel @p6 .LBB2_1-.Ltmp6, $4  }
0x5c: {  	s25 =	simm.s32 @p5 $0x2  }
0x5d: {  	_ =	swait.ge @p5 [sflag:s25], $0x1900  }
0x5e: {  	[sflag:s25] =	ssyncset.done @p5 $0x0  }
0x5f: {  	[sflag:s25] =	ssyncadd.s32 @p5 $0xFFFFE700  }
0x60: {  	_ =	sfence.sel $0x180000  }
0x61: {  	[bflag:$0x0] =	sbarrier.arrive $0xFFFF  }
0x62: {  	p0 =	sne.s32 s0, $0x0;
	_ =	strace $0x90000053  }
0x63: {  	s0 =	sadd.s32 @!p0 $0x100000, s1;
	[bflag:$0x2] =	sbarrier.arrive $0xFFFF  }
0x64: {  	[sflag:s0] =	ssyncadd.tile.s32 @!p0 $0x1;
	_ =	shalt  }
.Lfunc_end2:
_tile_overlayer_lowered:
.L_overlay_start_2:
0x65: {  	(tag) =	ssettag $0x2  }
0x66: {  	s0 =	rddreg [dreg:$0x0];
	s2 =	stileid.u32  }
0x67: {  	s1 =	rddreg [dreg:$0x1];
	p0 =	sne.s32 s2, $0x0  }
0x68: {  	s3 =	rddreg [dreg:$0x2];
	[bflag:$0x3] =	sbarrier.arrive $0xFFFF;
	s2 =	simm.s32 @!p0 $0x1C02  }
0x69: {  	[timem:s3], [sflag:s2] =	dma.local @!p0 [hbm:s0], s1  }
0x6a: {  	s0 =	simm.s32 @!p0 $0x2  }
0x6b: {  	_ =	swait.ge @!p0 [sflag:s0], s1  }
0x6c: {  	s1 =	ssub.s32 @!p0 $0x0, s1;
	[sflag:s0] =	ssyncset.done @!p0 $0x0  }
0x6d: {  	[sflag:s0] =	ssyncadd.s32 @!p0 s1  }
0x6e: {  	[bflag:$0x3] =	sbarrier.arrive $0xFFFF  }
0x6f: {  	_ =	shalt  }

</sc_bundles>
